<compile_context>
chip_gen: v7x
topology: tpu7x:2x2x1
jax: 0.10.2.dev20260603
libtpu: 0.0.44.dev20260713+nightly
codegen_flags: <defaults>
</compile_context>

<pallas_src>
import functools

import jax
import jax.numpy as jnp
from jax import lax
from jax.experimental import pallas as pl
from jax.experimental.pallas import tpu as pltpu
from jax.experimental.pallas import tpu_sc as plsc

N = 10000
E = 320000
D = 128
H = 32
C = 10
G = 64
BN_EPS = 1e-5

NC, NS = 2, 16
NW = NC * NS
CH = 128
NCH = 80
EW = NCH * CH
E_PAD = NW * EW
N_PAD = 10240
RPT = N_PAD // NS
WR = N_PAD // 4
WREAL = N // 4
GR = 8
NGRP = NCH // GR


def _segment_sum_sc(p, src2d, dst2d, zrows):
    mesh = plsc.VectorSubcoreMesh(
        core_axis_name="c", subcore_axis_name="s", num_cores=NC, num_subcores=NS
    )

    @functools.partial(
        pl.kernel,
        out_type=jax.ShapeDtypeStruct((NC, N_PAD, H), jnp.float32),
        mesh=mesh,
        compiler_params=pltpu.CompilerParams(use_tc_tiling_on_sc=False),
        scratch_types=[
            pltpu.VMEM((NGRP, GR * CH), jnp.int32),
            pltpu.VMEM((NGRP, GR * CH), jnp.int32),
            pltpu.VMEM((2, GR * CH, H), jnp.float32),
            pltpu.VMEM_SHARED((N_PAD, H), jnp.float32),
            pltpu.VMEM_SHARED((N_PAD, H), jnp.float32),
            pltpu.SemaphoreType.DMA,
            pltpu.SemaphoreType.DMA,
        ],
    )
    def seg_kernel(p_hbm, src_hbm, dst_hbm, z_hbm, out_hbm,
                   src_v, dst_v, rows_v, acc, p_sp, gsem, ssem):
        c = lax.axis_index("c")
        s = lax.axis_index("s")
        w = c * NS + s
        d0 = pltpu.async_copy(z_hbm.at[pl.ds(s * RPT, RPT)],
                              acc.at[pl.ds(s * RPT, RPT)], ssem)
        d1 = pltpu.async_copy(p_hbm.at[pl.ds(s * RPT, RPT)],
                              p_sp.at[pl.ds(s * RPT, RPT)], ssem)
        d2 = pltpu.async_copy(src_hbm.at[pl.ds(w * NGRP, NGRP)], src_v, ssem)
        d3 = pltpu.async_copy(dst_hbm.at[pl.ds(w * NGRP, NGRP)], dst_v, ssem)
        d0.wait()
        d1.wait()
        d2.wait()
        d3.wait()
        plsc.subcore_barrier()

        pltpu.async_copy(p_sp.at[src_v.at[0]], rows_v.at[0], gsem)

        @pl.loop(0, NGRP)
        def _(g):
            par = lax.rem(g, 2)
            pltpu.make_async_copy(p_sp.at[src_v.at[0]],
                                  rows_v.at[par], gsem).wait()
            @pl.when(g >= 1)
            def _():
                pltpu.make_async_copy(rows_v.at[1 - par],
                                      acc.at[dst_v.at[0]], ssem).wait()

            @pl.when(g + 1 < NGRP)
            def _():
                pltpu.async_copy(p_sp.at[src_v.at[g + 1]],
                                 rows_v.at[1 - par], gsem)

            pltpu.async_copy(rows_v.at[par], acc.at[dst_v.at[g]], ssem,
                             add=True)

        pltpu.make_async_copy(rows_v.at[(NGRP - 1) % 2],
                              acc.at[dst_v.at[0]], ssem).wait()
        plsc.subcore_barrier()
        pltpu.sync_copy(acc.at[pl.ds(s * RPT, RPT)],
                        out_hbm.at[c, pl.ds(s * RPT, RPT)])

    return seg_kernel(p, src2d, dst2d, zrows)


def _proj_kernel(x_ref, w_ref, o_ref):
    o_ref[:N, :] = jnp.dot(x_ref[...], w_ref[...],
                           preferred_element_type=jnp.float32)
    o_ref[N:, :] = jnp.zeros((N_PAD - N, H), jnp.float32)


def _proj(x, w):
    return pl.pallas_call(
        _proj_kernel,
        out_shape=jax.ShapeDtypeStruct((N_PAD, w.shape[1]), jnp.float32),
    )(x, w)


def _blockdiag4(w):
    r = lax.broadcasted_iota(jnp.int32, (4 * H, 4 * H), 0)
    c = lax.broadcasted_iota(jnp.int32, (4 * H, 4 * H), 1)
    t = jnp.concatenate([jnp.concatenate([w] * 4, axis=0)] * 4, axis=1)
    return jnp.where(r // H == c // H, t, 0.0)


def _foldmat():
    r = lax.broadcasted_iota(jnp.int32, (4 * H, 4 * H), 0)
    c = lax.broadcasted_iota(jnp.int32, (4 * H, 4 * H), 1)
    return jnp.where(r % H == c % H, 0.25, 0.0)


def _tile4(v):
    return jnp.concatenate([v] * 4, axis=1)


def _gin_tail(m, w2, b2, gamma, beta):
    n = jax.nn.relu(
        jnp.dot(m, _blockdiag4(w2), preferred_element_type=jnp.float32)
        + _tile4(b2))
    fold = _foldmat()
    mask = lax.broadcasted_iota(jnp.int32, (WR, 1), 0) < WREAL
    nz = jnp.where(mask, n, 0.0)
    mu4 = jnp.sum(nz, axis=0, keepdims=True) * (1.0 / N * 4.0)
    mu = jnp.dot(mu4, fold, preferred_element_type=jnp.float32)
    d = n - mu
    dz = jnp.where(mask, d, 0.0)
    v4 = jnp.sum(dz * dz, axis=0, keepdims=True) * (1.0 / N * 4.0)
    var = jnp.dot(v4, fold, preferred_element_type=jnp.float32)
    return d * lax.rsqrt(var + BN_EPS) * _tile4(gamma) + _tile4(beta)


def _mid_kernel(p_ref, agg_ref, b1_ref, w2_ref, b2_ref, g_ref, be_ref,
                w1n_ref, o_ref):
    m = jax.nn.relu(p_ref[...] + agg_ref[0] + agg_ref[1] + _tile4(b1_ref[...]))
    h = _gin_tail(m, w2_ref[...], b2_ref[...], g_ref[...], be_ref[...])
    o_ref[...] = jnp.dot(h, _blockdiag4(w1n_ref[...]),
                         preferred_element_type=jnp.float32)


def _mid(p_w, agg_w, b1, w2, b2, gamma, beta, w1n):
    return pl.pallas_call(
        _mid_kernel,
        out_shape=jax.ShapeDtypeStruct((WR, 4 * H), jnp.float32),
    )(p_w, agg_w, b1, w2, b2, gamma, beta, w1n)


def _final_kernel(p_ref, agg_ref, b1_ref, w2_ref, b2_ref, g_ref, be_ref,
                  batchr_ref, fc1w_ref, fc1b_ref, fc2w_ref, fc2b_ref, o_ref):
    m = jax.nn.relu(p_ref[...] + agg_ref[0] + agg_ref[1] + _tile4(b1_ref[...]))
    h = _gin_tail(m, w2_ref[...], b2_ref[...], g_ref[...], be_ref[...])
    gid = lax.broadcasted_iota(jnp.int32, (1, G), 1)
    r = lax.broadcasted_iota(jnp.int32, (4 * H, H), 0)
    c = lax.broadcasted_iota(jnp.int32, (4 * H, H), 1)
    ones_col = jnp.ones((WR, 1), jnp.float32)
    sums = jnp.zeros((G, H), jnp.float32)
    cnts = jnp.zeros((G, 1), jnp.float32)
    for k in range(4):
        oh = (batchr_ref[:, k:k + 1] == gid).astype(jnp.float32)
        sel = jnp.where(r == c + k * H, 1.0, 0.0)
        hk = jnp.dot(h, sel, preferred_element_type=jnp.float32)
        sums = sums + lax.dot_general(oh, hk, (((0,), (0,)), ((), ())),
                                      preferred_element_type=jnp.float32)
        cnts = cnts + lax.dot_general(oh, ones_col,
                                      (((0,), (0,)), ((), ())),
                                      preferred_element_type=jnp.float32)
    pooled = sums / jnp.maximum(cnts, 1.0)
    z = jax.nn.relu(jnp.dot(pooled, fc1w_ref[...],
                            preferred_element_type=jnp.float32) + fc1b_ref[...])
    z = jnp.dot(z, fc2w_ref[...],
                preferred_element_type=jnp.float32) + fc2b_ref[...]
    shifted = z - jnp.max(z, axis=-1, keepdims=True)
    o_ref[...] = shifted - jnp.log(
        jnp.sum(jnp.exp(shifted), axis=-1, keepdims=True))


def _final(p_w, agg_w, b1, w2, b2, gamma, beta, batchr, fc1w, fc1b, fc2w,
           fc2b):
    return pl.pallas_call(
        _final_kernel,
        out_shape=jax.ShapeDtypeStruct((G, C), jnp.float32),
    )(p_w, agg_w, b1, w2, b2, gamma, beta, batchr, fc1w, fc1b, fc2w, fc2b)


def kernel(x, edge_index, batch,
           W1_0, b1_0, W2_0, b2_0, gamma_0, beta_0,
           W1_1, b1_1, W2_1, b2_1, gamma_1, beta_1,
           W1_2, b1_2, W2_2, b2_2, gamma_2, beta_2,
           W1_3, b1_3, W2_3, b2_3, gamma_3, beta_3,
           fc1_W, fc1_b, fc2_W, fc2_b):
    src = edge_index[0]
    dst = edge_index[1]
    pad = E_PAD - E
    grp = GR * CH
    src2d = jnp.concatenate(
        [src, jnp.zeros((pad,), jnp.int32)]).reshape(E_PAD // grp, grp)
    dst2d = jnp.concatenate(
        [dst, jnp.full((pad,), N, jnp.int32)]).reshape(E_PAD // grp, grp)
    zrows = jnp.zeros((N_PAD, H), jnp.float32)
    batchr = jnp.concatenate(
        [batch, jnp.full((N_PAD - N,), -1, jnp.int32)]).reshape(WR, 4)

    b1 = [v.reshape(1, H) for v in (b1_0, b1_1, b1_2, b1_3)]
    b2 = [v.reshape(1, H) for v in (b2_0, b2_1, b2_2, b2_3)]
    gam = [v.reshape(1, H) for v in (gamma_0, gamma_1, gamma_2, gamma_3)]
    bet = [v.reshape(1, H) for v in (beta_0, beta_1, beta_2, beta_3)]
    W1 = [W1_0, W1_1, W1_2, W1_3]
    W2 = [W2_0, W2_1, W2_2, W2_3]

    p_n = _proj(x, W1[0])
    p_w = p_n.reshape(WR, 4 * H)
    for l in range(3):
        agg = _segment_sum_sc(p_n, src2d, dst2d, zrows)
        agg_w = agg.reshape(NC, WR, 4 * H)
        p_w = _mid(p_w, agg_w, b1[l], W2[l], b2[l], gam[l], bet[l], W1[l + 1])
        p_n = p_w.reshape(N_PAD, H)
    agg = _segment_sum_sc(p_n, src2d, dst2d, zrows)
    agg_w = agg.reshape(NC, WR, 4 * H)
    return _final(p_w, agg_w, b1[3], W2[3], b2[3], gam[3], bet[3], batchr,
                  fc1_W, fc1_b.reshape(1, H), fc2_W, fc2_b.reshape(1, C))

# --- scband reference (transcript-rebuilt; emitter-appended) ---
"""Pipeline reference for scband-gin-graph-55095840473502 (READ-ONLY COPY).

The authoritative reference and input builder live on the scoring server;
editing this copy changes nothing except your own understanding.
"""

import jax, jax.numpy as jnp
import numpy as np

N = 10000
E = 320000
D = 128
H = 32
C = 10
G = 64
BN_EPS = 1e-5


def setup_inputs(seed: int = 0):
    key = jax.random.key(seed)
    ks = jax.random.split(key, 40)
    inp = {}
    inp["x"] = jax.random.normal(ks[0], (N, D), dtype=jnp.float32)
    inp["edge_index"] = jax.random.randint(ks[1], (2, E), 0, N, dtype=jnp.int32)
    inp["batch"] = jnp.sort(jax.random.randint(ks[2], (N,), 0, G, dtype=jnp.int32))
    dims = [D, H, H, H]
    for l in range(4):
        din = dims[l]
        inp[f"W1_{l}"] = jax.random.normal(ks[3 + 6 * l], (din, H), dtype=jnp.float32) * 0.05
        inp[f"b1_{l}"] = jnp.zeros((H,), dtype=jnp.float32)
        inp[f"W2_{l}"] = jax.random.normal(ks[4 + 6 * l], (H, H), dtype=jnp.float32) * 0.05
        inp[f"b2_{l}"] = jnp.zeros((H,), dtype=jnp.float32)
        inp[f"gamma_{l}"] = jnp.ones((H,), dtype=jnp.float32)
        inp[f"beta_{l}"] = jnp.zeros((H,), dtype=jnp.float32)
    inp["fc1_W"] = jax.random.normal(ks[30], (H, H), dtype=jnp.float32) * 0.05
    inp["fc1_b"] = jnp.zeros((H,), dtype=jnp.float32)
    inp["fc2_W"] = jax.random.normal(ks[31], (H, C), dtype=jnp.float32) * 0.05
    inp["fc2_b"] = jnp.zeros((C,), dtype=jnp.float32)
    return inp


def _forward(x, edge_index, batch, layer_params, fc1_W, fc1_b, fc2_W, fc2_b):
    src = edge_index[0]
    dst = edge_index[1]
    h = x
    for (W1, b1, W2, b2, gamma, beta) in layer_params:
        # GINConv with eps=0: MLP((1+eps)*x + sum_{j in N(i)} x_j)
        agg = jax.ops.segment_sum(h[src], dst, num_segments=N)
        m = h + agg
        m = jax.nn.relu(m @ W1 + b1)
        m = m @ W2 + b2
        # outer relu after conv
        m = jax.nn.relu(m)
        # BatchNorm1d (training-mode batch statistics, biased variance)
        mu = jnp.mean(m, axis=0)
        var = jnp.var(m, axis=0)
        h = (m - mu) / jnp.sqrt(var + BN_EPS) * gamma + beta
    # global_mean_pool over graph ids
    sums = jax.ops.segment_sum(h, batch, num_segments=G)
    cnts = jax.ops.segment_sum(jnp.ones((N, 1), dtype=h.dtype), batch, num_segments=G)
    pooled = sums / jnp.maximum(cnts, 1.0)
    z = jax.nn.relu(pooled @ fc1_W + fc1_b)
    # dropout is identity in eval mode
    z = z @ fc2_W + fc2_b
    return jax.nn.log_softmax(z, axis=-1)


def reference(x, edge_index, batch,
              W1_0, b1_0, W2_0, b2_0, gamma_0, beta_0,
              W1_1, b1_1, W2_1, b2_1, gamma_1, beta_1,
              W1_2, b1_2, W2_2, b2_2, gamma_2, beta_2,
              W1_3, b1_3, W2_3, b2_3, gamma_3, beta_3,
              fc1_W, fc1_b, fc2_W, fc2_b):
    layer_params = [
        (W1_0, b1_0, W2_0, b2_0, gamma_0, beta_0),
        (W1_1, b1_1, W2_1, b2_1, gamma_1, beta_1),
        (W1_2, b1_2, W2_2, b2_2, gamma_2, beta_2),
        (W1_3, b1_3, W2_3, b2_3, gamma_3, beta_3),
    ]
    return _forward(x, edge_index, batch, layer_params, fc1_W, fc1_b, fc2_W, fc2_b)

if __name__ == "__main__":
    import jax
    _d = setup_inputs()
    print(jax.jit(kernel)(*tuple(_d.values())))

</pallas_src>

<mosaic_0001>
#map = affine_map<(d0, d1) -> (0, 0)>
#map1 = affine_map<(d0, d1) -> (0, 0, 0)>
module attributes {stable_mosaic.version = 14 : i64} {
  func.func @seg_kernel(%arg0: i32, %arg1: i32, %arg2: memref<10240x32xf32, #tpu.memory_space<hbm>>, %arg3: memref<320x1024xi32, #tpu.memory_space<hbm>>, %arg4: memref<320x1024xi32, #tpu.memory_space<hbm>>, %arg5: memref<10240x32xf32, #tpu.memory_space<hbm>>, %arg6: memref<2x10240x32xf32, #tpu.memory_space<hbm>>, %arg7: memref<10x1024xi32, #tpu.memory_space<vmem>>, %arg8: memref<10x1024xi32, #tpu.memory_space<vmem>>, %arg9: memref<2x1024x32xf32, #tpu.memory_space<vmem>>, %arg10: memref<10240x32xf32, #tpu.memory_space<vmem_shared>>, %arg11: memref<10240x32xf32, #tpu.memory_space<vmem_shared>>, %arg12: memref<!tpu.dma_semaphore, #tpu.memory_space<semaphore_mem>>, %arg13: memref<!tpu.dma_semaphore, #tpu.memory_space<semaphore_mem>>) attributes {dimension_semantics = [#tpu.dimension_semantics<core_parallel>, #tpu.dimension_semantics<subcore_parallel>], iteration_bounds = array<i64: 2, 16>, scalar_prefetch = 0 : i64, scratch_operands = 7 : i64, tpu.core_type = #tpu.core_type<sc_vector_subcore>, window_params = [{transform_indices = #map}, {transform_indices = #map}, {transform_indices = #map}, {transform_indices = #map}, {transform_indices = #map1}]} {
    %mul3A = arith.constant 16 : i32
    %mul3A_0 = arith.muli %arg0, %mul3A : i32
    %add3A = arith.addi %mul3A_0, %arg1 : i32
    %mul3A_1 = arith.constant 640 : i32
    %mul3A_2 = arith.muli %arg1, %mul3A_1 : i32
    %mul3A_3 = arith.constant 640 : i32
    %mul3A_4 = arith.muli %arg1, %mul3A_3 : i32
    %dma_start3A = arith.constant 0 : i32
    %dma_start3A_5 = tpu.memref_slice %arg10[%mul3A_4, %dma_start3A] : memref<10240x32xf32, #tpu.memory_space<vmem_shared>> -> memref<640x32xf32, #tpu.memory_space<vmem_shared>>
    %dma_start3A_6 = arith.constant 0 : i32
    %dma_start3A_7 = tpu.memref_slice %arg5[%mul3A_2, %dma_start3A_6] : memref<10240x32xf32, #tpu.memory_space<hbm>> -> memref<640x32xf32, #tpu.memory_space<hbm>>
    tpu.enqueue_dma source(%dma_start3A_7 : memref<640x32xf32, #tpu.memory_space<hbm>>) target(%dma_start3A_5 : memref<640x32xf32, #tpu.memory_space<vmem_shared>>) target_semaphore(%arg13 : memref<!tpu.dma_semaphore, #tpu.memory_space<semaphore_mem>>)
    %mul3A_8 = arith.constant 640 : i32
    %mul3A_9 = arith.muli %arg1, %mul3A_8 : i32
    %mul3A_10 = arith.constant 640 : i32
    %mul3A_11 = arith.muli %arg1, %mul3A_10 : i32
    %dma_start3A_12 = arith.constant 0 : i32
    %dma_start3A_13 = tpu.memref_slice %arg11[%mul3A_11, %dma_start3A_12] : memref<10240x32xf32, #tpu.memory_space<vmem_shared>> -> memref<640x32xf32, #tpu.memory_space<vmem_shared>>
    %dma_start3A_14 = arith.constant 0 : i32
    %dma_start3A_15 = tpu.memref_slice %arg2[%mul3A_9, %dma_start3A_14] : memref<10240x32xf32, #tpu.memory_space<hbm>> -> memref<640x32xf32, #tpu.memory_space<hbm>>
    tpu.enqueue_dma source(%dma_start3A_15 : memref<640x32xf32, #tpu.memory_space<hbm>>) target(%dma_start3A_13 : memref<640x32xf32, #tpu.memory_space<vmem_shared>>) target_semaphore(%arg13 : memref<!tpu.dma_semaphore, #tpu.memory_space<semaphore_mem>>)
    %mul3A_16 = arith.constant 10 : i32
    %mul3A_17 = arith.muli %add3A, %mul3A_16 : i32
    %dma_start3A_18 = arith.constant 0 : i32
    %dma_start3A_19 = tpu.memref_slice %arg3[%mul3A_17, %dma_start3A_18] : memref<320x1024xi32, #tpu.memory_space<hbm>> -> memref<10x1024xi32, #tpu.memory_space<hbm>>
    %dma_start3A_20 = arith.constant 0 : i32
    %dma_start3A_21 = tpu.memref_slice %arg3[%mul3A_17, %dma_start3A_20] : memref<320x1024xi32, #tpu.memory_space<hbm>> -> memref<10x1024xi32, #tpu.memory_space<hbm>>
    tpu.enqueue_dma source(%dma_start3A_21 : memref<10x1024xi32, #tpu.memory_space<hbm>>) target(%arg7 : memref<10x1024xi32, #tpu.memory_space<vmem>>) target_semaphore(%arg13 : memref<!tpu.dma_semaphore, #tpu.memory_space<semaphore_mem>>)
    %mul3A_22 = arith.constant 10 : i32
    %mul3A_23 = arith.muli %add3A, %mul3A_22 : i32
    %dma_start3A_24 = arith.constant 0 : i32
    %dma_start3A_25 = tpu.memref_slice %arg4[%mul3A_23, %dma_start3A_24] : memref<320x1024xi32, #tpu.memory_space<hbm>> -> memref<10x1024xi32, #tpu.memory_space<hbm>>
    %dma_start3A_26 = arith.constant 0 : i32
    %dma_start3A_27 = tpu.memref_slice %arg4[%mul3A_23, %dma_start3A_26] : memref<320x1024xi32, #tpu.memory_space<hbm>> -> memref<10x1024xi32, #tpu.memory_space<hbm>>
    tpu.enqueue_dma source(%dma_start3A_27 : memref<10x1024xi32, #tpu.memory_space<hbm>>) target(%arg8 : memref<10x1024xi32, #tpu.memory_space<vmem>>) target_semaphore(%arg13 : memref<!tpu.dma_semaphore, #tpu.memory_space<semaphore_mem>>)
    %dma_wait3A = arith.constant 0 : i32
    %dma_wait3A_28 = tpu.memref_slice %arg10[%mul3A_4, %dma_wait3A] : memref<10240x32xf32, #tpu.memory_space<vmem_shared>> -> memref<640x32xf32, #tpu.memory_space<vmem_shared>>
    %dma_wait3A_29 = arith.constant 0 : i32
    %dma_wait3A_30 = tpu.memref_slice %arg5[%mul3A_2, %dma_wait3A_29] : memref<10240x32xf32, #tpu.memory_space<hbm>> -> memref<640x32xf32, #tpu.memory_space<hbm>>
    tpu.wait_dma2 semaphore(%arg13 : memref<!tpu.dma_semaphore, #tpu.memory_space<semaphore_mem>>) src(%dma_wait3A_30 : memref<640x32xf32, #tpu.memory_space<hbm>>) dst(%dma_wait3A_28 : memref<640x32xf32, #tpu.memory_space<vmem_shared>>)
    %dma_wait3A_31 = arith.constant 0 : i32
    %dma_wait3A_32 = tpu.memref_slice %arg11[%mul3A_11, %dma_wait3A_31] : memref<10240x32xf32, #tpu.memory_space<vmem_shared>> -> memref<640x32xf32, #tpu.memory_space<vmem_shared>>
    %dma_wait3A_33 = arith.constant 0 : i32
    %dma_wait3A_34 = tpu.memref_slice %arg2[%mul3A_9, %dma_wait3A_33] : memref<10240x32xf32, #tpu.memory_space<hbm>> -> memref<640x32xf32, #tpu.memory_space<hbm>>
    tpu.wait_dma2 semaphore(%arg13 : memref<!tpu.dma_semaphore, #tpu.memory_space<semaphore_mem>>) src(%dma_wait3A_34 : memref<640x32xf32, #tpu.memory_space<hbm>>) dst(%dma_wait3A_32 : memref<640x32xf32, #tpu.memory_space<vmem_shared>>)
    %dma_wait3A_35 = arith.constant 0 : i32
    %dma_wait3A_36 = tpu.memref_slice %arg3[%mul3A_17, %dma_wait3A_35] : memref<320x1024xi32, #tpu.memory_space<hbm>> -> memref<10x1024xi32, #tpu.memory_space<hbm>>
    %dma_wait3A_37 = arith.constant 0 : i32
    %dma_wait3A_38 = tpu.memref_slice %arg3[%mul3A_17, %dma_wait3A_37] : memref<320x1024xi32, #tpu.memory_space<hbm>> -> memref<10x1024xi32, #tpu.memory_space<hbm>>
    tpu.wait_dma2 semaphore(%arg13 : memref<!tpu.dma_semaphore, #tpu.memory_space<semaphore_mem>>) src(%dma_wait3A_38 : memref<10x1024xi32, #tpu.memory_space<hbm>>) dst(%arg7 : memref<10x1024xi32, #tpu.memory_space<vmem>>)
    %dma_wait3A_39 = arith.constant 0 : i32
    %dma_wait3A_40 = tpu.memref_slice %arg4[%mul3A_23, %dma_wait3A_39] : memref<320x1024xi32, #tpu.memory_space<hbm>> -> memref<10x1024xi32, #tpu.memory_space<hbm>>
    %dma_wait3A_41 = arith.constant 0 : i32
    %dma_wait3A_42 = tpu.memref_slice %arg4[%mul3A_23, %dma_wait3A_41] : memref<320x1024xi32, #tpu.memory_space<hbm>> -> memref<10x1024xi32, #tpu.memory_space<hbm>>
    tpu.wait_dma2 semaphore(%arg13 : memref<!tpu.dma_semaphore, #tpu.memory_space<semaphore_mem>>) src(%dma_wait3A_42 : memref<10x1024xi32, #tpu.memory_space<hbm>>) dst(%arg8 : memref<10x1024xi32, #tpu.memory_space<vmem>>)
    %barrier3A = arith.constant 0 : index
    tpu.barrier barrier_id(%barrier3A)
    %dma_start3A_43 = arith.constant 0 : i32
    %dma_start3A_44 = arith.constant 0 : i32
    %dma_start3A_45 = arith.constant 0 : i32
    %dma_start3A_46 = arith.constant 0 : i32
    %dma_start3A_47 = tpu.memref_slice %arg9[%dma_start3A_44, %dma_start3A_45, %dma_start3A_46] : memref<2x1024x32xf32, #tpu.memory_space<vmem>> -> memref<1x1024x32xf32, #tpu.memory_space<vmem>>
    %dma_start3A_48 = tpu.memref_squeeze %dma_start3A_47 : memref<1x1024x32xf32, #tpu.memory_space<vmem>> -> memref<1024x32xf32, #tpu.memory_space<vmem>>
    %dma_start3A_49 = arith.constant 0 : i32
    %dma_start3A_50 = tpu.memref_slice %arg7[%dma_start3A_43, %dma_start3A_49] : memref<10x1024xi32, #tpu.memory_space<vmem>> -> memref<1x1024xi32, #tpu.memory_space<vmem>>
    %dma_start3A_51 = tpu.memref_squeeze %dma_start3A_50 : memref<1x1024xi32, #tpu.memory_space<vmem>> -> memref<1024xi32, #tpu.memory_space<vmem>>
    %dma_start3A_52 = arith.constant 0 : i32
    %dma_start3A_53 = arith.constant 0 : i32
    %dma_start3A_54 = tpu.memref_slice %arg11[%dma_start3A_52, %dma_start3A_53] : memref<10240x32xf32, #tpu.memory_space<vmem_shared>> -> memref<10240x32xf32, #tpu.memory_space<vmem_shared>>
    tpu.enqueue_indirect_dma source(%dma_start3A_54 : memref<10240x32xf32, #tpu.memory_space<vmem_shared>>) target(%dma_start3A_48 : memref<1024x32xf32, #tpu.memory_space<vmem>>) offsets(%dma_start3A_51 : memref<1024xi32, #tpu.memory_space<vmem>>) semaphore(%arg12 : memref<!tpu.dma_semaphore, #tpu.memory_space<semaphore_mem>>)
    %scan3A = arith.constant 0 : i32
    %scan3A_55 = arith.constant 10 : i32
    %scan3A_56 = arith.addi %scan3A, %scan3A_55 : i32
    %scan3A_57 = arith.constant 1 : i32
    scf.for %scan3A_76 = %scan3A to %scan3A_56 step %scan3A_57  : i32 {
      %mul3A_77 = arith.constant 1 : i32
      %mul3A_78 = arith.muli %scan3A_76, %mul3A_77 : i32
      %add3A_79 = arith.constant 0 : i32
      %add3A_80 = arith.addi %add3A_79, %mul3A_78 : i32
      %rem3A = arith.constant 2 : i32
      %rem3A_81 = arith.remsi %add3A_80, %rem3A : i32
      %dma_wait3A_82 = arith.constant 0 : i32
      %dma_wait3A_83 = arith.constant 0 : i32
      %dma_wait3A_84 = arith.constant 0 : i32
      %dma_wait3A_85 = tpu.memref_slice %arg9[%rem3A_81, %dma_wait3A_83, %dma_wait3A_84] : memref<2x1024x32xf32, #tpu.memory_space<vmem>> -> memref<1x1024x32xf32, #tpu.memory_space<vmem>>
      %dma_wait3A_86 = tpu.memref_squeeze %dma_wait3A_85 : memref<1x1024x32xf32, #tpu.memory_space<vmem>> -> memref<1024x32xf32, #tpu.memory_space<vmem>>
      %dma_wait3A_87 = arith.constant 0 : i32
      %dma_wait3A_88 = tpu.memref_slice %arg7[%dma_wait3A_82, %dma_wait3A_87] : memref<10x1024xi32, #tpu.memory_space<vmem>> -> memref<1x1024xi32, #tpu.memory_space<vmem>>
      %dma_wait3A_89 = tpu.memref_squeeze %dma_wait3A_88 : memref<1x1024xi32, #tpu.memory_space<vmem>> -> memref<1024xi32, #tpu.memory_space<vmem>>
      %dma_wait3A_90 = arith.constant 0 : i32
      %dma_wait3A_91 = arith.constant 0 : i32
      %dma_wait3A_92 = tpu.memref_slice %arg11[%dma_wait3A_90, %dma_wait3A_91] : memref<10240x32xf32, #tpu.memory_space<vmem_shared>> -> memref<10240x32xf32, #tpu.memory_space<vmem_shared>>
      tpu.wait_indirect_dma semaphore(%arg12 : memref<!tpu.dma_semaphore, #tpu.memory_space<semaphore_mem>>) src(%dma_wait3A_92 : memref<10240x32xf32, #tpu.memory_space<vmem_shared>>) dst(%dma_wait3A_86 : memref<1024x32xf32, #tpu.memory_space<vmem>>)
      %ge3A = arith.constant 1 : i32
      %ge3A_93 = arith.cmpi sge, %add3A_80, %ge3A : i32
      %convert_element_type3A = arith.extui %ge3A_93 : i1 to i32
      %cond3A = arith.constant 0 : i32
      %cond3A_94 = arith.cmpi ne, %convert_element_type3A, %cond3A : i32
      scf.if %cond3A_94 {
        %sub3A = arith.constant 1 : i32
        %sub3A_111 = arith.subi %sub3A, %rem3A_81 : i32
        %dma_wait3A_112 = arith.constant 0 : i32
        %dma_wait3A_113 = arith.constant 0 : i32
        %dma_wait3A_114 = arith.constant 0 : i32
        %dma_wait3A_115 = tpu.memref_slice %arg9[%sub3A_111, %dma_wait3A_113, %dma_wait3A_114] : memref<2x1024x32xf32, #tpu.memory_space<vmem>> -> memref<1x1024x32xf32, #tpu.memory_space<vmem>>
        %dma_wait3A_116 = tpu.memref_squeeze %dma_wait3A_115 : memref<1x1024x32xf32, #tpu.memory_space<vmem>> -> memref<1024x32xf32, #tpu.memory_space<vmem>>
        %dma_wait3A_117 = arith.constant 0 : i32
        %dma_wait3A_118 = tpu.memref_slice %arg8[%dma_wait3A_112, %dma_wait3A_117] : memref<10x1024xi32, #tpu.memory_space<vmem>> -> memref<1x1024xi32, #tpu.memory_space<vmem>>
        %dma_wait3A_119 = tpu.memref_squeeze %dma_wait3A_118 : memref<1x1024xi32, #tpu.memory_space<vmem>> -> memref<1024xi32, #tpu.memory_space<vmem>>
        %dma_wait3A_120 = arith.constant 0 : i32
        %dma_wait3A_121 = arith.constant 0 : i32
        %dma_wait3A_122 = tpu.memref_slice %arg10[%dma_wait3A_120, %dma_wait3A_121] : memref<10240x32xf32, #tpu.memory_space<vmem_shared>> -> memref<10240x32xf32, #tpu.memory_space<vmem_shared>>
        tpu.wait_indirect_dma semaphore(%arg13 : memref<!tpu.dma_semaphore, #tpu.memory_space<semaphore_mem>>) src(%dma_wait3A_116 : memref<1024x32xf32, #tpu.memory_space<vmem>>) dst(%dma_wait3A_122 : memref<10240x32xf32, #tpu.memory_space<vmem_shared>>)
      } else {
      }
      %add3A_95 = arith.constant 1 : i32
      %add3A_96 = arith.addi %add3A_80, %add3A_95 : i32
      %lt3A = arith.constant 10 : i32
      %lt3A_97 = arith.cmpi slt, %add3A_96, %lt3A : i32
      %convert_element_type3A_98 = arith.extui %lt3A_97 : i1 to i32
      %cond3A_99 = arith.constant 0 : i32
      %cond3A_100 = arith.cmpi ne, %convert_element_type3A_98, %cond3A_99 : i32
      scf.if %cond3A_100 {
        %add3A_111 = arith.constant 1 : i32
        %add3A_112 = arith.addi %add3A_80, %add3A_111 : i32
        %sub3A = arith.constant 1 : i32
        %sub3A_113 = arith.subi %sub3A, %rem3A_81 : i32
        %dma_start3A_114 = arith.constant 0 : i32
        %dma_start3A_115 = arith.constant 0 : i32
        %dma_start3A_116 = tpu.memref_slice %arg9[%sub3A_113, %dma_start3A_114, %dma_start3A_115] : memref<2x1024x32xf32, #tpu.memory_space<vmem>> -> memref<1x1024x32xf32, #tpu.memory_space<vmem>>
        %dma_start3A_117 = tpu.memref_squeeze %dma_start3A_116 : memref<1x1024x32xf32, #tpu.memory_space<vmem>> -> memref<1024x32xf32, #tpu.memory_space<vmem>>
        %dma_start3A_118 = arith.constant 0 : i32
        %dma_start3A_119 = tpu.memref_slice %arg7[%add3A_112, %dma_start3A_118] : memref<10x1024xi32, #tpu.memory_space<vmem>> -> memref<1x1024xi32, #tpu.memory_space<vmem>>
        %dma_start3A_120 = tpu.memref_squeeze %dma_start3A_119 : memref<1x1024xi32, #tpu.memory_space<vmem>> -> memref<1024xi32, #tpu.memory_space<vmem>>
        %dma_start3A_121 = arith.constant 0 : i32
        %dma_start3A_122 = arith.constant 0 : i32
        %dma_start3A_123 = tpu.memref_slice %arg11[%dma_start3A_121, %dma_start3A_122] : memref<10240x32xf32, #tpu.memory_space<vmem_shared>> -> memref<10240x32xf32, #tpu.memory_space<vmem_shared>>
        tpu.enqueue_indirect_dma source(%dma_start3A_123 : memref<10240x32xf32, #tpu.memory_space<vmem_shared>>) target(%dma_start3A_117 : memref<1024x32xf32, #tpu.memory_space<vmem>>) offsets(%dma_start3A_120 : memref<1024xi32, #tpu.memory_space<vmem>>) semaphore(%arg12 : memref<!tpu.dma_semaphore, #tpu.memory_space<semaphore_mem>>)
      } else {
      }
      %dma_start3A_101 = arith.constant 0 : i32
      %dma_start3A_102 = arith.constant 0 : i32
      %dma_start3A_103 = tpu.memref_slice %arg9[%rem3A_81, %dma_start3A_101, %dma_start3A_102] : memref<2x1024x32xf32, #tpu.memory_space<vmem>> -> memref<1x1024x32xf32, #tpu.memory_space<vmem>>
      %dma_start3A_104 = tpu.memref_squeeze %dma_start3A_103 : memref<1x1024x32xf32, #tpu.memory_space<vmem>> -> memref<1024x32xf32, #tpu.memory_space<vmem>>
      %dma_start3A_105 = arith.constant 0 : i32
      %dma_start3A_106 = tpu.memref_slice %arg8[%add3A_80, %dma_start3A_105] : memref<10x1024xi32, #tpu.memory_space<vmem>> -> memref<1x1024xi32, #tpu.memory_space<vmem>>
      %dma_start3A_107 = tpu.memref_squeeze %dma_start3A_106 : memref<1x1024xi32, #tpu.memory_space<vmem>> -> memref<1024xi32, #tpu.memory_space<vmem>>
      %dma_start3A_108 = arith.constant 0 : i32
      %dma_start3A_109 = arith.constant 0 : i32
      %dma_start3A_110 = tpu.memref_slice %arg10[%dma_start3A_108, %dma_start3A_109] : memref<10240x32xf32, #tpu.memory_space<vmem_shared>> -> memref<10240x32xf32, #tpu.memory_space<vmem_shared>>
      tpu.enqueue_indirect_dma source(%dma_start3A_104 : memref<1024x32xf32, #tpu.memory_space<vmem>>) target(%dma_start3A_110 : memref<10240x32xf32, #tpu.memory_space<vmem_shared>>) offsets(%dma_start3A_107 : memref<1024xi32, #tpu.memory_space<vmem>>) semaphore(%arg13 : memref<!tpu.dma_semaphore, #tpu.memory_space<semaphore_mem>>) {add = true}
    }
    %scan3A_58 = arith.constant 10 : i32
    %dma_wait3A_59 = arith.constant 1 : i32
    %dma_wait3A_60 = arith.constant 0 : i32
    %dma_wait3A_61 = arith.constant 0 : i32
    %dma_wait3A_62 = arith.constant 0 : i32
    %dma_wait3A_63 = tpu.memref_slice %arg9[%dma_wait3A_59, %dma_wait3A_61, %dma_wait3A_62] : memref<2x1024x32xf32, #tpu.memory_space<vmem>> -> memref<1x1024x32xf32, #tpu.memory_space<vmem>>
    %dma_wait3A_64 = tpu.memref_squeeze %dma_wait3A_63 : memref<1x1024x32xf32, #tpu.memory_space<vmem>> -> memref<1024x32xf32, #tpu.memory_space<vmem>>
    %dma_wait3A_65 = arith.constant 0 : i32
    %dma_wait3A_66 = tpu.memref_slice %arg8[%dma_wait3A_60, %dma_wait3A_65] : memref<10x1024xi32, #tpu.memory_space<vmem>> -> memref<1x1024xi32, #tpu.memory_space<vmem>>
    %dma_wait3A_67 = tpu.memref_squeeze %dma_wait3A_66 : memref<1x1024xi32, #tpu.memory_space<vmem>> -> memref<1024xi32, #tpu.memory_space<vmem>>
    %dma_wait3A_68 = arith.constant 0 : i32
    %dma_wait3A_69 = arith.constant 0 : i32
    %dma_wait3A_70 = tpu.memref_slice %arg10[%dma_wait3A_68, %dma_wait3A_69] : memref<10240x32xf32, #tpu.memory_space<vmem_shared>> -> memref<10240x32xf32, #tpu.memory_space<vmem_shared>>
    tpu.wait_indirect_dma semaphore(%arg13 : memref<!tpu.dma_semaphore, #tpu.memory_space<semaphore_mem>>) src(%dma_wait3A_64 : memref<1024x32xf32, #tpu.memory_space<vmem>>) dst(%dma_wait3A_70 : memref<10240x32xf32, #tpu.memory_space<vmem_shared>>)
    %barrier3A_71 = arith.constant 0 : index
    tpu.barrier barrier_id(%barrier3A_71)
    %mul3A_72 = arith.constant 640 : i32
    %mul3A_73 = arith.muli %arg1, %mul3A_72 : i32
    %mul3A_74 = arith.constant 640 : i32
    %mul3A_75 = arith.muli %arg1, %mul3A_74 : i32
    "tpu.region"() ({
      %run_scoped3A = tpu.sem_alloc : memref<!tpu.dma_semaphore, #tpu.memory_space<semaphore_mem>>
      %dma_start3A_76 = arith.constant 0 : i32
      %dma_start3A_77 = tpu.memref_slice %arg6[%arg0, %mul3A_75, %dma_start3A_76] : memref<2x10240x32xf32, #tpu.memory_space<hbm>> -> memref<1x640x32xf32, #tpu.memory_space<hbm>>
      %dma_start3A_78 = tpu.memref_squeeze %dma_start3A_77 : memref<1x640x32xf32, #tpu.memory_space<hbm>> -> memref<640x32xf32, #tpu.memory_space<hbm>>
      %dma_start3A_79 = arith.constant 0 : i32
      %dma_start3A_80 = tpu.memref_slice %arg10[%mul3A_73, %dma_start3A_79] : memref<10240x32xf32, #tpu.memory_space<vmem_shared>> -> memref<640x32xf32, #tpu.memory_space<vmem_shared>>
      tpu.enqueue_dma source(%dma_start3A_80 : memref<640x32xf32, #tpu.memory_space<vmem_shared>>) target(%dma_start3A_78 : memref<640x32xf32, #tpu.memory_space<hbm>>) target_semaphore(%run_scoped3A : memref<!tpu.dma_semaphore, #tpu.memory_space<semaphore_mem>>)
      %dma_wait3A_81 = arith.constant 0 : i32
      %dma_wait3A_82 = tpu.memref_slice %arg6[%arg0, %mul3A_75, %dma_wait3A_81] : memref<2x10240x32xf32, #tpu.memory_space<hbm>> -> memref<1x640x32xf32, #tpu.memory_space<hbm>>
      %dma_wait3A_83 = tpu.memref_squeeze %dma_wait3A_82 : memref<1x640x32xf32, #tpu.memory_space<hbm>> -> memref<640x32xf32, #tpu.memory_space<hbm>>
      %dma_wait3A_84 = arith.constant 0 : i32
      %dma_wait3A_85 = tpu.memref_slice %arg10[%mul3A_73, %dma_wait3A_84] : memref<10240x32xf32, #tpu.memory_space<vmem_shared>> -> memref<640x32xf32, #tpu.memory_space<vmem_shared>>
      tpu.wait_dma2 semaphore(%run_scoped3A : memref<!tpu.dma_semaphore, #tpu.memory_space<semaphore_mem>>) src(%dma_wait3A_85 : memref<640x32xf32, #tpu.memory_space<vmem_shared>>) dst(%dma_wait3A_83 : memref<640x32xf32, #tpu.memory_space<hbm>>)
      tpu.yield
    }) : () -> ()
    return
  }
}

#map = affine_map<(d0, d1) -> (0, 0)>
#map1 = affine_map<(d0, d1) -> (0, 0, 0)>
module attributes {stable_mosaic.version = 14 : i64} {
  func.func @seg_kernel(%arg0: i32, %arg1: i32, %arg2: memref<10240x32xf32, #tpu.memory_space<hbm>>, %arg3: memref<320x1024xi32, #tpu.memory_space<hbm>>, %arg4: memref<320x1024xi32, #tpu.memory_space<hbm>>, %arg5: memref<10240x32xf32, #tpu.memory_space<hbm>>, %arg6: memref<2x10240x32xf32, #tpu.memory_space<hbm>>, %arg7: memref<10x1024xi32, #tpu.memory_space<vmem>>, %arg8: memref<10x1024xi32, #tpu.memory_space<vmem>>, %arg9: memref<2x1024x32xf32, #tpu.memory_space<vmem>>, %arg10: memref<10240x32xf32, #tpu.memory_space<vmem_shared>>, %arg11: memref<10240x32xf32, #tpu.memory_space<vmem_shared>>, %arg12: memref<!tpu.dma_semaphore, #tpu.memory_space<semaphore_mem>>, %arg13: memref<!tpu.dma_semaphore, #tpu.memory_space<semaphore_mem>>) attributes {dimension_semantics = [#tpu.dimension_semantics<core_parallel>, #tpu.dimension_semantics<subcore_parallel>], iteration_bounds = array<i64: 2, 16>, scalar_prefetch = 0 : i64, scratch_operands = 7 : i64, tpu.core_type = #tpu.core_type<sc_vector_subcore>, window_params = [{transform_indices = #map}, {transform_indices = #map}, {transform_indices = #map}, {transform_indices = #map}, {transform_indices = #map1}]} {
    %mul3A = arith.constant 16 : i32
    %mul3A_0 = arith.muli %arg0, %mul3A : i32
    %add3A = arith.addi %mul3A_0, %arg1 : i32
    %mul3A_1 = arith.constant 640 : i32
    %mul3A_2 = arith.muli %arg1, %mul3A_1 : i32
    %mul3A_3 = arith.constant 640 : i32
    %mul3A_4 = arith.muli %arg1, %mul3A_3 : i32
    %dma_start3A = arith.constant 0 : i32
    %dma_start3A_5 = tpu.memref_slice %arg10[%mul3A_4, %dma_start3A] : memref<10240x32xf32, #tpu.memory_space<vmem_shared>> -> memref<640x32xf32, #tpu.memory_space<vmem_shared>>
    %dma_start3A_6 = arith.constant 0 : i32
    %dma_start3A_7 = tpu.memref_slice %arg5[%mul3A_2, %dma_start3A_6] : memref<10240x32xf32, #tpu.memory_space<hbm>> -> memref<640x32xf32, #tpu.memory_space<hbm>>
    tpu.enqueue_dma source(%dma_start3A_7 : memref<640x32xf32, #tpu.memory_space<hbm>>) target(%dma_start3A_5 : memref<640x32xf32, #tpu.memory_space<vmem_shared>>) target_semaphore(%arg13 : memref<!tpu.dma_semaphore, #tpu.memory_space<semaphore_mem>>)
    %mul3A_8 = arith.constant 640 : i32
    %mul3A_9 = arith.muli %arg1, %mul3A_8 : i32
    %mul3A_10 = arith.constant 640 : i32
    %mul3A_11 = arith.muli %arg1, %mul3A_10 : i32
    %dma_start3A_12 = arith.constant 0 : i32
    %dma_start3A_13 = tpu.memref_slice %arg11[%mul3A_11, %dma_start3A_12] : memref<10240x32xf32, #tpu.memory_space<vmem_shared>> -> memref<640x32xf32, #tpu.memory_space<vmem_shared>>
    %dma_start3A_14 = arith.constant 0 : i32
    %dma_start3A_15 = tpu.memref_slice %arg2[%mul3A_9, %dma_start3A_14] : memref<10240x32xf32, #tpu.memory_space<hbm>> -> memref<640x32xf32, #tpu.memory_space<hbm>>
    tpu.enqueue_dma source(%dma_start3A_15 : memref<640x32xf32, #tpu.memory_space<hbm>>) target(%dma_start3A_13 : memref<640x32xf32, #tpu.memory_space<vmem_shared>>) target_semaphore(%arg13 : memref<!tpu.dma_semaphore, #tpu.memory_space<semaphore_mem>>)
    %mul3A_16 = arith.constant 10 : i32
    %mul3A_17 = arith.muli %add3A, %mul3A_16 : i32
    %dma_start3A_18 = arith.constant 0 : i32
    %dma_start3A_19 = tpu.memref_slice %arg3[%mul3A_17, %dma_start3A_18] : memref<320x1024xi32, #tpu.memory_space<hbm>> -> memref<10x1024xi32, #tpu.memory_space<hbm>>
    %dma_start3A_20 = arith.constant 0 : i32
    %dma_start3A_21 = tpu.memref_slice %arg3[%mul3A_17, %dma_start3A_20] : memref<320x1024xi32, #tpu.memory_space<hbm>> -> memref<10x1024xi32, #tpu.memory_space<hbm>>
    tpu.enqueue_dma source(%dma_start3A_21 : memref<10x1024xi32, #tpu.memory_space<hbm>>) target(%arg7 : memref<10x1024xi32, #tpu.memory_space<vmem>>) target_semaphore(%arg13 : memref<!tpu.dma_semaphore, #tpu.memory_space<semaphore_mem>>)
    %mul3A_22 = arith.constant 10 : i32
    %mul3A_23 = arith.muli %add3A, %mul3A_22 : i32
    %dma_start3A_24 = arith.constant 0 : i32
    %dma_start3A_25 = tpu.memref_slice %arg4[%mul3A_23, %dma_start3A_24] : memref<320x1024xi32, #tpu.memory_space<hbm>> -> memref<10x1024xi32, #tpu.memory_space<hbm>>
    %dma_start3A_26 = arith.constant 0 : i32
    %dma_start3A_27 = tpu.memref_slice %arg4[%mul3A_23, %dma_start3A_26] : memref<320x1024xi32, #tpu.memory_space<hbm>> -> memref<10x1024xi32, #tpu.memory_space<hbm>>
    tpu.enqueue_dma source(%dma_start3A_27 : memref<10x1024xi32, #tpu.memory_space<hbm>>) target(%arg8 : memref<10x1024xi32, #tpu.memory_space<vmem>>) target_semaphore(%arg13 : memref<!tpu.dma_semaphore, #tpu.memory_space<semaphore_mem>>)
    %dma_wait3A = arith.constant 0 : i32
    %dma_wait3A_28 = tpu.memref_slice %arg10[%mul3A_4, %dma_wait3A] : memref<10240x32xf32, #tpu.memory_space<vmem_shared>> -> memref<640x32xf32, #tpu.memory_space<vmem_shared>>
    %dma_wait3A_29 = arith.constant 0 : i32
    %dma_wait3A_30 = tpu.memref_slice %arg5[%mul3A_2, %dma_wait3A_29] : memref<10240x32xf32, #tpu.memory_space<hbm>> -> memref<640x32xf32, #tpu.memory_space<hbm>>
    tpu.wait_dma2 semaphore(%arg13 : memref<!tpu.dma_semaphore, #tpu.memory_space<semaphore_mem>>) src(%dma_wait3A_30 : memref<640x32xf32, #tpu.memory_space<hbm>>) dst(%dma_wait3A_28 : memref<640x32xf32, #tpu.memory_space<vmem_shared>>)
    %dma_wait3A_31 = arith.constant 0 : i32
    %dma_wait3A_32 = tpu.memref_slice %arg11[%mul3A_11, %dma_wait3A_31] : memref<10240x32xf32, #tpu.memory_space<vmem_shared>> -> memref<640x32xf32, #tpu.memory_space<vmem_shared>>
    %dma_wait3A_33 = arith.constant 0 : i32
    %dma_wait3A_34 = tpu.memref_slice %arg2[%mul3A_9, %dma_wait3A_33] : memref<10240x32xf32, #tpu.memory_space<hbm>> -> memref<640x32xf32, #tpu.memory_space<hbm>>
    tpu.wait_dma2 semaphore(%arg13 : memref<!tpu.dma_semaphore, #tpu.memory_space<semaphore_mem>>) src(%dma_wait3A_34 : memref<640x32xf32, #tpu.memory_space<hbm>>) dst(%dma_wait3A_32 : memref<640x32xf32, #tpu.memory_space<vmem_shared>>)
    %dma_wait3A_35 = arith.constant 0 : i32
    %dma_wait3A_36 = tpu.memref_slice %arg3[%mul3A_17, %dma_wait3A_35] : memref<320x1024xi32, #tpu.memory_space<hbm>> -> memref<10x1024xi32, #tpu.memory_space<hbm>>
    %dma_wait3A_37 = arith.constant 0 : i32
    %dma_wait3A_38 = tpu.memref_slice %arg3[%mul3A_17, %dma_wait3A_37] : memref<320x1024xi32, #tpu.memory_space<hbm>> -> memref<10x1024xi32, #tpu.memory_space<hbm>>
    tpu.wait_dma2 semaphore(%arg13 : memref<!tpu.dma_semaphore, #tpu.memory_space<semaphore_mem>>) src(%dma_wait3A_38 : memref<10x1024xi32, #tpu.memory_space<hbm>>) dst(%arg7 : memref<10x1024xi32, #tpu.memory_space<vmem>>)
    %dma_wait3A_39 = arith.constant 0 : i32
    %dma_wait3A_40 = tpu.memref_slice %arg4[%mul3A_23, %dma_wait3A_39] : memref<320x1024xi32, #tpu.memory_space<hbm>> -> memref<10x1024xi32, #tpu.memory_space<hbm>>
    %dma_wait3A_41 = arith.constant 0 : i32
    %dma_wait3A_42 = tpu.memref_slice %arg4[%mul3A_23, %dma_wait3A_41] : memref<320x1024xi32, #tpu.memory_space<hbm>> -> memref<10x1024xi32, #tpu.memory_space<hbm>>
    tpu.wait_dma2 semaphore(%arg13 : memref<!tpu.dma_semaphore, #tpu.memory_space<semaphore_mem>>) src(%dma_wait3A_42 : memref<10x1024xi32, #tpu.memory_space<hbm>>) dst(%arg8 : memref<10x1024xi32, #tpu.memory_space<vmem>>)
    %barrier3A = arith.constant 0 : index
    tpu.barrier barrier_id(%barrier3A)
    %dma_start3A_43 = arith.constant 0 : i32
    %dma_start3A_44 = arith.constant 0 : i32
    %dma_start3A_45 = arith.constant 0 : i32
    %dma_start3A_46 = arith.constant 0 : i32
    %dma_start3A_47 = tpu.memref_slice %arg9[%dma_start3A_44, %dma_start3A_45, %dma_start3A_46] : memref<2x1024x32xf32, #tpu.memory_space<vmem>> -> memref<1x1024x32xf32, #tpu.memory_space<vmem>>
    %dma_start3A_48 = tpu.memref_squeeze %dma_start3A_47 : memref<1x1024x32xf32, #tpu.memory_space<vmem>> -> memref<1024x32xf32, #tpu.memory_space<vmem>>
    %dma_start3A_49 = arith.constant 0 : i32
    %dma_start3A_50 = tpu.memref_slice %arg7[%dma_start3A_43, %dma_start3A_49] : memref<10x1024xi32, #tpu.memory_space<vmem>> -> memref<1x1024xi32, #tpu.memory_space<vmem>>
    %dma_start3A_51 = tpu.memref_squeeze %dma_start3A_50 : memref<1x1024xi32, #tpu.memory_space<vmem>> -> memref<1024xi32, #tpu.memory_space<vmem>>
    %dma_start3A_52 = arith.constant 0 : i32
    %dma_start3A_53 = arith.constant 0 : i32
    %dma_start3A_54 = tpu.memref_slice %arg11[%dma_start3A_52, %dma_start3A_53] : memref<10240x32xf32, #tpu.memory_space<vmem_shared>> -> memref<10240x32xf32, #tpu.memory_space<vmem_shared>>
    tpu.enqueue_indirect_dma source(%dma_start3A_54 : memref<10240x32xf32, #tpu.memory_space<vmem_shared>>) target(%dma_start3A_48 : memref<1024x32xf32, #tpu.memory_space<vmem>>) offsets(%dma_start3A_51 : memref<1024xi32, #tpu.memory_space<vmem>>) semaphore(%arg12 : memref<!tpu.dma_semaphore, #tpu.memory_space<semaphore_mem>>)
    %scan3A = arith.constant 0 : i32
    %scan3A_55 = arith.constant 10 : i32
    %scan3A_56 = arith.addi %scan3A, %scan3A_55 : i32
    %scan3A_57 = arith.constant 1 : i32
    scf.for %scan3A_76 = %scan3A to %scan3A_56 step %scan3A_57  : i32 {
      %mul3A_77 = arith.constant 1 : i32
      %mul3A_78 = arith.muli %scan3A_76, %mul3A_77 : i32
      %add3A_79 = arith.constant 0 : i32
      %add3A_80 = arith.addi %add3A_79, %mul3A_78 : i32
      %rem3A = arith.constant 2 : i32
      %rem3A_81 = arith.remsi %add3A_80, %rem3A : i32
      %dma_wait3A_82 = arith.constant 0 : i32
      %dma_wait3A_83 = arith.constant 0 : i32
      %dma_wait3A_84 = arith.constant 0 : i32
      %dma_wait3A_85 = tpu.memref_slice %arg9[%rem3A_81, %dma_wait3A_83, %dma_wait3A_84] : memref<2x1024x32xf32, #tpu.memory_space<vmem>> -> memref<1x1024x32xf32, #tpu.memory_space<vmem>>
      %dma_wait3A_86 = tpu.memref_squeeze %dma_wait3A_85 : memref<1x1024x32xf32, #tpu.memory_space<vmem>> -> memref<1024x32xf32, #tpu.memory_space<vmem>>
      %dma_wait3A_87 = arith.constant 0 : i32
      %dma_wait3A_88 = tpu.memref_slice %arg7[%dma_wait3A_82, %dma_wait3A_87] : memref<10x1024xi32, #tpu.memory_space<vmem>> -> memref<1x1024xi32, #tpu.memory_space<vmem>>
      %dma_wait3A_89 = tpu.memref_squeeze %dma_wait3A_88 : memref<1x1024xi32, #tpu.memory_space<vmem>> -> memref<1024xi32, #tpu.memory_space<vmem>>
      %dma_wait3A_90 = arith.constant 0 : i32
      %dma_wait3A_91 = arith.constant 0 : i32
      %dma_wait3A_92 = tpu.memref_slice %arg11[%dma_wait3A_90, %dma_wait3A_91] : memref<10240x32xf32, #tpu.memory_space<vmem_shared>> -> memref<10240x32xf32, #tpu.memory_space<vmem_shared>>
      tpu.wait_indirect_dma semaphore(%arg12 : memref<!tpu.dma_semaphore, #tpu.memory_space<semaphore_mem>>) src(%dma_wait3A_92 : memref<10240x32xf32, #tpu.memory_space<vmem_shared>>) dst(%dma_wait3A_86 : memref<1024x32xf32, #tpu.memory_space<vmem>>)
      %ge3A = arith.constant 1 : i32
      %ge3A_93 = arith.cmpi sge, %add3A_80, %ge3A : i32
      %convert_element_type3A = arith.extui %ge3A_93 : i1 to i32
      %cond3A = arith.constant 0 : i32
      %cond3A_94 = arith.cmpi ne, %convert_element_type3A, %cond3A : i32
      scf.if %cond3A_94 {
        %sub3A = arith.constant 1 : i32
        %sub3A_111 = arith.subi %sub3A, %rem3A_81 : i32
        %dma_wait3A_112 = arith.constant 0 : i32
        %dma_wait3A_113 = arith.constant 0 : i32
        %dma_wait3A_114 = arith.constant 0 : i32
        %dma_wait3A_115 = tpu.memref_slice %arg9[%sub3A_111, %dma_wait3A_113, %dma_wait3A_114] : memref<2x1024x32xf32, #tpu.memory_space<vmem>> -> memref<1x1024x32xf32, #tpu.memory_space<vmem>>
        %dma_wait3A_116 = tpu.memref_squeeze %dma_wait3A_115 : memref<1x1024x32xf32, #tpu.memory_space<vmem>> -> memref<1024x32xf32, #tpu.memory_space<vmem>>
        %dma_wait3A_117 = arith.constant 0 : i32
        %dma_wait3A_118 = tpu.memref_slice %arg8[%dma_wait3A_112, %dma_wait3A_117] : memref<10x1024xi32, #tpu.memory_space<vmem>> -> memref<1x1024xi32, #tpu.memory_space<vmem>>
        %dma_wait3A_119 = tpu.memref_squeeze %dma_wait3A_118 : memref<1x1024xi32, #tpu.memory_space<vmem>> -> memref<1024xi32, #tpu.memory_space<vmem>>
        %dma_wait3A_120 = arith.constant 0 : i32
        %dma_wait3A_121 = arith.constant 0 : i32
        %dma_wait3A_122 = tpu.memref_slice %arg10[%dma_wait3A_120, %dma_wait3A_121] : memref<10240x32xf32, #tpu.memory_space<vmem_shared>> -> memref<10240x32xf32, #tpu.memory_space<vmem_shared>>
        tpu.wait_indirect_dma semaphore(%arg13 : memref<!tpu.dma_semaphore, #tpu.memory_space<semaphore_mem>>) src(%dma_wait3A_116 : memref<1024x32xf32, #tpu.memory_space<vmem>>) dst(%dma_wait3A_122 : memref<10240x32xf32, #tpu.memory_space<vmem_shared>>)
      } else {
      }
      %add3A_95 = arith.constant 1 : i32
      %add3A_96 = arith.addi %add3A_80, %add3A_95 : i32
      %lt3A = arith.constant 10 : i32
      %lt3A_97 = arith.cmpi slt, %add3A_96, %lt3A : i32
      %convert_element_type3A_98 = arith.extui %lt3A_97 : i1 to i32
      %cond3A_99 = arith.constant 0 : i32
      %cond3A_100 = arith.cmpi ne, %convert_element_type3A_98, %cond3A_99 : i32
      scf.if %cond3A_100 {
        %add3A_111 = arith.constant 1 : i32
        %add3A_112 = arith.addi %add3A_80, %add3A_111 : i32
        %sub3A = arith.constant 1 : i32
        %sub3A_113 = arith.subi %sub3A, %rem3A_81 : i32
        %dma_start3A_114 = arith.constant 0 : i32
        %dma_start3A_115 = arith.constant 0 : i32
        %dma_start3A_116 = tpu.memref_slice %arg9[%sub3A_113, %dma_start3A_114, %dma_start3A_115] : memref<2x1024x32xf32, #tpu.memory_space<vmem>> -> memref<1x1024x32xf32, #tpu.memory_space<vmem>>
        %dma_start3A_117 = tpu.memref_squeeze %dma_start3A_116 : memref<1x1024x32xf32, #tpu.memory_space<vmem>> -> memref<1024x32xf32, #tpu.memory_space<vmem>>
        %dma_start3A_118 = arith.constant 0 : i32
        %dma_start3A_119 = tpu.memref_slice %arg7[%add3A_112, %dma_start3A_118] : memref<10x1024xi32, #tpu.memory_space<vmem>> -> memref<1x1024xi32, #tpu.memory_space<vmem>>
        %dma_start3A_120 = tpu.memref_squeeze %dma_start3A_119 : memref<1x1024xi32, #tpu.memory_space<vmem>> -> memref<1024xi32, #tpu.memory_space<vmem>>
        %dma_start3A_121 = arith.constant 0 : i32
        %dma_start3A_122 = arith.constant 0 : i32
        %dma_start3A_123 = tpu.memref_slice %arg11[%dma_start3A_121, %dma_start3A_122] : memref<10240x32xf32, #tpu.memory_space<vmem_shared>> -> memref<10240x32xf32, #tpu.memory_space<vmem_shared>>
        tpu.enqueue_indirect_dma source(%dma_start3A_123 : memref<10240x32xf32, #tpu.memory_space<vmem_shared>>) target(%dma_start3A_117 : memref<1024x32xf32, #tpu.memory_space<vmem>>) offsets(%dma_start3A_120 : memref<1024xi32, #tpu.memory_space<vmem>>) semaphore(%arg12 : memref<!tpu.dma_semaphore, #tpu.memory_space<semaphore_mem>>)
      } else {
      }
      %dma_start3A_101 = arith.constant 0 : i32
      %dma_start3A_102 = arith.constant 0 : i32
      %dma_start3A_103 = tpu.memref_slice %arg9[%rem3A_81, %dma_start3A_101, %dma_start3A_102] : memref<2x1024x32xf32, #tpu.memory_space<vmem>> -> memref<1x1024x32xf32, #tpu.memory_space<vmem>>
      %dma_start3A_104 = tpu.memref_squeeze %dma_start3A_103 : memref<1x1024x32xf32, #tpu.memory_space<vmem>> -> memref<1024x32xf32, #tpu.memory_space<vmem>>
      %dma_start3A_105 = arith.constant 0 : i32
      %dma_start3A_106 = tpu.memref_slice %arg8[%add3A_80, %dma_start3A_105] : memref<10x1024xi32, #tpu.memory_space<vmem>> -> memref<1x1024xi32, #tpu.memory_space<vmem>>
      %dma_start3A_107 = tpu.memref_squeeze %dma_start3A_106 : memref<1x1024xi32, #tpu.memory_space<vmem>> -> memref<1024xi32, #tpu.memory_space<vmem>>
      %dma_start3A_108 = arith.constant 0 : i32
      %dma_start3A_109 = arith.constant 0 : i32
      %dma_start3A_110 = tpu.memref_slice %arg10[%dma_start3A_108, %dma_start3A_109] : memref<10240x32xf32, #tpu.memory_space<vmem_shared>> -> memref<10240x32xf32, #tpu.memory_space<vmem_shared>>
      tpu.enqueue_indirect_dma source(%dma_start3A_104 : memref<1024x32xf32, #tpu.memory_space<vmem>>) target(%dma_start3A_110 : memref<10240x32xf32, #tpu.memory_space<vmem_shared>>) offsets(%dma_start3A_107 : memref<1024xi32, #tpu.memory_space<vmem>>) semaphore(%arg13 : memref<!tpu.dma_semaphore, #tpu.memory_space<semaphore_mem>>) {add = true}
    }
    %scan3A_58 = arith.constant 10 : i32
    %dma_wait3A_59 = arith.constant 1 : i32
    %dma_wait3A_60 = arith.constant 0 : i32
    %dma_wait3A_61 = arith.constant 0 : i32
    %dma_wait3A_62 = arith.constant 0 : i32
    %dma_wait3A_63 = tpu.memref_slice %arg9[%dma_wait3A_59, %dma_wait3A_61, %dma_wait3A_62] : memref<2x1024x32xf32, #tpu.memory_space<vmem>> -> memref<1x1024x32xf32, #tpu.memory_space<vmem>>
    %dma_wait3A_64 = tpu.memref_squeeze %dma_wait3A_63 : memref<1x1024x32xf32, #tpu.memory_space<vmem>> -> memref<1024x32xf32, #tpu.memory_space<vmem>>
    %dma_wait3A_65 = arith.constant 0 : i32
    %dma_wait3A_66 = tpu.memref_slice %arg8[%dma_wait3A_60, %dma_wait3A_65] : memref<10x1024xi32, #tpu.memory_space<vmem>> -> memref<1x1024xi32, #tpu.memory_space<vmem>>
    %dma_wait3A_67 = tpu.memref_squeeze %dma_wait3A_66 : memref<1x1024xi32, #tpu.memory_space<vmem>> -> memref<1024xi32, #tpu.memory_space<vmem>>
    %dma_wait3A_68 = arith.constant 0 : i32
    %dma_wait3A_69 = arith.constant 0 : i32
    %dma_wait3A_70 = tpu.memref_slice %arg10[%dma_wait3A_68, %dma_wait3A_69] : memref<10240x32xf32, #tpu.memory_space<vmem_shared>> -> memref<10240x32xf32, #tpu.memory_space<vmem_shared>>
    tpu.wait_indirect_dma semaphore(%arg13 : memref<!tpu.dma_semaphore, #tpu.memory_space<semaphore_mem>>) src(%dma_wait3A_64 : memref<1024x32xf32, #tpu.memory_space<vmem>>) dst(%dma_wait3A_70 : memref<10240x32xf32, #tpu.memory_space<vmem_shared>>)
    %barrier3A_71 = arith.constant 0 : index
    tpu.barrier barrier_id(%barrier3A_71)
    %mul3A_72 = arith.constant 640 : i32
    %mul3A_73 = arith.muli %arg1, %mul3A_72 : i32
    %mul3A_74 = arith.constant 640 : i32
    %mul3A_75 = arith.muli %arg1, %mul3A_74 : i32
    "tpu.region"() ({
      %run_scoped3A = tpu.sem_alloc : memref<!tpu.dma_semaphore, #tpu.memory_space<semaphore_mem>>
      %dma_start3A_76 = arith.constant 0 : i32
      %dma_start3A_77 = tpu.memref_slice %arg6[%arg0, %mul3A_75, %dma_start3A_76] : memref<2x10240x32xf32, #tpu.memory_space<hbm>> -> memref<1x640x32xf32, #tpu.memory_space<hbm>>
      %dma_start3A_78 = tpu.memref_squeeze %dma_start3A_77 : memref<1x640x32xf32, #tpu.memory_space<hbm>> -> memref<640x32xf32, #tpu.memory_space<hbm>>
      %dma_start3A_79 = arith.constant 0 : i32
      %dma_start3A_80 = tpu.memref_slice %arg10[%mul3A_73, %dma_start3A_79] : memref<10240x32xf32, #tpu.memory_space<vmem_shared>> -> memref<640x32xf32, #tpu.memory_space<vmem_shared>>
      tpu.enqueue_dma source(%dma_start3A_80 : memref<640x32xf32, #tpu.memory_space<vmem_shared>>) target(%dma_start3A_78 : memref<640x32xf32, #tpu.memory_space<hbm>>) target_semaphore(%run_scoped3A : memref<!tpu.dma_semaphore, #tpu.memory_space<semaphore_mem>>)
      %dma_wait3A_81 = arith.constant 0 : i32
      %dma_wait3A_82 = tpu.memref_slice %arg6[%arg0, %mul3A_75, %dma_wait3A_81] : memref<2x10240x32xf32, #tpu.memory_space<hbm>> -> memref<1x640x32xf32, #tpu.memory_space<hbm>>
      %dma_wait3A_83 = tpu.memref_squeeze %dma_wait3A_82 : memref<1x640x32xf32, #tpu.memory_space<hbm>> -> memref<640x32xf32, #tpu.memory_space<hbm>>
      %dma_wait3A_84 = arith.constant 0 : i32
      %dma_wait3A_85 = tpu.memref_slice %arg10[%mul3A_73, %dma_wait3A_84] : memref<10240x32xf32, #tpu.memory_space<vmem_shared>> -> memref<640x32xf32, #tpu.memory_space<vmem_shared>>
      tpu.wait_dma2 semaphore(%run_scoped3A : memref<!tpu.dma_semaphore, #tpu.memory_space<semaphore_mem>>) src(%dma_wait3A_85 : memref<640x32xf32, #tpu.memory_space<vmem_shared>>) dst(%dma_wait3A_83 : memref<640x32xf32, #tpu.memory_space<hbm>>)
      tpu.yield
    }) : () -> ()
    return
  }
}

#map = affine_map<(d0, d1) -> (0, 0)>
#map1 = affine_map<(d0, d1) -> (0, 0, 0)>
module attributes {stable_mosaic.version = 14 : i64} {
  func.func @seg_kernel(%arg0: i32, %arg1: i32, %arg2: memref<10240x32xf32, #tpu.memory_space<hbm>>, %arg3: memref<320x1024xi32, #tpu.memory_space<hbm>>, %arg4: memref<320x1024xi32, #tpu.memory_space<hbm>>, %arg5: memref<10240x32xf32, #tpu.memory_space<hbm>>, %arg6: memref<2x10240x32xf32, #tpu.memory_space<hbm>>, %arg7: memref<10x1024xi32, #tpu.memory_space<vmem>>, %arg8: memref<10x1024xi32, #tpu.memory_space<vmem>>, %arg9: memref<2x1024x32xf32, #tpu.memory_space<vmem>>, %arg10: memref<10240x32xf32, #tpu.memory_space<vmem_shared>>, %arg11: memref<10240x32xf32, #tpu.memory_space<vmem_shared>>, %arg12: memref<!tpu.dma_semaphore, #tpu.memory_space<semaphore_mem>>, %arg13: memref<!tpu.dma_semaphore, #tpu.memory_space<semaphore_mem>>) attributes {dimension_semantics = [#tpu.dimension_semantics<core_parallel>, #tpu.dimension_semantics<subcore_parallel>], iteration_bounds = array<i64: 2, 16>, scalar_prefetch = 0 : i64, scratch_operands = 7 : i64, tpu.core_type = #tpu.core_type<sc_vector_subcore>, window_params = [{transform_indices = #map}, {transform_indices = #map}, {transform_indices = #map}, {transform_indices = #map}, {transform_indices = #map1}]} {
    %mul3A = arith.constant 16 : i32
    %mul3A_0 = arith.muli %arg0, %mul3A : i32
    %add3A = arith.addi %mul3A_0, %arg1 : i32
    %mul3A_1 = arith.constant 640 : i32
    %mul3A_2 = arith.muli %arg1, %mul3A_1 : i32
    %mul3A_3 = arith.constant 640 : i32
    %mul3A_4 = arith.muli %arg1, %mul3A_3 : i32
    %dma_start3A = arith.constant 0 : i32
    %dma_start3A_5 = tpu.memref_slice %arg10[%mul3A_4, %dma_start3A] : memref<10240x32xf32, #tpu.memory_space<vmem_shared>> -> memref<640x32xf32, #tpu.memory_space<vmem_shared>>
    %dma_start3A_6 = arith.constant 0 : i32
    %dma_start3A_7 = tpu.memref_slice %arg5[%mul3A_2, %dma_start3A_6] : memref<10240x32xf32, #tpu.memory_space<hbm>> -> memref<640x32xf32, #tpu.memory_space<hbm>>
    tpu.enqueue_dma source(%dma_start3A_7 : memref<640x32xf32, #tpu.memory_space<hbm>>) target(%dma_start3A_5 : memref<640x32xf32, #tpu.memory_space<vmem_shared>>) target_semaphore(%arg13 : memref<!tpu.dma_semaphore, #tpu.memory_space<semaphore_mem>>)
    %mul3A_8 = arith.constant 640 : i32
    %mul3A_9 = arith.muli %arg1, %mul3A_8 : i32
    %mul3A_10 = arith.constant 640 : i32
    %mul3A_11 = arith.muli %arg1, %mul3A_10 : i32
    %dma_start3A_12 = arith.constant 0 : i32
    %dma_start3A_13 = tpu.memref_slice %arg11[%mul3A_11, %dma_start3A_12] : memref<10240x32xf32, #tpu.memory_space<vmem_shared>> -> memref<640x32xf32, #tpu.memory_space<vmem_shared>>
    %dma_start3A_14 = arith.constant 0 : i32
    %dma_start3A_15 = tpu.memref_slice %arg2[%mul3A_9, %dma_start3A_14] : memref<10240x32xf32, #tpu.memory_space<hbm>> -> memref<640x32xf32, #tpu.memory_space<hbm>>
    tpu.enqueue_dma source(%dma_start3A_15 : memref<640x32xf32, #tpu.memory_space<hbm>>) target(%dma_start3A_13 : memref<640x32xf32, #tpu.memory_space<vmem_shared>>) target_semaphore(%arg13 : memref<!tpu.dma_semaphore, #tpu.memory_space<semaphore_mem>>)
    %mul3A_16 = arith.constant 10 : i32
    %mul3A_17 = arith.muli %add3A, %mul3A_16 : i32
    %dma_start3A_18 = arith.constant 0 : i32
    %dma_start3A_19 = tpu.memref_slice %arg3[%mul3A_17, %dma_start3A_18] : memref<320x1024xi32, #tpu.memory_space<hbm>> -> memref<10x1024xi32, #tpu.memory_space<hbm>>
    %dma_start3A_20 = arith.constant 0 : i32
    %dma_start3A_21 = tpu.memref_slice %arg3[%mul3A_17, %dma_start3A_20] : memref<320x1024xi32, #tpu.memory_space<hbm>> -> memref<10x1024xi32, #tpu.memory_space<hbm>>
    tpu.enqueue_dma source(%dma_start3A_21 : memref<10x1024xi32, #tpu.memory_space<hbm>>) target(%arg7 : memref<10x1024xi32, #tpu.memory_space<vmem>>) target_semaphore(%arg13 : memref<!tpu.dma_semaphore, #tpu.memory_space<semaphore_mem>>)
    %mul3A_22 = arith.constant 10 : i32
    %mul3A_23 = arith.muli %add3A, %mul3A_22 : i32
    %dma_start3A_24 = arith.constant 0 : i32
    %dma_start3A_25 = tpu.memref_slice %arg4[%mul3A_23, %dma_start3A_24] : memref<320x1024xi32, #tpu.memory_space<hbm>> -> memref<10x1024xi32, #tpu.memory_space<hbm>>
    %dma_start3A_26 = arith.constant 0 : i32
    %dma_start3A_27 = tpu.memref_slice %arg4[%mul3A_23, %dma_start3A_26] : memref<320x1024xi32, #tpu.memory_space<hbm>> -> memref<10x1024xi32, #tpu.memory_space<hbm>>
    tpu.enqueue_dma source(%dma_start3A_27 : memref<10x1024xi32, #tpu.memory_space<hbm>>) target(%arg8 : memref<10x1024xi32, #tpu.memory_space<vmem>>) target_semaphore(%arg13 : memref<!tpu.dma_semaphore, #tpu.memory_space<semaphore_mem>>)
    %dma_wait3A = arith.constant 0 : i32
    %dma_wait3A_28 = tpu.memref_slice %arg10[%mul3A_4, %dma_wait3A] : memref<10240x32xf32, #tpu.memory_space<vmem_shared>> -> memref<640x32xf32, #tpu.memory_space<vmem_shared>>
    %dma_wait3A_29 = arith.constant 0 : i32
    %dma_wait3A_30 = tpu.memref_slice %arg5[%mul3A_2, %dma_wait3A_29] : memref<10240x32xf32, #tpu.memory_space<hbm>> -> memref<640x32xf32, #tpu.memory_space<hbm>>
    tpu.wait_dma2 semaphore(%arg13 : memref<!tpu.dma_semaphore, #tpu.memory_space<semaphore_mem>>) src(%dma_wait3A_30 : memref<640x32xf32, #tpu.memory_space<hbm>>) dst(%dma_wait3A_28 : memref<640x32xf32, #tpu.memory_space<vmem_shared>>)
    %dma_wait3A_31 = arith.constant 0 : i32
    %dma_wait3A_32 = tpu.memref_slice %arg11[%mul3A_11, %dma_wait3A_31] : memref<10240x32xf32, #tpu.memory_space<vmem_shared>> -> memref<640x32xf32, #tpu.memory_space<vmem_shared>>
    %dma_wait3A_33 = arith.constant 0 : i32
    %dma_wait3A_34 = tpu.memref_slice %arg2[%mul3A_9, %dma_wait3A_33] : memref<10240x32xf32, #tpu.memory_space<hbm>> -> memref<640x32xf32, #tpu.memory_space<hbm>>
    tpu.wait_dma2 semaphore(%arg13 : memref<!tpu.dma_semaphore, #tpu.memory_space<semaphore_mem>>) src(%dma_wait3A_34 : memref<640x32xf32, #tpu.memory_space<hbm>>) dst(%dma_wait3A_32 : memref<640x32xf32, #tpu.memory_space<vmem_shared>>)
    %dma_wait3A_35 = arith.constant 0 : i32
    %dma_wait3A_36 = tpu.memref_slice %arg3[%mul3A_17, %dma_wait3A_35] : memref<320x1024xi32, #tpu.memory_space<hbm>> -> memref<10x1024xi32, #tpu.memory_space<hbm>>
    %dma_wait3A_37 = arith.constant 0 : i32
    %dma_wait3A_38 = tpu.memref_slice %arg3[%mul3A_17, %dma_wait3A_37] : memref<320x1024xi32, #tpu.memory_space<hbm>> -> memref<10x1024xi32, #tpu.memory_space<hbm>>
    tpu.wait_dma2 semaphore(%arg13 : memref<!tpu.dma_semaphore, #tpu.memory_space<semaphore_mem>>) src(%dma_wait3A_38 : memref<10x1024xi32, #tpu.memory_space<hbm>>) dst(%arg7 : memref<10x1024xi32, #tpu.memory_space<vmem>>)
    %dma_wait3A_39 = arith.constant 0 : i32
    %dma_wait3A_40 = tpu.memref_slice %arg4[%mul3A_23, %dma_wait3A_39] : memref<320x1024xi32, #tpu.memory_space<hbm>> -> memref<10x1024xi32, #tpu.memory_space<hbm>>
    %dma_wait3A_41 = arith.constant 0 : i32
    %dma_wait3A_42 = tpu.memref_slice %arg4[%mul3A_23, %dma_wait3A_41] : memref<320x1024xi32, #tpu.memory_space<hbm>> -> memref<10x1024xi32, #tpu.memory_space<hbm>>
    tpu.wait_dma2 semaphore(%arg13 : memref<!tpu.dma_semaphore, #tpu.memory_space<semaphore_mem>>) src(%dma_wait3A_42 : memref<10x1024xi32, #tpu.memory_space<hbm>>) dst(%arg8 : memref<10x1024xi32, #tpu.memory_space<vmem>>)
    %barrier3A = arith.constant 0 : index
    tpu.barrier barrier_id(%barrier3A)
    %dma_start3A_43 = arith.constant 0 : i32
    %dma_start3A_44 = arith.constant 0 : i32
    %dma_start3A_45 = arith.constant 0 : i32
    %dma_start3A_46 = arith.constant 0 : i32
    %dma_start3A_47 = tpu.memref_slice %arg9[%dma_start3A_44, %dma_start3A_45, %dma_start3A_46] : memref<2x1024x32xf32, #tpu.memory_space<vmem>> -> memref<1x1024x32xf32, #tpu.memory_space<vmem>>
    %dma_start3A_48 = tpu.memref_squeeze %dma_start3A_47 : memref<1x1024x32xf32, #tpu.memory_space<vmem>> -> memref<1024x32xf32, #tpu.memory_space<vmem>>
    %dma_start3A_49 = arith.constant 0 : i32
    %dma_start3A_50 = tpu.memref_slice %arg7[%dma_start3A_43, %dma_start3A_49] : memref<10x1024xi32, #tpu.memory_space<vmem>> -> memref<1x1024xi32, #tpu.memory_space<vmem>>
    %dma_start3A_51 = tpu.memref_squeeze %dma_start3A_50 : memref<1x1024xi32, #tpu.memory_space<vmem>> -> memref<1024xi32, #tpu.memory_space<vmem>>
    %dma_start3A_52 = arith.constant 0 : i32
    %dma_start3A_53 = arith.constant 0 : i32
    %dma_start3A_54 = tpu.memref_slice %arg11[%dma_start3A_52, %dma_start3A_53] : memref<10240x32xf32, #tpu.memory_space<vmem_shared>> -> memref<10240x32xf32, #tpu.memory_space<vmem_shared>>
    tpu.enqueue_indirect_dma source(%dma_start3A_54 : memref<10240x32xf32, #tpu.memory_space<vmem_shared>>) target(%dma_start3A_48 : memref<1024x32xf32, #tpu.memory_space<vmem>>) offsets(%dma_start3A_51 : memref<1024xi32, #tpu.memory_space<vmem>>) semaphore(%arg12 : memref<!tpu.dma_semaphore, #tpu.memory_space<semaphore_mem>>)
    %scan3A = arith.constant 0 : i32
    %scan3A_55 = arith.constant 10 : i32
    %scan3A_56 = arith.addi %scan3A, %scan3A_55 : i32
    %scan3A_57 = arith.constant 1 : i32
    scf.for %scan3A_76 = %scan3A to %scan3A_56 step %scan3A_57  : i32 {
      %mul3A_77 = arith.constant 1 : i32
      %mul3A_78 = arith.muli %scan3A_76, %mul3A_77 : i32
      %add3A_79 = arith.constant 0 : i32
      %add3A_80 = arith.addi %add3A_79, %mul3A_78 : i32
      %rem3A = arith.constant 2 : i32
      %rem3A_81 = arith.remsi %add3A_80, %rem3A : i32
      %dma_wait3A_82 = arith.constant 0 : i32
      %dma_wait3A_83 = arith.constant 0 : i32
      %dma_wait3A_84 = arith.constant 0 : i32
      %dma_wait3A_85 = tpu.memref_slice %arg9[%rem3A_81, %dma_wait3A_83, %dma_wait3A_84] : memref<2x1024x32xf32, #tpu.memory_space<vmem>> -> memref<1x1024x32xf32, #tpu.memory_space<vmem>>
      %dma_wait3A_86 = tpu.memref_squeeze %dma_wait3A_85 : memref<1x1024x32xf32, #tpu.memory_space<vmem>> -> memref<1024x32xf32, #tpu.memory_space<vmem>>
      %dma_wait3A_87 = arith.constant 0 : i32
      %dma_wait3A_88 = tpu.memref_slice %arg7[%dma_wait3A_82, %dma_wait3A_87] : memref<10x1024xi32, #tpu.memory_space<vmem>> -> memref<1x1024xi32, #tpu.memory_space<vmem>>
      %dma_wait3A_89 = tpu.memref_squeeze %dma_wait3A_88 : memref<1x1024xi32, #tpu.memory_space<vmem>> -> memref<1024xi32, #tpu.memory_space<vmem>>
      %dma_wait3A_90 = arith.constant 0 : i32
      %dma_wait3A_91 = arith.constant 0 : i32
      %dma_wait3A_92 = tpu.memref_slice %arg11[%dma_wait3A_90, %dma_wait3A_91] : memref<10240x32xf32, #tpu.memory_space<vmem_shared>> -> memref<10240x32xf32, #tpu.memory_space<vmem_shared>>
      tpu.wait_indirect_dma semaphore(%arg12 : memref<!tpu.dma_semaphore, #tpu.memory_space<semaphore_mem>>) src(%dma_wait3A_92 : memref<10240x32xf32, #tpu.memory_space<vmem_shared>>) dst(%dma_wait3A_86 : memref<1024x32xf32, #tpu.memory_space<vmem>>)
      %ge3A = arith.constant 1 : i32
      %ge3A_93 = arith.cmpi sge, %add3A_80, %ge3A : i32
      %convert_element_type3A = arith.extui %ge3A_93 : i1 to i32
      %cond3A = arith.constant 0 : i32
      %cond3A_94 = arith.cmpi ne, %convert_element_type3A, %cond3A : i32
      scf.if %cond3A_94 {
        %sub3A = arith.constant 1 : i32
        %sub3A_111 = arith.subi %sub3A, %rem3A_81 : i32
        %dma_wait3A_112 = arith.constant 0 : i32
        %dma_wait3A_113 = arith.constant 0 : i32
        %dma_wait3A_114 = arith.constant 0 : i32
        %dma_wait3A_115 = tpu.memref_slice %arg9[%sub3A_111, %dma_wait3A_113, %dma_wait3A_114] : memref<2x1024x32xf32, #tpu.memory_space<vmem>> -> memref<1x1024x32xf32, #tpu.memory_space<vmem>>
        %dma_wait3A_116 = tpu.memref_squeeze %dma_wait3A_115 : memref<1x1024x32xf32, #tpu.memory_space<vmem>> -> memref<1024x32xf32, #tpu.memory_space<vmem>>
        %dma_wait3A_117 = arith.constant 0 : i32
        %dma_wait3A_118 = tpu.memref_slice %arg8[%dma_wait3A_112, %dma_wait3A_117] : memref<10x1024xi32, #tpu.memory_space<vmem>> -> memref<1x1024xi32, #tpu.memory_space<vmem>>
        %dma_wait3A_119 = tpu.memref_squeeze %dma_wait3A_118 : memref<1x1024xi32, #tpu.memory_space<vmem>> -> memref<1024xi32, #tpu.memory_space<vmem>>
        %dma_wait3A_120 = arith.constant 0 : i32
        %dma_wait3A_121 = arith.constant 0 : i32
        %dma_wait3A_122 = tpu.memref_slice %arg10[%dma_wait3A_120, %dma_wait3A_121] : memref<10240x32xf32, #tpu.memory_space<vmem_shared>> -> memref<10240x32xf32, #tpu.memory_space<vmem_shared>>
        tpu.wait_indirect_dma semaphore(%arg13 : memref<!tpu.dma_semaphore, #tpu.memory_space<semaphore_mem>>) src(%dma_wait3A_116 : memref<1024x32xf32, #tpu.memory_space<vmem>>) dst(%dma_wait3A_122 : memref<10240x32xf32, #tpu.memory_space<vmem_shared>>)
      } else {
      }
      %add3A_95 = arith.constant 1 : i32
      %add3A_96 = arith.addi %add3A_80, %add3A_95 : i32
      %lt3A = arith.constant 10 : i32
      %lt3A_97 = arith.cmpi slt, %add3A_96, %lt3A : i32
      %convert_element_type3A_98 = arith.extui %lt3A_97 : i1 to i32
      %cond3A_99 = arith.constant 0 : i32
      %cond3A_100 = arith.cmpi ne, %convert_element_type3A_98, %cond3A_99 : i32
      scf.if %cond3A_100 {
        %add3A_111 = arith.constant 1 : i32
        %add3A_112 = arith.addi %add3A_80, %add3A_111 : i32
        %sub3A = arith.constant 1 : i32
        %sub3A_113 = arith.subi %sub3A, %rem3A_81 : i32
        %dma_start3A_114 = arith.constant 0 : i32
        %dma_start3A_115 = arith.constant 0 : i32
        %dma_start3A_116 = tpu.memref_slice %arg9[%sub3A_113, %dma_start3A_114, %dma_start3A_115] : memref<2x1024x32xf32, #tpu.memory_space<vmem>> -> memref<1x1024x32xf32, #tpu.memory_space<vmem>>
        %dma_start3A_117 = tpu.memref_squeeze %dma_start3A_116 : memref<1x1024x32xf32, #tpu.memory_space<vmem>> -> memref<1024x32xf32, #tpu.memory_space<vmem>>
        %dma_start3A_118 = arith.constant 0 : i32
        %dma_start3A_119 = tpu.memref_slice %arg7[%add3A_112, %dma_start3A_118] : memref<10x1024xi32, #tpu.memory_space<vmem>> -> memref<1x1024xi32, #tpu.memory_space<vmem>>
        %dma_start3A_120 = tpu.memref_squeeze %dma_start3A_119 : memref<1x1024xi32, #tpu.memory_space<vmem>> -> memref<1024xi32, #tpu.memory_space<vmem>>
        %dma_start3A_121 = arith.constant 0 : i32
        %dma_start3A_122 = arith.constant 0 : i32
        %dma_start3A_123 = tpu.memref_slice %arg11[%dma_start3A_121, %dma_start3A_122] : memref<10240x32xf32, #tpu.memory_space<vmem_shared>> -> memref<10240x32xf32, #tpu.memory_space<vmem_shared>>
        tpu.enqueue_indirect_dma source(%dma_start3A_123 : memref<10240x32xf32, #tpu.memory_space<vmem_shared>>) target(%dma_start3A_117 : memref<1024x32xf32, #tpu.memory_space<vmem>>) offsets(%dma_start3A_120 : memref<1024xi32, #tpu.memory_space<vmem>>) semaphore(%arg12 : memref<!tpu.dma_semaphore, #tpu.memory_space<semaphore_mem>>)
      } else {
      }
      %dma_start3A_101 = arith.constant 0 : i32
      %dma_start3A_102 = arith.constant 0 : i32
      %dma_start3A_103 = tpu.memref_slice %arg9[%rem3A_81, %dma_start3A_101, %dma_start3A_102] : memref<2x1024x32xf32, #tpu.memory_space<vmem>> -> memref<1x1024x32xf32, #tpu.memory_space<vmem>>
      %dma_start3A_104 = tpu.memref_squeeze %dma_start3A_103 : memref<1x1024x32xf32, #tpu.memory_space<vmem>> -> memref<1024x32xf32, #tpu.memory_space<vmem>>
      %dma_start3A_105 = arith.constant 0 : i32
      %dma_start3A_106 = tpu.memref_slice %arg8[%add3A_80, %dma_start3A_105] : memref<10x1024xi32, #tpu.memory_space<vmem>> -> memref<1x1024xi32, #tpu.memory_space<vmem>>
      %dma_start3A_107 = tpu.memref_squeeze %dma_start3A_106 : memref<1x1024xi32, #tpu.memory_space<vmem>> -> memref<1024xi32, #tpu.memory_space<vmem>>
      %dma_start3A_108 = arith.constant 0 : i32
      %dma_start3A_109 = arith.constant 0 : i32
      %dma_start3A_110 = tpu.memref_slice %arg10[%dma_start3A_108, %dma_start3A_109] : memref<10240x32xf32, #tpu.memory_space<vmem_shared>> -> memref<10240x32xf32, #tpu.memory_space<vmem_shared>>
      tpu.enqueue_indirect_dma source(%dma_start3A_104 : memref<1024x32xf32, #tpu.memory_space<vmem>>) target(%dma_start3A_110 : memref<10240x32xf32, #tpu.memory_space<vmem_shared>>) offsets(%dma_start3A_107 : memref<1024xi32, #tpu.memory_space<vmem>>) semaphore(%arg13 : memref<!tpu.dma_semaphore, #tpu.memory_space<semaphore_mem>>) {add = true}
    }
    %scan3A_58 = arith.constant 10 : i32
    %dma_wait3A_59 = arith.constant 1 : i32
    %dma_wait3A_60 = arith.constant 0 : i32
    %dma_wait3A_61 = arith.constant 0 : i32
    %dma_wait3A_62 = arith.constant 0 : i32
    %dma_wait3A_63 = tpu.memref_slice %arg9[%dma_wait3A_59, %dma_wait3A_61, %dma_wait3A_62] : memref<2x1024x32xf32, #tpu.memory_space<vmem>> -> memref<1x1024x32xf32, #tpu.memory_space<vmem>>
    %dma_wait3A_64 = tpu.memref_squeeze %dma_wait3A_63 : memref<1x1024x32xf32, #tpu.memory_space<vmem>> -> memref<1024x32xf32, #tpu.memory_space<vmem>>
    %dma_wait3A_65 = arith.constant 0 : i32
    %dma_wait3A_66 = tpu.memref_slice %arg8[%dma_wait3A_60, %dma_wait3A_65] : memref<10x1024xi32, #tpu.memory_space<vmem>> -> memref<1x1024xi32, #tpu.memory_space<vmem>>
    %dma_wait3A_67 = tpu.memref_squeeze %dma_wait3A_66 : memref<1x1024xi32, #tpu.memory_space<vmem>> -> memref<1024xi32, #tpu.memory_space<vmem>>
    %dma_wait3A_68 = arith.constant 0 : i32
    %dma_wait3A_69 = arith.constant 0 : i32
    %dma_wait3A_70 = tpu.memref_slice %arg10[%dma_wait3A_68, %dma_wait3A_69] : memref<10240x32xf32, #tpu.memory_space<vmem_shared>> -> memref<10240x32xf32, #tpu.memory_space<vmem_shared>>
    tpu.wait_indirect_dma semaphore(%arg13 : memref<!tpu.dma_semaphore, #tpu.memory_space<semaphore_mem>>) src(%dma_wait3A_64 : memref<1024x32xf32, #tpu.memory_space<vmem>>) dst(%dma_wait3A_70 : memref<10240x32xf32, #tpu.memory_space<vmem_shared>>)
    %barrier3A_71 = arith.constant 0 : index
    tpu.barrier barrier_id(%barrier3A_71)
    %mul3A_72 = arith.constant 640 : i32
    %mul3A_73 = arith.muli %arg1, %mul3A_72 : i32
    %mul3A_74 = arith.constant 640 : i32
    %mul3A_75 = arith.muli %arg1, %mul3A_74 : i32
    "tpu.region"() ({
      %run_scoped3A = tpu.sem_alloc : memref<!tpu.dma_semaphore, #tpu.memory_space<semaphore_mem>>
      %dma_start3A_76 = arith.constant 0 : i32
      %dma_start3A_77 = tpu.memref_slice %arg6[%arg0, %mul3A_75, %dma_start3A_76] : memref<2x10240x32xf32, #tpu.memory_space<hbm>> -> memref<1x640x32xf32, #tpu.memory_space<hbm>>
      %dma_start3A_78 = tpu.memref_squeeze %dma_start3A_77 : memref<1x640x32xf32, #tpu.memory_space<hbm>> -> memref<640x32xf32, #tpu.memory_space<hbm>>
      %dma_start3A_79 = arith.constant 0 : i32
      %dma_start3A_80 = tpu.memref_slice %arg10[%mul3A_73, %dma_start3A_79] : memref<10240x32xf32, #tpu.memory_space<vmem_shared>> -> memref<640x32xf32, #tpu.memory_space<vmem_shared>>
      tpu.enqueue_dma source(%dma_start3A_80 : memref<640x32xf32, #tpu.memory_space<vmem_shared>>) target(%dma_start3A_78 : memref<640x32xf32, #tpu.memory_space<hbm>>) target_semaphore(%run_scoped3A : memref<!tpu.dma_semaphore, #tpu.memory_space<semaphore_mem>>)
      %dma_wait3A_81 = arith.constant 0 : i32
      %dma_wait3A_82 = tpu.memref_slice %arg6[%arg0, %mul3A_75, %dma_wait3A_81] : memref<2x10240x32xf32, #tpu.memory_space<hbm>> -> memref<1x640x32xf32, #tpu.memory_space<hbm>>
      %dma_wait3A_83 = tpu.memref_squeeze %dma_wait3A_82 : memref<1x640x32xf32, #tpu.memory_space<hbm>> -> memref<640x32xf32, #tpu.memory_space<hbm>>
      %dma_wait3A_84 = arith.constant 0 : i32
      %dma_wait3A_85 = tpu.memref_slice %arg10[%mul3A_73, %dma_wait3A_84] : memref<10240x32xf32, #tpu.memory_space<vmem_shared>> -> memref<640x32xf32, #tpu.memory_space<vmem_shared>>
      tpu.wait_dma2 semaphore(%run_scoped3A : memref<!tpu.dma_semaphore, #tpu.memory_space<semaphore_mem>>) src(%dma_wait3A_85 : memref<640x32xf32, #tpu.memory_space<vmem_shared>>) dst(%dma_wait3A_83 : memref<640x32xf32, #tpu.memory_space<hbm>>)
      tpu.yield
    }) : () -> ()
    return
  }
}

#map = affine_map<(d0, d1) -> (0, 0)>
#map1 = affine_map<(d0, d1) -> (0, 0, 0)>
module attributes {stable_mosaic.version = 14 : i64} {
  func.func @seg_kernel(%arg0: i32, %arg1: i32, %arg2: memref<10240x32xf32, #tpu.memory_space<hbm>>, %arg3: memref<320x1024xi32, #tpu.memory_space<hbm>>, %arg4: memref<320x1024xi32, #tpu.memory_space<hbm>>, %arg5: memref<10240x32xf32, #tpu.memory_space<hbm>>, %arg6: memref<2x10240x32xf32, #tpu.memory_space<hbm>>, %arg7: memref<10x1024xi32, #tpu.memory_space<vmem>>, %arg8: memref<10x1024xi32, #tpu.memory_space<vmem>>, %arg9: memref<2x1024x32xf32, #tpu.memory_space<vmem>>, %arg10: memref<10240x32xf32, #tpu.memory_space<vmem_shared>>, %arg11: memref<10240x32xf32, #tpu.memory_space<vmem_shared>>, %arg12: memref<!tpu.dma_semaphore, #tpu.memory_space<semaphore_mem>>, %arg13: memref<!tpu.dma_semaphore, #tpu.memory_space<semaphore_mem>>) attributes {dimension_semantics = [#tpu.dimension_semantics<core_parallel>, #tpu.dimension_semantics<subcore_parallel>], iteration_bounds = array<i64: 2, 16>, scalar_prefetch = 0 : i64, scratch_operands = 7 : i64, tpu.core_type = #tpu.core_type<sc_vector_subcore>, window_params = [{transform_indices = #map}, {transform_indices = #map}, {transform_indices = #map}, {transform_indices = #map}, {transform_indices = #map1}]} {
    %mul3A = arith.constant 16 : i32
    %mul3A_0 = arith.muli %arg0, %mul3A : i32
    %add3A = arith.addi %mul3A_0, %arg1 : i32
    %mul3A_1 = arith.constant 640 : i32
    %mul3A_2 = arith.muli %arg1, %mul3A_1 : i32
    %mul3A_3 = arith.constant 640 : i32
    %mul3A_4 = arith.muli %arg1, %mul3A_3 : i32
    %dma_start3A = arith.constant 0 : i32
    %dma_start3A_5 = tpu.memref_slice %arg10[%mul3A_4, %dma_start3A] : memref<10240x32xf32, #tpu.memory_space<vmem_shared>> -> memref<640x32xf32, #tpu.memory_space<vmem_shared>>
    %dma_start3A_6 = arith.constant 0 : i32
    %dma_start3A_7 = tpu.memref_slice %arg5[%mul3A_2, %dma_start3A_6] : memref<10240x32xf32, #tpu.memory_space<hbm>> -> memref<640x32xf32, #tpu.memory_space<hbm>>
    tpu.enqueue_dma source(%dma_start3A_7 : memref<640x32xf32, #tpu.memory_space<hbm>>) target(%dma_start3A_5 : memref<640x32xf32, #tpu.memory_space<vmem_shared>>) target_semaphore(%arg13 : memref<!tpu.dma_semaphore, #tpu.memory_space<semaphore_mem>>)
    %mul3A_8 = arith.constant 640 : i32
    %mul3A_9 = arith.muli %arg1, %mul3A_8 : i32
    %mul3A_10 = arith.constant 640 : i32
    %mul3A_11 = arith.muli %arg1, %mul3A_10 : i32
    %dma_start3A_12 = arith.constant 0 : i32
    %dma_start3A_13 = tpu.memref_slice %arg11[%mul3A_11, %dma_start3A_12] : memref<10240x32xf32, #tpu.memory_space<vmem_shared>> -> memref<640x32xf32, #tpu.memory_space<vmem_shared>>
    %dma_start3A_14 = arith.constant 0 : i32
    %dma_start3A_15 = tpu.memref_slice %arg2[%mul3A_9, %dma_start3A_14] : memref<10240x32xf32, #tpu.memory_space<hbm>> -> memref<640x32xf32, #tpu.memory_space<hbm>>
    tpu.enqueue_dma source(%dma_start3A_15 : memref<640x32xf32, #tpu.memory_space<hbm>>) target(%dma_start3A_13 : memref<640x32xf32, #tpu.memory_space<vmem_shared>>) target_semaphore(%arg13 : memref<!tpu.dma_semaphore, #tpu.memory_space<semaphore_mem>>)
    %mul3A_16 = arith.constant 10 : i32
    %mul3A_17 = arith.muli %add3A, %mul3A_16 : i32
    %dma_start3A_18 = arith.constant 0 : i32
    %dma_start3A_19 = tpu.memref_slice %arg3[%mul3A_17, %dma_start3A_18] : memref<320x1024xi32, #tpu.memory_space<hbm>> -> memref<10x1024xi32, #tpu.memory_space<hbm>>
    %dma_start3A_20 = arith.constant 0 : i32
    %dma_start3A_21 = tpu.memref_slice %arg3[%mul3A_17, %dma_start3A_20] : memref<320x1024xi32, #tpu.memory_space<hbm>> -> memref<10x1024xi32, #tpu.memory_space<hbm>>
    tpu.enqueue_dma source(%dma_start3A_21 : memref<10x1024xi32, #tpu.memory_space<hbm>>) target(%arg7 : memref<10x1024xi32, #tpu.memory_space<vmem>>) target_semaphore(%arg13 : memref<!tpu.dma_semaphore, #tpu.memory_space<semaphore_mem>>)
    %mul3A_22 = arith.constant 10 : i32
    %mul3A_23 = arith.muli %add3A, %mul3A_22 : i32
    %dma_start3A_24 = arith.constant 0 : i32
    %dma_start3A_25 = tpu.memref_slice %arg4[%mul3A_23, %dma_start3A_24] : memref<320x1024xi32, #tpu.memory_space<hbm>> -> memref<10x1024xi32, #tpu.memory_space<hbm>>
    %dma_start3A_26 = arith.constant 0 : i32
    %dma_start3A_27 = tpu.memref_slice %arg4[%mul3A_23, %dma_start3A_26] : memref<320x1024xi32, #tpu.memory_space<hbm>> -> memref<10x1024xi32, #tpu.memory_space<hbm>>
    tpu.enqueue_dma source(%dma_start3A_27 : memref<10x1024xi32, #tpu.memory_space<hbm>>) target(%arg8 : memref<10x1024xi32, #tpu.memory_space<vmem>>) target_semaphore(%arg13 : memref<!tpu.dma_semaphore, #tpu.memory_space<semaphore_mem>>)
    %dma_wait3A = arith.constant 0 : i32
    %dma_wait3A_28 = tpu.memref_slice %arg10[%mul3A_4, %dma_wait3A] : memref<10240x32xf32, #tpu.memory_space<vmem_shared>> -> memref<640x32xf32, #tpu.memory_space<vmem_shared>>
    %dma_wait3A_29 = arith.constant 0 : i32
    %dma_wait3A_30 = tpu.memref_slice %arg5[%mul3A_2, %dma_wait3A_29] : memref<10240x32xf32, #tpu.memory_space<hbm>> -> memref<640x32xf32, #tpu.memory_space<hbm>>
    tpu.wait_dma2 semaphore(%arg13 : memref<!tpu.dma_semaphore, #tpu.memory_space<semaphore_mem>>) src(%dma_wait3A_30 : memref<640x32xf32, #tpu.memory_space<hbm>>) dst(%dma_wait3A_28 : memref<640x32xf32, #tpu.memory_space<vmem_shared>>)
    %dma_wait3A_31 = arith.constant 0 : i32
    %dma_wait3A_32 = tpu.memref_slice %arg11[%mul3A_11, %dma_wait3A_31] : memref<10240x32xf32, #tpu.memory_space<vmem_shared>> -> memref<640x32xf32, #tpu.memory_space<vmem_shared>>
    %dma_wait3A_33 = arith.constant 0 : i32
    %dma_wait3A_34 = tpu.memref_slice %arg2[%mul3A_9, %dma_wait3A_33] : memref<10240x32xf32, #tpu.memory_space<hbm>> -> memref<640x32xf32, #tpu.memory_space<hbm>>
    tpu.wait_dma2 semaphore(%arg13 : memref<!tpu.dma_semaphore, #tpu.memory_space<semaphore_mem>>) src(%dma_wait3A_34 : memref<640x32xf32, #tpu.memory_space<hbm>>) dst(%dma_wait3A_32 : memref<640x32xf32, #tpu.memory_space<vmem_shared>>)
    %dma_wait3A_35 = arith.constant 0 : i32
    %dma_wait3A_36 = tpu.memref_slice %arg3[%mul3A_17, %dma_wait3A_35] : memref<320x1024xi32, #tpu.memory_space<hbm>> -> memref<10x1024xi32, #tpu.memory_space<hbm>>
    %dma_wait3A_37 = arith.constant 0 : i32
    %dma_wait3A_38 = tpu.memref_slice %arg3[%mul3A_17, %dma_wait3A_37] : memref<320x1024xi32, #tpu.memory_space<hbm>> -> memref<10x1024xi32, #tpu.memory_space<hbm>>
    tpu.wait_dma2 semaphore(%arg13 : memref<!tpu.dma_semaphore, #tpu.memory_space<semaphore_mem>>) src(%dma_wait3A_38 : memref<10x1024xi32, #tpu.memory_space<hbm>>) dst(%arg7 : memref<10x1024xi32, #tpu.memory_space<vmem>>)
    %dma_wait3A_39 = arith.constant 0 : i32
    %dma_wait3A_40 = tpu.memref_slice %arg4[%mul3A_23, %dma_wait3A_39] : memref<320x1024xi32, #tpu.memory_space<hbm>> -> memref<10x1024xi32, #tpu.memory_space<hbm>>
    %dma_wait3A_41 = arith.constant 0 : i32
    %dma_wait3A_42 = tpu.memref_slice %arg4[%mul3A_23, %dma_wait3A_41] : memref<320x1024xi32, #tpu.memory_space<hbm>> -> memref<10x1024xi32, #tpu.memory_space<hbm>>
    tpu.wait_dma2 semaphore(%arg13 : memref<!tpu.dma_semaphore, #tpu.memory_space<semaphore_mem>>) src(%dma_wait3A_42 : memref<10x1024xi32, #tpu.memory_space<hbm>>) dst(%arg8 : memref<10x1024xi32, #tpu.memory_space<vmem>>)
    %barrier3A = arith.constant 0 : index
    tpu.barrier barrier_id(%barrier3A)
    %dma_start3A_43 = arith.constant 0 : i32
    %dma_start3A_44 = arith.constant 0 : i32
    %dma_start3A_45 = arith.constant 0 : i32
    %dma_start3A_46 = arith.constant 0 : i32
    %dma_start3A_47 = tpu.memref_slice %arg9[%dma_start3A_44, %dma_start3A_45, %dma_start3A_46] : memref<2x1024x32xf32, #tpu.memory_space<vmem>> -> memref<1x1024x32xf32, #tpu.memory_space<vmem>>
    %dma_start3A_48 = tpu.memref_squeeze %dma_start3A_47 : memref<1x1024x32xf32, #tpu.memory_space<vmem>> -> memref<1024x32xf32, #tpu.memory_space<vmem>>
    %dma_start3A_49 = arith.constant 0 : i32
    %dma_start3A_50 = tpu.memref_slice %arg7[%dma_start3A_43, %dma_start3A_49] : memref<10x1024xi32, #tpu.memory_space<vmem>> -> memref<1x1024xi32, #tpu.memory_space<vmem>>
    %dma_start3A_51 = tpu.memref_squeeze %dma_start3A_50 : memref<1x1024xi32, #tpu.memory_space<vmem>> -> memref<1024xi32, #tpu.memory_space<vmem>>
    %dma_start3A_52 = arith.constant 0 : i32
    %dma_start3A_53 = arith.constant 0 : i32
    %dma_start3A_54 = tpu.memref_slice %arg11[%dma_start3A_52, %dma_start3A_53] : memref<10240x32xf32, #tpu.memory_space<vmem_shared>> -> memref<10240x32xf32, #tpu.memory_space<vmem_shared>>
    tpu.enqueue_indirect_dma source(%dma_start3A_54 : memref<10240x32xf32, #tpu.memory_space<vmem_shared>>) target(%dma_start3A_48 : memref<1024x32xf32, #tpu.memory_space<vmem>>) offsets(%dma_start3A_51 : memref<1024xi32, #tpu.memory_space<vmem>>) semaphore(%arg12 : memref<!tpu.dma_semaphore, #tpu.memory_space<semaphore_mem>>)
    %scan3A = arith.constant 0 : i32
    %scan3A_55 = arith.constant 10 : i32
    %scan3A_56 = arith.addi %scan3A, %scan3A_55 : i32
    %scan3A_57 = arith.constant 1 : i32
    scf.for %scan3A_76 = %scan3A to %scan3A_56 step %scan3A_57  : i32 {
      %mul3A_77 = arith.constant 1 : i32
      %mul3A_78 = arith.muli %scan3A_76, %mul3A_77 : i32
      %add3A_79 = arith.constant 0 : i32
      %add3A_80 = arith.addi %add3A_79, %mul3A_78 : i32
      %rem3A = arith.constant 2 : i32
      %rem3A_81 = arith.remsi %add3A_80, %rem3A : i32
      %dma_wait3A_82 = arith.constant 0 : i32
      %dma_wait3A_83 = arith.constant 0 : i32
      %dma_wait3A_84 = arith.constant 0 : i32
      %dma_wait3A_85 = tpu.memref_slice %arg9[%rem3A_81, %dma_wait3A_83, %dma_wait3A_84] : memref<2x1024x32xf32, #tpu.memory_space<vmem>> -> memref<1x1024x32xf32, #tpu.memory_space<vmem>>
      %dma_wait3A_86 = tpu.memref_squeeze %dma_wait3A_85 : memref<1x1024x32xf32, #tpu.memory_space<vmem>> -> memref<1024x32xf32, #tpu.memory_space<vmem>>
      %dma_wait3A_87 = arith.constant 0 : i32
      %dma_wait3A_88 = tpu.memref_slice %arg7[%dma_wait3A_82, %dma_wait3A_87] : memref<10x1024xi32, #tpu.memory_space<vmem>> -> memref<1x1024xi32, #tpu.memory_space<vmem>>
      %dma_wait3A_89 = tpu.memref_squeeze %dma_wait3A_88 : memref<1x1024xi32, #tpu.memory_space<vmem>> -> memref<1024xi32, #tpu.memory_space<vmem>>
      %dma_wait3A_90 = arith.constant 0 : i32
      %dma_wait3A_91 = arith.constant 0 : i32
      %dma_wait3A_92 = tpu.memref_slice %arg11[%dma_wait3A_90, %dma_wait3A_91] : memref<10240x32xf32, #tpu.memory_space<vmem_shared>> -> memref<10240x32xf32, #tpu.memory_space<vmem_shared>>
      tpu.wait_indirect_dma semaphore(%arg12 : memref<!tpu.dma_semaphore, #tpu.memory_space<semaphore_mem>>) src(%dma_wait3A_92 : memref<10240x32xf32, #tpu.memory_space<vmem_shared>>) dst(%dma_wait3A_86 : memref<1024x32xf32, #tpu.memory_space<vmem>>)
      %ge3A = arith.constant 1 : i32
      %ge3A_93 = arith.cmpi sge, %add3A_80, %ge3A : i32
      %convert_element_type3A = arith.extui %ge3A_93 : i1 to i32
      %cond3A = arith.constant 0 : i32
      %cond3A_94 = arith.cmpi ne, %convert_element_type3A, %cond3A : i32
      scf.if %cond3A_94 {
        %sub3A = arith.constant 1 : i32
        %sub3A_111 = arith.subi %sub3A, %rem3A_81 : i32
        %dma_wait3A_112 = arith.constant 0 : i32
        %dma_wait3A_113 = arith.constant 0 : i32
        %dma_wait3A_114 = arith.constant 0 : i32
        %dma_wait3A_115 = tpu.memref_slice %arg9[%sub3A_111, %dma_wait3A_113, %dma_wait3A_114] : memref<2x1024x32xf32, #tpu.memory_space<vmem>> -> memref<1x1024x32xf32, #tpu.memory_space<vmem>>
        %dma_wait3A_116 = tpu.memref_squeeze %dma_wait3A_115 : memref<1x1024x32xf32, #tpu.memory_space<vmem>> -> memref<1024x32xf32, #tpu.memory_space<vmem>>
        %dma_wait3A_117 = arith.constant 0 : i32
        %dma_wait3A_118 = tpu.memref_slice %arg8[%dma_wait3A_112, %dma_wait3A_117] : memref<10x1024xi32, #tpu.memory_space<vmem>> -> memref<1x1024xi32, #tpu.memory_space<vmem>>
        %dma_wait3A_119 = tpu.memref_squeeze %dma_wait3A_118 : memref<1x1024xi32, #tpu.memory_space<vmem>> -> memref<1024xi32, #tpu.memory_space<vmem>>
        %dma_wait3A_120 = arith.constant 0 : i32
        %dma_wait3A_121 = arith.constant 0 : i32
        %dma_wait3A_122 = tpu.memref_slice %arg10[%dma_wait3A_120, %dma_wait3A_121] : memref<10240x32xf32, #tpu.memory_space<vmem_shared>> -> memref<10240x32xf32, #tpu.memory_space<vmem_shared>>
        tpu.wait_indirect_dma semaphore(%arg13 : memref<!tpu.dma_semaphore, #tpu.memory_space<semaphore_mem>>) src(%dma_wait3A_116 : memref<1024x32xf32, #tpu.memory_space<vmem>>) dst(%dma_wait3A_122 : memref<10240x32xf32, #tpu.memory_space<vmem_shared>>)
      } else {
      }
      %add3A_95 = arith.constant 1 : i32
      %add3A_96 = arith.addi %add3A_80, %add3A_95 : i32
      %lt3A = arith.constant 10 : i32
      %lt3A_97 = arith.cmpi slt, %add3A_96, %lt3A : i32
      %convert_element_type3A_98 = arith.extui %lt3A_97 : i1 to i32
      %cond3A_99 = arith.constant 0 : i32
      %cond3A_100 = arith.cmpi ne, %convert_element_type3A_98, %cond3A_99 : i32
      scf.if %cond3A_100 {
        %add3A_111 = arith.constant 1 : i32
        %add3A_112 = arith.addi %add3A_80, %add3A_111 : i32
        %sub3A = arith.constant 1 : i32
        %sub3A_113 = arith.subi %sub3A, %rem3A_81 : i32
        %dma_start3A_114 = arith.constant 0 : i32
        %dma_start3A_115 = arith.constant 0 : i32
        %dma_start3A_116 = tpu.memref_slice %arg9[%sub3A_113, %dma_start3A_114, %dma_start3A_115] : memref<2x1024x32xf32, #tpu.memory_space<vmem>> -> memref<1x1024x32xf32, #tpu.memory_space<vmem>>
        %dma_start3A_117 = tpu.memref_squeeze %dma_start3A_116 : memref<1x1024x32xf32, #tpu.memory_space<vmem>> -> memref<1024x32xf32, #tpu.memory_space<vmem>>
        %dma_start3A_118 = arith.constant 0 : i32
        %dma_start3A_119 = tpu.memref_slice %arg7[%add3A_112, %dma_start3A_118] : memref<10x1024xi32, #tpu.memory_space<vmem>> -> memref<1x1024xi32, #tpu.memory_space<vmem>>
        %dma_start3A_120 = tpu.memref_squeeze %dma_start3A_119 : memref<1x1024xi32, #tpu.memory_space<vmem>> -> memref<1024xi32, #tpu.memory_space<vmem>>
        %dma_start3A_121 = arith.constant 0 : i32
        %dma_start3A_122 = arith.constant 0 : i32
        %dma_start3A_123 = tpu.memref_slice %arg11[%dma_start3A_121, %dma_start3A_122] : memref<10240x32xf32, #tpu.memory_space<vmem_shared>> -> memref<10240x32xf32, #tpu.memory_space<vmem_shared>>
        tpu.enqueue_indirect_dma source(%dma_start3A_123 : memref<10240x32xf32, #tpu.memory_space<vmem_shared>>) target(%dma_start3A_117 : memref<1024x32xf32, #tpu.memory_space<vmem>>) offsets(%dma_start3A_120 : memref<1024xi32, #tpu.memory_space<vmem>>) semaphore(%arg12 : memref<!tpu.dma_semaphore, #tpu.memory_space<semaphore_mem>>)
      } else {
      }
      %dma_start3A_101 = arith.constant 0 : i32
      %dma_start3A_102 = arith.constant 0 : i32
      %dma_start3A_103 = tpu.memref_slice %arg9[%rem3A_81, %dma_start3A_101, %dma_start3A_102] : memref<2x1024x32xf32, #tpu.memory_space<vmem>> -> memref<1x1024x32xf32, #tpu.memory_space<vmem>>
      %dma_start3A_104 = tpu.memref_squeeze %dma_start3A_103 : memref<1x1024x32xf32, #tpu.memory_space<vmem>> -> memref<1024x32xf32, #tpu.memory_space<vmem>>
      %dma_start3A_105 = arith.constant 0 : i32
      %dma_start3A_106 = tpu.memref_slice %arg8[%add3A_80, %dma_start3A_105] : memref<10x1024xi32, #tpu.memory_space<vmem>> -> memref<1x1024xi32, #tpu.memory_space<vmem>>
      %dma_start3A_107 = tpu.memref_squeeze %dma_start3A_106 : memref<1x1024xi32, #tpu.memory_space<vmem>> -> memref<1024xi32, #tpu.memory_space<vmem>>
      %dma_start3A_108 = arith.constant 0 : i32
      %dma_start3A_109 = arith.constant 0 : i32
      %dma_start3A_110 = tpu.memref_slice %arg10[%dma_start3A_108, %dma_start3A_109] : memref<10240x32xf32, #tpu.memory_space<vmem_shared>> -> memref<10240x32xf32, #tpu.memory_space<vmem_shared>>
      tpu.enqueue_indirect_dma source(%dma_start3A_104 : memref<1024x32xf32, #tpu.memory_space<vmem>>) target(%dma_start3A_110 : memref<10240x32xf32, #tpu.memory_space<vmem_shared>>) offsets(%dma_start3A_107 : memref<1024xi32, #tpu.memory_space<vmem>>) semaphore(%arg13 : memref<!tpu.dma_semaphore, #tpu.memory_space<semaphore_mem>>) {add = true}
    }
    %scan3A_58 = arith.constant 10 : i32
    %dma_wait3A_59 = arith.constant 1 : i32
    %dma_wait3A_60 = arith.constant 0 : i32
    %dma_wait3A_61 = arith.constant 0 : i32
    %dma_wait3A_62 = arith.constant 0 : i32
    %dma_wait3A_63 = tpu.memref_slice %arg9[%dma_wait3A_59, %dma_wait3A_61, %dma_wait3A_62] : memref<2x1024x32xf32, #tpu.memory_space<vmem>> -> memref<1x1024x32xf32, #tpu.memory_space<vmem>>
    %dma_wait3A_64 = tpu.memref_squeeze %dma_wait3A_63 : memref<1x1024x32xf32, #tpu.memory_space<vmem>> -> memref<1024x32xf32, #tpu.memory_space<vmem>>
    %dma_wait3A_65 = arith.constant 0 : i32
    %dma_wait3A_66 = tpu.memref_slice %arg8[%dma_wait3A_60, %dma_wait3A_65] : memref<10x1024xi32, #tpu.memory_space<vmem>> -> memref<1x1024xi32, #tpu.memory_space<vmem>>
    %dma_wait3A_67 = tpu.memref_squeeze %dma_wait3A_66 : memref<1x1024xi32, #tpu.memory_space<vmem>> -> memref<1024xi32, #tpu.memory_space<vmem>>
    %dma_wait3A_68 = arith.constant 0 : i32
    %dma_wait3A_69 = arith.constant 0 : i32
    %dma_wait3A_70 = tpu.memref_slice %arg10[%dma_wait3A_68, %dma_wait3A_69] : memref<10240x32xf32, #tpu.memory_space<vmem_shared>> -> memref<10240x32xf32, #tpu.memory_space<vmem_shared>>
    tpu.wait_indirect_dma semaphore(%arg13 : memref<!tpu.dma_semaphore, #tpu.memory_space<semaphore_mem>>) src(%dma_wait3A_64 : memref<1024x32xf32, #tpu.memory_space<vmem>>) dst(%dma_wait3A_70 : memref<10240x32xf32, #tpu.memory_space<vmem_shared>>)
    %barrier3A_71 = arith.constant 0 : index
    tpu.barrier barrier_id(%barrier3A_71)
    %mul3A_72 = arith.constant 640 : i32
    %mul3A_73 = arith.muli %arg1, %mul3A_72 : i32
    %mul3A_74 = arith.constant 640 : i32
    %mul3A_75 = arith.muli %arg1, %mul3A_74 : i32
    "tpu.region"() ({
      %run_scoped3A = tpu.sem_alloc : memref<!tpu.dma_semaphore, #tpu.memory_space<semaphore_mem>>
      %dma_start3A_76 = arith.constant 0 : i32
      %dma_start3A_77 = tpu.memref_slice %arg6[%arg0, %mul3A_75, %dma_start3A_76] : memref<2x10240x32xf32, #tpu.memory_space<hbm>> -> memref<1x640x32xf32, #tpu.memory_space<hbm>>
      %dma_start3A_78 = tpu.memref_squeeze %dma_start3A_77 : memref<1x640x32xf32, #tpu.memory_space<hbm>> -> memref<640x32xf32, #tpu.memory_space<hbm>>
      %dma_start3A_79 = arith.constant 0 : i32
      %dma_start3A_80 = tpu.memref_slice %arg10[%mul3A_73, %dma_start3A_79] : memref<10240x32xf32, #tpu.memory_space<vmem_shared>> -> memref<640x32xf32, #tpu.memory_space<vmem_shared>>
      tpu.enqueue_dma source(%dma_start3A_80 : memref<640x32xf32, #tpu.memory_space<vmem_shared>>) target(%dma_start3A_78 : memref<640x32xf32, #tpu.memory_space<hbm>>) target_semaphore(%run_scoped3A : memref<!tpu.dma_semaphore, #tpu.memory_space<semaphore_mem>>)
      %dma_wait3A_81 = arith.constant 0 : i32
      %dma_wait3A_82 = tpu.memref_slice %arg6[%arg0, %mul3A_75, %dma_wait3A_81] : memref<2x10240x32xf32, #tpu.memory_space<hbm>> -> memref<1x640x32xf32, #tpu.memory_space<hbm>>
      %dma_wait3A_83 = tpu.memref_squeeze %dma_wait3A_82 : memref<1x640x32xf32, #tpu.memory_space<hbm>> -> memref<640x32xf32, #tpu.memory_space<hbm>>
      %dma_wait3A_84 = arith.constant 0 : i32
      %dma_wait3A_85 = tpu.memref_slice %arg10[%mul3A_73, %dma_wait3A_84] : memref<10240x32xf32, #tpu.memory_space<vmem_shared>> -> memref<640x32xf32, #tpu.memory_space<vmem_shared>>
      tpu.wait_dma2 semaphore(%run_scoped3A : memref<!tpu.dma_semaphore, #tpu.memory_space<semaphore_mem>>) src(%dma_wait3A_85 : memref<640x32xf32, #tpu.memory_space<vmem_shared>>) dst(%dma_wait3A_83 : memref<640x32xf32, #tpu.memory_space<hbm>>)
      tpu.yield
    }) : () -> ()
    return
  }
}

module attributes {stable_mosaic.version = 14 : i64} {
  func.func @_proj_kernel(%arg0: memref<10000x128xf32, #tpu.memory_space<vmem>>, %arg1: memref<128x32xf32, #tpu.memory_space<vmem>>, %arg2: memref<10240x32xf32, #tpu.memory_space<vmem>>) attributes {dimension_semantics = [], scalar_prefetch = 0 : i64, scratch_operands = 0 : i64, tpu.core_type = #tpu.core_type<tc>} {
    %get3A = arith.constant 0 : index
    %get3A_0 = arith.constant 0 : index
    %get3A_1 = vector.load %arg0[%get3A, %get3A_0] : memref<10000x128xf32, #tpu.memory_space<vmem>>, vector<10000x128xf32>
    %get3A_2 = arith.constant 0 : index
    %get3A_3 = arith.constant 0 : index
    %get3A_4 = vector.load %arg1[%get3A_2, %get3A_3] : memref<128x32xf32, #tpu.memory_space<vmem>>, vector<128x32xf32>
    %dot_general3A = arith.constant dense<0.000000e+00> : vector<10000x32xf32>
    %dot_general3A_5 = tpu.matmul %get3A_1, %get3A_4, %dot_general3A {dimension_numbers = #tpu.dot_dimension_numbers<[1], [0], [0], [1], [0, 0, 1, 1], [], []>, transpose_lhs_hint = false} : vector<10000x128xf32>, vector<128x32xf32>, vector<10000x32xf32> -> vector<10000x32xf32>
    %swap3A = arith.constant 0 : index
    %swap3A_6 = arith.constant 0 : index
    %swap3A_7 = vector.load %arg2[%swap3A, %swap3A_6] : memref<10240x32xf32, #tpu.memory_space<vmem>>, vector<10000x32xf32>
    tpu.vector_store %arg2[%swap3A, %swap3A_6], %dot_general3A_5 {strides = array<i32>} : memref<10240x32xf32, #tpu.memory_space<vmem>>, vector<10000x32xf32>,
    %broadcast_in_dim3A = arith.constant 0.000000e+00 : f32
    %broadcast_in_dim3A_8 = vector.broadcast %broadcast_in_dim3A : f32 to vector<240x32xf32>
    %swap3A_9 = arith.constant 10000 : index
    %swap3A_10 = arith.constant 0 : index
    %swap3A_11 = vector.load %arg2[%swap3A_9, %swap3A_10] : memref<10240x32xf32, #tpu.memory_space<vmem>>, vector<240x32xf32>
    tpu.vector_store %arg2[%swap3A_9, %swap3A_10], %broadcast_in_dim3A_8 {strides = array<i32>} : memref<10240x32xf32, #tpu.memory_space<vmem>>, vector<240x32xf32>,
    return
  }
}

module attributes {stable_mosaic.version = 14 : i64} {
  func.func @_mid_kernel(%arg0: memref<2560x128xf32, #tpu.memory_space<vmem>>, %arg1: memref<2x2560x128xf32, #tpu.memory_space<vmem>>, %arg2: memref<1x32xf32, #tpu.memory_space<vmem>>, %arg3: memref<32x32xf32, #tpu.memory_space<vmem>>, %arg4: memref<1x32xf32, #tpu.memory_space<vmem>>, %arg5: memref<1x32xf32, #tpu.memory_space<vmem>>, %arg6: memref<1x32xf32, #tpu.memory_space<vmem>>, %arg7: memref<32x32xf32, #tpu.memory_space<vmem>>, %arg8: memref<2560x128xf32, #tpu.memory_space<vmem>>) attributes {dimension_semantics = [], scalar_prefetch = 0 : i64, scratch_operands = 0 : i64, tpu.core_type = #tpu.core_type<tc>} {
    %get3A = arith.constant 0 : index
    %get3A_0 = arith.constant 0 : index
    %get3A_1 = vector.load %arg0[%get3A, %get3A_0] : memref<2560x128xf32, #tpu.memory_space<vmem>>, vector<2560x128xf32>
    %get3A_2 = arith.constant 0 : index
    %get3A_3 = arith.constant 0 : index
    %get3A_4 = arith.constant 0 : index
    %get3A_5 = vector.load %arg1[%get3A_2, %get3A_3, %get3A_4] : memref<2x2560x128xf32, #tpu.memory_space<vmem>>, vector<1x2560x128xf32>
    %get3A_6 = vector.shape_cast %get3A_5 : vector<1x2560x128xf32> to vector<2560x128xf32>
    %add3A = arith.addf %get3A_1, %get3A_6 : vector<2560x128xf32>
    %get3A_7 = arith.constant 1 : index
    %get3A_8 = arith.constant 0 : index
    %get3A_9 = arith.constant 0 : index
    %get3A_10 = vector.load %arg1[%get3A_7, %get3A_8, %get3A_9] : memref<2x2560x128xf32, #tpu.memory_space<vmem>>, vector<1x2560x128xf32>
    %get3A_11 = vector.shape_cast %get3A_10 : vector<1x2560x128xf32> to vector<2560x128xf32>
    %add3A_12 = arith.addf %add3A, %get3A_11 : vector<2560x128xf32>
    %get3A_13 = arith.constant 0 : index
    %get3A_14 = arith.constant 0 : index
    %get3A_15 = vector.load %arg2[%get3A_13, %get3A_14] : memref<1x32xf32, #tpu.memory_space<vmem>>, vector<1x32xf32>
    %concatenate3A = tpu.concatenate %get3A_15, %get3A_15, %get3A_15, %get3A_15 in 1 : vector<1x32xf32>, vector<1x32xf32>, vector<1x32xf32>, vector<1x32xf32> -> vector<1x128xf32>
    %add3A_16 = vector.broadcast %concatenate3A : vector<1x128xf32> to vector<2560x128xf32>
    %add3A_17 = arith.addf %add3A_12, %add3A_16 : vector<2560x128xf32>
    %max3A = arith.constant 0.000000e+00 : f32
    %max3A_18 = vector.broadcast %max3A : f32 to vector<2560x128xf32>
    %max3A_19 = arith.maximumf %add3A_17, %max3A_18 : vector<2560x128xf32>
    %get3A_20 = arith.constant 0 : index
    %get3A_21 = arith.constant 0 : index
    %get3A_22 = vector.load %arg3[%get3A_20, %get3A_21] : memref<32x32xf32, #tpu.memory_space<vmem>>, vector<32x32xf32>
    %get3A_23 = arith.constant 0 : index
    %get3A_24 = arith.constant 0 : index
    %get3A_25 = vector.load %arg4[%get3A_23, %get3A_24] : memref<1x32xf32, #tpu.memory_space<vmem>>, vector<1x32xf32>
    %get3A_26 = arith.constant 0 : index
    %get3A_27 = arith.constant 0 : index
    %get3A_28 = vector.load %arg5[%get3A_26, %get3A_27] : memref<1x32xf32, #tpu.memory_space<vmem>>, vector<1x32xf32>
    %get3A_29 = arith.constant 0 : index
    %get3A_30 = arith.constant 0 : index
    %get3A_31 = vector.load %arg6[%get3A_29, %get3A_30] : memref<1x32xf32, #tpu.memory_space<vmem>>, vector<1x32xf32>
    %iota3A = tpu.iota {dimensions = array<i32: 0>} : vector<128x128xi32>
    %iota3A_32 = tpu.iota {dimensions = array<i32: 1>} : vector<128x128xi32>
    %concatenate3A_33 = tpu.concatenate %get3A_22, %get3A_22, %get3A_22, %get3A_22 in 0 : vector<32x32xf32>, vector<32x32xf32>, vector<32x32xf32>, vector<32x32xf32> -> vector<128x32xf32>
    %concatenate3A_34 = tpu.concatenate %concatenate3A_33, %concatenate3A_33, %concatenate3A_33, %concatenate3A_33 in 1 : vector<128x32xf32>, vector<128x32xf32>, vector<128x32xf32>, vector<128x32xf32> -> vector<128x128xf32>
    %jit3A = arith.constant 32 : i32
    %div3A = vector.broadcast %jit3A : i32 to vector<128x128xi32>
    %div3A_35 = arith.divsi %iota3A, %div3A : vector<128x128xi32>
    %sign3A = arith.constant 0 : i32
    %sign3A_36 = vector.broadcast %sign3A : i32 to vector<128x128xi32>
    %sign3A_37 = arith.cmpi sgt, %iota3A, %sign3A_36 : vector<128x128xi32>
    %sign3A_38 = arith.extui %sign3A_37 : vector<128x128xi1> to vector<128x128xi32>
    %sign3A_39 = arith.constant 0 : i32
    %sign3A_40 = vector.broadcast %sign3A_39 : i32 to vector<128x128xi32>
    %sign3A_41 = arith.cmpi slt, %iota3A, %sign3A_40 : vector<128x128xi32>
    %sign3A_42 = arith.extui %sign3A_41 : vector<128x128xi1> to vector<128x128xi32>
    %sign3A_43 = arith.subi %sign3A_38, %sign3A_42 : vector<128x128xi32>
    %sign3A_44 = arith.constant 0 : i32
    %sign3A_45 = arith.cmpi sgt, %jit3A, %sign3A_44 : i32
    %sign3A_46 = arith.extui %sign3A_45 : i1 to i32
    %sign3A_47 = arith.constant 0 : i32
    %sign3A_48 = arith.cmpi slt, %jit3A, %sign3A_47 : i32
    %sign3A_49 = arith.extui %sign3A_48 : i1 to i32
    %sign3A_50 = arith.subi %sign3A_46, %sign3A_49 : i32
    %ne3A = vector.broadcast %sign3A_50 : i32 to vector<128x128xi32>
    %ne3A_51 = arith.cmpi ne, %sign3A_43, %ne3A : vector<128x128xi32>
    %rem3A = vector.broadcast %jit3A : i32 to vector<128x128xi32>
    %rem3A_52 = arith.remsi %iota3A, %rem3A : vector<128x128xi32>
    %ne3A_53 = arith.constant 0 : i32
    %ne3A_54 = vector.broadcast %ne3A_53 : i32 to vector<128x128xi32>
    %ne3A_55 = arith.cmpi ne, %rem3A_52, %ne3A_54 : vector<128x128xi32>
    %and3A = arith.andi %ne3A_51, %ne3A_55 : vector<128x128xi1>
    %sub3A = arith.constant 1 : i32
    %sub3A_56 = vector.broadcast %sub3A : i32 to vector<128x128xi32>
    %sub3A_57 = arith.subi %div3A_35, %sub3A_56 : vector<128x128xi32>
    %select_n3A = arith.select %and3A, %sub3A_57, %div3A_35 : vector<128x128xi1>, vector<128x128xi32>
    %jit3A_58 = arith.constant 32 : i32
    %div3A_59 = vector.broadcast %jit3A_58 : i32 to vector<128x128xi32>
    %div3A_60 = arith.divsi %iota3A_32, %div3A_59 : vector<128x128xi32>
    %sign3A_61 = arith.constant 0 : i32
    %sign3A_62 = vector.broadcast %sign3A_61 : i32 to vector<128x128xi32>
    %sign3A_63 = arith.cmpi sgt, %iota3A_32, %sign3A_62 : vector<128x128xi32>
    %sign3A_64 = arith.extui %sign3A_63 : vector<128x128xi1> to vector<128x128xi32>
    %sign3A_65 = arith.constant 0 : i32
    %sign3A_66 = vector.broadcast %sign3A_65 : i32 to vector<128x128xi32>
    %sign3A_67 = arith.cmpi slt, %iota3A_32, %sign3A_66 : vector<128x128xi32>
    %sign3A_68 = arith.extui %sign3A_67 : vector<128x128xi1> to vector<128x128xi32>
    %sign3A_69 = arith.subi %sign3A_64, %sign3A_68 : vector<128x128xi32>
    %sign3A_70 = arith.constant 0 : i32
    %sign3A_71 = arith.cmpi sgt, %jit3A_58, %sign3A_70 : i32
    %sign3A_72 = arith.extui %sign3A_71 : i1 to i32
    %sign3A_73 = arith.constant 0 : i32
    %sign3A_74 = arith.cmpi slt, %jit3A_58, %sign3A_73 : i32
    %sign3A_75 = arith.extui %sign3A_74 : i1 to i32
    %sign3A_76 = arith.subi %sign3A_72, %sign3A_75 : i32
    %ne3A_77 = vector.broadcast %sign3A_76 : i32 to vector<128x128xi32>
    %ne3A_78 = arith.cmpi ne, %sign3A_69, %ne3A_77 : vector<128x128xi32>
    %rem3A_79 = vector.broadcast %jit3A_58 : i32 to vector<128x128xi32>
    %rem3A_80 = arith.remsi %iota3A_32, %rem3A_79 : vector<128x128xi32>
    %ne3A_81 = arith.constant 0 : i32
    %ne3A_82 = vector.broadcast %ne3A_81 : i32 to vector<128x128xi32>
    %ne3A_83 = arith.cmpi ne, %rem3A_80, %ne3A_82 : vector<128x128xi32>
    %and3A_84 = arith.andi %ne3A_78, %ne3A_83 : vector<128x128xi1>
    %sub3A_85 = arith.constant 1 : i32
    %sub3A_86 = vector.broadcast %sub3A_85 : i32 to vector<128x128xi32>
    %sub3A_87 = arith.subi %div3A_60, %sub3A_86 : vector<128x128xi32>
    %select_n3A_88 = arith.select %and3A_84, %sub3A_87, %div3A_60 : vector<128x128xi1>, vector<128x128xi32>
    %eq3A = arith.cmpi eq, %select_n3A, %select_n3A_88 : vector<128x128xi32>
    %jit3A_89 = arith.constant 0.000000e+00 : f32
    %broadcast_in_dim3A = vector.broadcast %jit3A_89 : f32 to vector<128x128xf32>
    %select_n3A_90 = arith.select %eq3A, %concatenate3A_34, %broadcast_in_dim3A : vector<128x128xi1>, vector<128x128xf32>
    %dot_general3A = arith.constant dense<0.000000e+00> : vector<2560x128xf32>
    %dot_general3A_91 = tpu.matmul %max3A_19, %select_n3A_90, %dot_general3A {dimension_numbers = #tpu.dot_dimension_numbers<[1], [0], [0], [1], [0, 0, 1, 1], [], []>, transpose_lhs_hint = false} : vector<2560x128xf32>, vector<128x128xf32>, vector<2560x128xf32> -> vector<2560x128xf32>
    %concatenate3A_92 = tpu.concatenate %get3A_25, %get3A_25, %get3A_25, %get3A_25 in 1 : vector<1x32xf32>, vector<1x32xf32>, vector<1x32xf32>, vector<1x32xf32> -> vector<1x128xf32>
    %add3A_93 = vector.broadcast %concatenate3A_92 : vector<1x128xf32> to vector<2560x128xf32>
    %add3A_94 = arith.addf %dot_general3A_91, %add3A_93 : vector<2560x128xf32>
    %max3A_95 = arith.constant 0.000000e+00 : f32
    %max3A_96 = vector.broadcast %max3A_95 : f32 to vector<2560x128xf32>
    %max3A_97 = arith.maximumf %add3A_94, %max3A_96 : vector<2560x128xf32>
    %iota3A_98 = tpu.iota {dimensions = array<i32: 0>} : vector<128x128xi32>
    %iota3A_99 = tpu.iota {dimensions = array<i32: 1>} : vector<128x128xi32>
    %jit3A_100 = arith.constant 32 : i32
    %eq3A_101 = arith.constant 0 : i32
    %eq3A_102 = arith.cmpi eq, %jit3A_100, %eq3A_101 : i32
    %jit3A_103 = arith.constant 1 : i32
    %select_n3A_104 = arith.select %eq3A_102, %jit3A_103, %jit3A_100 : i32
    %rem3A_105 = vector.broadcast %select_n3A_104 : i32 to vector<128x128xi32>
    %rem3A_106 = arith.remsi %iota3A_98, %rem3A_105 : vector<128x128xi32>
    %ne3A_107 = arith.constant 0 : i32
    %ne3A_108 = vector.broadcast %ne3A_107 : i32 to vector<128x128xi32>
    %ne3A_109 = arith.cmpi ne, %rem3A_106, %ne3A_108 : vector<128x128xi32>
    %lt3A = arith.constant 0 : i32
    %lt3A_110 = vector.broadcast %lt3A : i32 to vector<128x128xi32>
    %lt3A_111 = arith.cmpi slt, %rem3A_106, %lt3A_110 : vector<128x128xi32>
    %lt3A_112 = arith.constant 0 : i32
    %lt3A_113 = arith.cmpi slt, %select_n3A_104, %lt3A_112 : i32
    %ne3A_114 = vector.broadcast %lt3A_113 : i1 to vector<128x128xi1>
    %ne3A_115 = vector.broadcast %ne3A_114 : vector<128x128xi1> to vector<128x128xi1>
    %ne3A_116 = arith.xori %lt3A_111, %ne3A_115 : vector<128x128xi1>
    %and3A_117 = arith.andi %ne3A_116, %ne3A_109 : vector<128x128xi1>
    %add3A_118 = vector.broadcast %select_n3A_104 : i32 to vector<128x128xi32>
    %add3A_119 = arith.addi %rem3A_106, %add3A_118 : vector<128x128xi32>
    %select_n3A_120 = arith.select %and3A_117, %add3A_119, %rem3A_106 : vector<128x128xi1>, vector<128x128xi32>
    %jit3A_121 = arith.constant 32 : i32
    %eq3A_122 = arith.constant 0 : i32
    %eq3A_123 = arith.cmpi eq, %jit3A_121, %eq3A_122 : i32
    %jit3A_124 = arith.constant 1 : i32
    %select_n3A_125 = arith.select %eq3A_123, %jit3A_124, %jit3A_121 : i32
    %rem3A_126 = vector.broadcast %select_n3A_125 : i32 to vector<128x128xi32>
    %rem3A_127 = arith.remsi %iota3A_99, %rem3A_126 : vector<128x128xi32>
    %ne3A_128 = arith.constant 0 : i32
    %ne3A_129 = vector.broadcast %ne3A_128 : i32 to vector<128x128xi32>
    %ne3A_130 = arith.cmpi ne, %rem3A_127, %ne3A_129 : vector<128x128xi32>
    %lt3A_131 = arith.constant 0 : i32
    %lt3A_132 = vector.broadcast %lt3A_131 : i32 to vector<128x128xi32>
    %lt3A_133 = arith.cmpi slt, %rem3A_127, %lt3A_132 : vector<128x128xi32>
    %lt3A_134 = arith.constant 0 : i32
    %lt3A_135 = arith.cmpi slt, %select_n3A_125, %lt3A_134 : i32
    %ne3A_136 = vector.broadcast %lt3A_135 : i1 to vector<128x128xi1>
    %ne3A_137 = vector.broadcast %ne3A_136 : vector<128x128xi1> to vector<128x128xi1>
    %ne3A_138 = arith.xori %lt3A_133, %ne3A_137 : vector<128x128xi1>
    %and3A_139 = arith.andi %ne3A_138, %ne3A_130 : vector<128x128xi1>
    %add3A_140 = vector.broadcast %select_n3A_125 : i32 to vector<128x128xi32>
    %add3A_141 = arith.addi %rem3A_127, %add3A_140 : vector<128x128xi32>
    %select_n3A_142 = arith.select %and3A_139, %add3A_141, %rem3A_127 : vector<128x128xi1>, vector<128x128xi32>
    %eq3A_143 = arith.cmpi eq, %select_n3A_120, %select_n3A_142 : vector<128x128xi32>
    %jit3A_144 = arith.constant 2.500000e-01 : f32
    %jit3A_145 = arith.constant 0.000000e+00 : f32
    %broadcast_in_dim3A_146 = vector.broadcast %jit3A_144 : f32 to vector<128x128xf32>
    %broadcast_in_dim3A_147 = vector.broadcast %jit3A_145 : f32 to vector<128x128xf32>
    %select_n3A_148 = arith.select %eq3A_143, %broadcast_in_dim3A_146, %broadcast_in_dim3A_147 : vector<128x128xi1>, vector<128x128xf32>
    %iota3A_149 = tpu.iota {dimensions = array<i32: 0>} : vector<2560x1xi32>
    %lt3A_150 = arith.constant 2500 : i32
    %lt3A_151 = vector.broadcast %lt3A_150 : i32 to vector<2560x1xi32>
    %lt3A_152 = arith.cmpi slt, %iota3A_149, %lt3A_151 : vector<2560x1xi32>
    %jit3A_153 = arith.constant 0.000000e+00 : f32
    %broadcast_in_dim3A_154 = vector.shape_cast %lt3A_152 : vector<2560x1xi1> to vector<2560x1xi1>
    %broadcast_in_dim3A_155 = vector.broadcast %broadcast_in_dim3A_154 : vector<2560x1xi1> to vector<2560x128xi1>
    %broadcast_in_dim3A_156 = vector.broadcast %jit3A_153 : f32 to vector<2560x128xf32>
    %select_n3A_157 = arith.select %broadcast_in_dim3A_155, %max3A_97, %broadcast_in_dim3A_156 : vector<2560x128xi1>, vector<2560x128xf32>
    %reduce_sum3A = arith.constant dense<0.000000e+00> : vector<128xf32>
    %reduce_sum3A_158 = vector.multi_reduction <add>, %select_n3A_157, %reduce_sum3A [0] : vector<2560x128xf32> to vector<128xf32>
    %broadcast_in_dim3A_159 = vector.shape_cast %reduce_sum3A_158 : vector<128xf32> to vector<1x128xf32>
    %mul3A = arith.constant 4.000000e-04 : f32
    %mul3A_160 = vector.broadcast %mul3A : f32 to vector<1x128xf32>
    %mul3A_161 = arith.mulf %broadcast_in_dim3A_159, %mul3A_160 : vector<1x128xf32>
    %dot_general3A_162 = arith.constant dense<0.000000e+00> : vector<1x128xf32>
    %dot_general3A_163 = tpu.matmul %mul3A_161, %select_n3A_148, %dot_general3A_162 {dimension_numbers = #tpu.dot_dimension_numbers<[1], [0], [0], [1], [0, 0, 1, 1], [], []>, transpose_lhs_hint = false} : vector<1x128xf32>, vector<128x128xf32>, vector<1x128xf32> -> vector<1x128xf32>
    %sub3A_164 = vector.broadcast %dot_general3A_163 : vector<1x128xf32> to vector<2560x128xf32>
    %sub3A_165 = arith.subf %max3A_97, %sub3A_164 : vector<2560x128xf32>
    %jit3A_166 = arith.constant 0.000000e+00 : f32
    %broadcast_in_dim3A_167 = vector.shape_cast %lt3A_152 : vector<2560x1xi1> to vector<2560x1xi1>
    %broadcast_in_dim3A_168 = vector.broadcast %broadcast_in_dim3A_167 : vector<2560x1xi1> to vector<2560x128xi1>
    %broadcast_in_dim3A_169 = vector.broadcast %jit3A_166 : f32 to vector<2560x128xf32>
    %select_n3A_170 = arith.select %broadcast_in_dim3A_168, %sub3A_165, %broadcast_in_dim3A_169 : vector<2560x128xi1>, vector<2560x128xf32>
    %mul3A_171 = arith.mulf %select_n3A_170, %select_n3A_170 : vector<2560x128xf32>
    %reduce_sum3A_172 = arith.constant dense<0.000000e+00> : vector<128xf32>
    %reduce_sum3A_173 = vector.multi_reduction <add>, %mul3A_171, %reduce_sum3A_172 [0] : vector<2560x128xf32> to vector<128xf32>
    %broadcast_in_dim3A_174 = vector.shape_cast %reduce_sum3A_173 : vector<128xf32> to vector<1x128xf32>
    %mul3A_175 = arith.constant 4.000000e-04 : f32
    %mul3A_176 = vector.broadcast %mul3A_175 : f32 to vector<1x128xf32>
    %mul3A_177 = arith.mulf %broadcast_in_dim3A_174, %mul3A_176 : vector<1x128xf32>
    %dot_general3A_178 = arith.constant dense<0.000000e+00> : vector<1x128xf32>
    %dot_general3A_179 = tpu.matmul %mul3A_177, %select_n3A_148, %dot_general3A_178 {dimension_numbers = #tpu.dot_dimension_numbers<[1], [0], [0], [1], [0, 0, 1, 1], [], []>, transpose_lhs_hint = false} : vector<1x128xf32>, vector<128x128xf32>, vector<1x128xf32> -> vector<1x128xf32>
    %add3A_180 = arith.constant 9.99999974E-6 : f32
    %add3A_181 = vector.broadcast %add3A_180 : f32 to vector<1x128xf32>
    %add3A_182 = arith.addf %dot_general3A_179, %add3A_181 : vector<1x128xf32>
    %rsqrt3A = math.rsqrt %add3A_182 : vector<1x128xf32>
    %mul3A_183 = vector.broadcast %rsqrt3A : vector<1x128xf32> to vector<2560x128xf32>
    %mul3A_184 = arith.mulf %sub3A_165, %mul3A_183 : vector<2560x128xf32>
    %concatenate3A_185 = tpu.concatenate %get3A_28, %get3A_28, %get3A_28, %get3A_28 in 1 : vector<1x32xf32>, vector<1x32xf32>, vector<1x32xf32>, vector<1x32xf32> -> vector<1x128xf32>
    %mul3A_186 = vector.broadcast %concatenate3A_185 : vector<1x128xf32> to vector<2560x128xf32>
    %mul3A_187 = arith.mulf %mul3A_184, %mul3A_186 : vector<2560x128xf32>
    %concatenate3A_188 = tpu.concatenate %get3A_31, %get3A_31, %get3A_31, %get3A_31 in 1 : vector<1x32xf32>, vector<1x32xf32>, vector<1x32xf32>, vector<1x32xf32> -> vector<1x128xf32>
    %add3A_189 = vector.broadcast %concatenate3A_188 : vector<1x128xf32> to vector<2560x128xf32>
    %add3A_190 = arith.addf %mul3A_187, %add3A_189 : vector<2560x128xf32>
    %get3A_191 = arith.constant 0 : index
    %get3A_192 = arith.constant 0 : index
    %get3A_193 = vector.load %arg7[%get3A_191, %get3A_192] : memref<32x32xf32, #tpu.memory_space<vmem>>, vector<32x32xf32>
    %iota3A_194 = tpu.iota {dimensions = array<i32: 0>} : vector<128x128xi32>
    %iota3A_195 = tpu.iota {dimensions = array<i32: 1>} : vector<128x128xi32>
    %concatenate3A_196 = tpu.concatenate %get3A_193, %get3A_193, %get3A_193, %get3A_193 in 0 : vector<32x32xf32>, vector<32x32xf32>, vector<32x32xf32>, vector<32x32xf32> -> vector<128x32xf32>
    %concatenate3A_197 = tpu.concatenate %concatenate3A_196, %concatenate3A_196, %concatenate3A_196, %concatenate3A_196 in 1 : vector<128x32xf32>, vector<128x32xf32>, vector<128x32xf32>, vector<128x32xf32> -> vector<128x128xf32>
    %jit3A_198 = arith.constant 32 : i32
    %div3A_199 = vector.broadcast %jit3A_198 : i32 to vector<128x128xi32>
    %div3A_200 = arith.divsi %iota3A_194, %div3A_199 : vector<128x128xi32>
    %sign3A_201 = arith.constant 0 : i32
    %sign3A_202 = vector.broadcast %sign3A_201 : i32 to vector<128x128xi32>
    %sign3A_203 = arith.cmpi sgt, %iota3A_194, %sign3A_202 : vector<128x128xi32>
    %sign3A_204 = arith.extui %sign3A_203 : vector<128x128xi1> to vector<128x128xi32>
    %sign3A_205 = arith.constant 0 : i32
    %sign3A_206 = vector.broadcast %sign3A_205 : i32 to vector<128x128xi32>
    %sign3A_207 = arith.cmpi slt, %iota3A_194, %sign3A_206 : vector<128x128xi32>
    %sign3A_208 = arith.extui %sign3A_207 : vector<128x128xi1> to vector<128x128xi32>
    %sign3A_209 = arith.subi %sign3A_204, %sign3A_208 : vector<128x128xi32>
    %sign3A_210 = arith.constant 0 : i32
    %sign3A_211 = arith.cmpi sgt, %jit3A_198, %sign3A_210 : i32
    %sign3A_212 = arith.extui %sign3A_211 : i1 to i32
    %sign3A_213 = arith.constant 0 : i32
    %sign3A_214 = arith.cmpi slt, %jit3A_198, %sign3A_213 : i32
    %sign3A_215 = arith.extui %sign3A_214 : i1 to i32
    %sign3A_216 = arith.subi %sign3A_212, %sign3A_215 : i32
    %ne3A_217 = vector.broadcast %sign3A_216 : i32 to vector<128x128xi32>
    %ne3A_218 = arith.cmpi ne, %sign3A_209, %ne3A_217 : vector<128x128xi32>
    %rem3A_219 = vector.broadcast %jit3A_198 : i32 to vector<128x128xi32>
    %rem3A_220 = arith.remsi %iota3A_194, %rem3A_219 : vector<128x128xi32>
    %ne3A_221 = arith.constant 0 : i32
    %ne3A_222 = vector.broadcast %ne3A_221 : i32 to vector<128x128xi32>
    %ne3A_223 = arith.cmpi ne, %rem3A_220, %ne3A_222 : vector<128x128xi32>
    %and3A_224 = arith.andi %ne3A_218, %ne3A_223 : vector<128x128xi1>
    %sub3A_225 = arith.constant 1 : i32
    %sub3A_226 = vector.broadcast %sub3A_225 : i32 to vector<128x128xi32>
    %sub3A_227 = arith.subi %div3A_200, %sub3A_226 : vector<128x128xi32>
    %select_n3A_228 = arith.select %and3A_224, %sub3A_227, %div3A_200 : vector<128x128xi1>, vector<128x128xi32>
    %jit3A_229 = arith.constant 32 : i32
    %div3A_230 = vector.broadcast %jit3A_229 : i32 to vector<128x128xi32>
    %div3A_231 = arith.divsi %iota3A_195, %div3A_230 : vector<128x128xi32>
    %sign3A_232 = arith.constant 0 : i32
    %sign3A_233 = vector.broadcast %sign3A_232 : i32 to vector<128x128xi32>
    %sign3A_234 = arith.cmpi sgt, %iota3A_195, %sign3A_233 : vector<128x128xi32>
    %sign3A_235 = arith.extui %sign3A_234 : vector<128x128xi1> to vector<128x128xi32>
    %sign3A_236 = arith.constant 0 : i32
    %sign3A_237 = vector.broadcast %sign3A_236 : i32 to vector<128x128xi32>
    %sign3A_238 = arith.cmpi slt, %iota3A_195, %sign3A_237 : vector<128x128xi32>
    %sign3A_239 = arith.extui %sign3A_238 : vector<128x128xi1> to vector<128x128xi32>
    %sign3A_240 = arith.subi %sign3A_235, %sign3A_239 : vector<128x128xi32>
    %sign3A_241 = arith.constant 0 : i32
    %sign3A_242 = arith.cmpi sgt, %jit3A_229, %sign3A_241 : i32
    %sign3A_243 = arith.extui %sign3A_242 : i1 to i32
    %sign3A_244 = arith.constant 0 : i32
    %sign3A_245 = arith.cmpi slt, %jit3A_229, %sign3A_244 : i32
    %sign3A_246 = arith.extui %sign3A_245 : i1 to i32
    %sign3A_247 = arith.subi %sign3A_243, %sign3A_246 : i32
    %ne3A_248 = vector.broadcast %sign3A_247 : i32 to vector<128x128xi32>
    %ne3A_249 = arith.cmpi ne, %sign3A_240, %ne3A_248 : vector<128x128xi32>
    %rem3A_250 = vector.broadcast %jit3A_229 : i32 to vector<128x128xi32>
    %rem3A_251 = arith.remsi %iota3A_195, %rem3A_250 : vector<128x128xi32>
    %ne3A_252 = arith.constant 0 : i32
    %ne3A_253 = vector.broadcast %ne3A_252 : i32 to vector<128x128xi32>
    %ne3A_254 = arith.cmpi ne, %rem3A_251, %ne3A_253 : vector<128x128xi32>
    %and3A_255 = arith.andi %ne3A_249, %ne3A_254 : vector<128x128xi1>
    %sub3A_256 = arith.constant 1 : i32
    %sub3A_257 = vector.broadcast %sub3A_256 : i32 to vector<128x128xi32>
    %sub3A_258 = arith.subi %div3A_231, %sub3A_257 : vector<128x128xi32>
    %select_n3A_259 = arith.select %and3A_255, %sub3A_258, %div3A_231 : vector<128x128xi1>, vector<128x128xi32>
    %eq3A_260 = arith.cmpi eq, %select_n3A_228, %select_n3A_259 : vector<128x128xi32>
    %jit3A_261 = arith.constant 0.000000e+00 : f32
    %broadcast_in_dim3A_262 = vector.broadcast %jit3A_261 : f32 to vector<128x128xf32>
    %select_n3A_263 = arith.select %eq3A_260, %concatenate3A_197, %broadcast_in_dim3A_262 : vector<128x128xi1>, vector<128x128xf32>
    %dot_general3A_264 = arith.constant dense<0.000000e+00> : vector<2560x128xf32>
    %dot_general3A_265 = tpu.matmul %add3A_190, %select_n3A_263, %dot_general3A_264 {dimension_numbers = #tpu.dot_dimension_numbers<[1], [0], [0], [1], [0, 0, 1, 1], [], []>, transpose_lhs_hint = false} : vector<2560x128xf32>, vector<128x128xf32>, vector<2560x128xf32> -> vector<2560x128xf32>
    %swap3A = arith.constant 0 : index
    %swap3A_266 = arith.constant 0 : index
    %swap3A_267 = vector.load %arg8[%swap3A, %swap3A_266] : memref<2560x128xf32, #tpu.memory_space<vmem>>, vector<2560x128xf32>
    tpu.vector_store %arg8[%swap3A, %swap3A_266], %dot_general3A_265 {strides = array<i32>} : memref<2560x128xf32, #tpu.memory_space<vmem>>, vector<2560x128xf32>,
    return
  }
}

module attributes {stable_mosaic.version = 14 : i64} {
  func.func @_final_kernel(%arg0: memref<2560x128xf32, #tpu.memory_space<vmem>>, %arg1: memref<2x2560x128xf32, #tpu.memory_space<vmem>>, %arg2: memref<1x32xf32, #tpu.memory_space<vmem>>, %arg3: memref<32x32xf32, #tpu.memory_space<vmem>>, %arg4: memref<1x32xf32, #tpu.memory_space<vmem>>, %arg5: memref<1x32xf32, #tpu.memory_space<vmem>>, %arg6: memref<1x32xf32, #tpu.memory_space<vmem>>, %arg7: memref<2560x4xi32, #tpu.memory_space<vmem>>, %arg8: memref<32x32xf32, #tpu.memory_space<vmem>>, %arg9: memref<1x32xf32, #tpu.memory_space<vmem>>, %arg10: memref<32x10xf32, #tpu.memory_space<vmem>>, %arg11: memref<1x10xf32, #tpu.memory_space<vmem>>, %arg12: memref<64x10xf32, #tpu.memory_space<vmem>>) attributes {dimension_semantics = [], scalar_prefetch = 0 : i64, scratch_operands = 0 : i64, tpu.core_type = #tpu.core_type<tc>} {
    %get3A = arith.constant 0 : index
    %get3A_0 = arith.constant 0 : index
    %get3A_1 = vector.load %arg0[%get3A, %get3A_0] : memref<2560x128xf32, #tpu.memory_space<vmem>>, vector<2560x128xf32>
    %get3A_2 = arith.constant 0 : index
    %get3A_3 = arith.constant 0 : index
    %get3A_4 = arith.constant 0 : index
    %get3A_5 = vector.load %arg1[%get3A_2, %get3A_3, %get3A_4] : memref<2x2560x128xf32, #tpu.memory_space<vmem>>, vector<1x2560x128xf32>
    %get3A_6 = vector.shape_cast %get3A_5 : vector<1x2560x128xf32> to vector<2560x128xf32>
    %add3A = arith.addf %get3A_1, %get3A_6 : vector<2560x128xf32>
    %get3A_7 = arith.constant 1 : index
    %get3A_8 = arith.constant 0 : index
    %get3A_9 = arith.constant 0 : index
    %get3A_10 = vector.load %arg1[%get3A_7, %get3A_8, %get3A_9] : memref<2x2560x128xf32, #tpu.memory_space<vmem>>, vector<1x2560x128xf32>
    %get3A_11 = vector.shape_cast %get3A_10 : vector<1x2560x128xf32> to vector<2560x128xf32>
    %add3A_12 = arith.addf %add3A, %get3A_11 : vector<2560x128xf32>
    %get3A_13 = arith.constant 0 : index
    %get3A_14 = arith.constant 0 : index
    %get3A_15 = vector.load %arg2[%get3A_13, %get3A_14] : memref<1x32xf32, #tpu.memory_space<vmem>>, vector<1x32xf32>
    %concatenate3A = tpu.concatenate %get3A_15, %get3A_15, %get3A_15, %get3A_15 in 1 : vector<1x32xf32>, vector<1x32xf32>, vector<1x32xf32>, vector<1x32xf32> -> vector<1x128xf32>
    %add3A_16 = vector.broadcast %concatenate3A : vector<1x128xf32> to vector<2560x128xf32>
    %add3A_17 = arith.addf %add3A_12, %add3A_16 : vector<2560x128xf32>
    %max3A = arith.constant 0.000000e+00 : f32
    %max3A_18 = vector.broadcast %max3A : f32 to vector<2560x128xf32>
    %max3A_19 = arith.maximumf %add3A_17, %max3A_18 : vector<2560x128xf32>
    %get3A_20 = arith.constant 0 : index
    %get3A_21 = arith.constant 0 : index
    %get3A_22 = vector.load %arg3[%get3A_20, %get3A_21] : memref<32x32xf32, #tpu.memory_space<vmem>>, vector<32x32xf32>
    %get3A_23 = arith.constant 0 : index
    %get3A_24 = arith.constant 0 : index
    %get3A_25 = vector.load %arg4[%get3A_23, %get3A_24] : memref<1x32xf32, #tpu.memory_space<vmem>>, vector<1x32xf32>
    %get3A_26 = arith.constant 0 : index
    %get3A_27 = arith.constant 0 : index
    %get3A_28 = vector.load %arg5[%get3A_26, %get3A_27] : memref<1x32xf32, #tpu.memory_space<vmem>>, vector<1x32xf32>
    %get3A_29 = arith.constant 0 : index
    %get3A_30 = arith.constant 0 : index
    %get3A_31 = vector.load %arg6[%get3A_29, %get3A_30] : memref<1x32xf32, #tpu.memory_space<vmem>>, vector<1x32xf32>
    %iota3A = tpu.iota {dimensions = array<i32: 0>} : vector<128x128xi32>
    %iota3A_32 = tpu.iota {dimensions = array<i32: 1>} : vector<128x128xi32>
    %concatenate3A_33 = tpu.concatenate %get3A_22, %get3A_22, %get3A_22, %get3A_22 in 0 : vector<32x32xf32>, vector<32x32xf32>, vector<32x32xf32>, vector<32x32xf32> -> vector<128x32xf32>
    %concatenate3A_34 = tpu.concatenate %concatenate3A_33, %concatenate3A_33, %concatenate3A_33, %concatenate3A_33 in 1 : vector<128x32xf32>, vector<128x32xf32>, vector<128x32xf32>, vector<128x32xf32> -> vector<128x128xf32>
    %jit3A = arith.constant 32 : i32
    %div3A = vector.broadcast %jit3A : i32 to vector<128x128xi32>
    %div3A_35 = arith.divsi %iota3A, %div3A : vector<128x128xi32>
    %sign3A = arith.constant 0 : i32
    %sign3A_36 = vector.broadcast %sign3A : i32 to vector<128x128xi32>
    %sign3A_37 = arith.cmpi sgt, %iota3A, %sign3A_36 : vector<128x128xi32>
    %sign3A_38 = arith.extui %sign3A_37 : vector<128x128xi1> to vector<128x128xi32>
    %sign3A_39 = arith.constant 0 : i32
    %sign3A_40 = vector.broadcast %sign3A_39 : i32 to vector<128x128xi32>
    %sign3A_41 = arith.cmpi slt, %iota3A, %sign3A_40 : vector<128x128xi32>
    %sign3A_42 = arith.extui %sign3A_41 : vector<128x128xi1> to vector<128x128xi32>
    %sign3A_43 = arith.subi %sign3A_38, %sign3A_42 : vector<128x128xi32>
    %sign3A_44 = arith.constant 0 : i32
    %sign3A_45 = arith.cmpi sgt, %jit3A, %sign3A_44 : i32
    %sign3A_46 = arith.extui %sign3A_45 : i1 to i32
    %sign3A_47 = arith.constant 0 : i32
    %sign3A_48 = arith.cmpi slt, %jit3A, %sign3A_47 : i32
    %sign3A_49 = arith.extui %sign3A_48 : i1 to i32
    %sign3A_50 = arith.subi %sign3A_46, %sign3A_49 : i32
    %ne3A = vector.broadcast %sign3A_50 : i32 to vector<128x128xi32>
    %ne3A_51 = arith.cmpi ne, %sign3A_43, %ne3A : vector<128x128xi32>
    %rem3A = vector.broadcast %jit3A : i32 to vector<128x128xi32>
    %rem3A_52 = arith.remsi %iota3A, %rem3A : vector<128x128xi32>
    %ne3A_53 = arith.constant 0 : i32
    %ne3A_54 = vector.broadcast %ne3A_53 : i32 to vector<128x128xi32>
    %ne3A_55 = arith.cmpi ne, %rem3A_52, %ne3A_54 : vector<128x128xi32>
    %and3A = arith.andi %ne3A_51, %ne3A_55 : vector<128x128xi1>
    %sub3A = arith.constant 1 : i32
    %sub3A_56 = vector.broadcast %sub3A : i32 to vector<128x128xi32>
    %sub3A_57 = arith.subi %div3A_35, %sub3A_56 : vector<128x128xi32>
    %select_n3A = arith.select %and3A, %sub3A_57, %div3A_35 : vector<128x128xi1>, vector<128x128xi32>
    %jit3A_58 = arith.constant 32 : i32
    %div3A_59 = vector.broadcast %jit3A_58 : i32 to vector<128x128xi32>
    %div3A_60 = arith.divsi %iota3A_32, %div3A_59 : vector<128x128xi32>
    %sign3A_61 = arith.constant 0 : i32
    %sign3A_62 = vector.broadcast %sign3A_61 : i32 to vector<128x128xi32>
    %sign3A_63 = arith.cmpi sgt, %iota3A_32, %sign3A_62 : vector<128x128xi32>
    %sign3A_64 = arith.extui %sign3A_63 : vector<128x128xi1> to vector<128x128xi32>
    %sign3A_65 = arith.constant 0 : i32
    %sign3A_66 = vector.broadcast %sign3A_65 : i32 to vector<128x128xi32>
    %sign3A_67 = arith.cmpi slt, %iota3A_32, %sign3A_66 : vector<128x128xi32>
    %sign3A_68 = arith.extui %sign3A_67 : vector<128x128xi1> to vector<128x128xi32>
    %sign3A_69 = arith.subi %sign3A_64, %sign3A_68 : vector<128x128xi32>
    %sign3A_70 = arith.constant 0 : i32
    %sign3A_71 = arith.cmpi sgt, %jit3A_58, %sign3A_70 : i32
    %sign3A_72 = arith.extui %sign3A_71 : i1 to i32
    %sign3A_73 = arith.constant 0 : i32
    %sign3A_74 = arith.cmpi slt, %jit3A_58, %sign3A_73 : i32
    %sign3A_75 = arith.extui %sign3A_74 : i1 to i32
    %sign3A_76 = arith.subi %sign3A_72, %sign3A_75 : i32
    %ne3A_77 = vector.broadcast %sign3A_76 : i32 to vector<128x128xi32>
    %ne3A_78 = arith.cmpi ne, %sign3A_69, %ne3A_77 : vector<128x128xi32>
    %rem3A_79 = vector.broadcast %jit3A_58 : i32 to vector<128x128xi32>
    %rem3A_80 = arith.remsi %iota3A_32, %rem3A_79 : vector<128x128xi32>
    %ne3A_81 = arith.constant 0 : i32
    %ne3A_82 = vector.broadcast %ne3A_81 : i32 to vector<128x128xi32>
    %ne3A_83 = arith.cmpi ne, %rem3A_80, %ne3A_82 : vector<128x128xi32>
    %and3A_84 = arith.andi %ne3A_78, %ne3A_83 : vector<128x128xi1>
    %sub3A_85 = arith.constant 1 : i32
    %sub3A_86 = vector.broadcast %sub3A_85 : i32 to vector<128x128xi32>
    %sub3A_87 = arith.subi %div3A_60, %sub3A_86 : vector<128x128xi32>
    %select_n3A_88 = arith.select %and3A_84, %sub3A_87, %div3A_60 : vector<128x128xi1>, vector<128x128xi32>
    %eq3A = arith.cmpi eq, %select_n3A, %select_n3A_88 : vector<128x128xi32>
    %jit3A_89 = arith.constant 0.000000e+00 : f32
    %broadcast_in_dim3A = vector.broadcast %jit3A_89 : f32 to vector<128x128xf32>
    %select_n3A_90 = arith.select %eq3A, %concatenate3A_34, %broadcast_in_dim3A : vector<128x128xi1>, vector<128x128xf32>
    %dot_general3A = arith.constant dense<0.000000e+00> : vector<2560x128xf32>
    %dot_general3A_91 = tpu.matmul %max3A_19, %select_n3A_90, %dot_general3A {dimension_numbers = #tpu.dot_dimension_numbers<[1], [0], [0], [1], [0, 0, 1, 1], [], []>, transpose_lhs_hint = false} : vector<2560x128xf32>, vector<128x128xf32>, vector<2560x128xf32> -> vector<2560x128xf32>
    %concatenate3A_92 = tpu.concatenate %get3A_25, %get3A_25, %get3A_25, %get3A_25 in 1 : vector<1x32xf32>, vector<1x32xf32>, vector<1x32xf32>, vector<1x32xf32> -> vector<1x128xf32>
    %add3A_93 = vector.broadcast %concatenate3A_92 : vector<1x128xf32> to vector<2560x128xf32>
    %add3A_94 = arith.addf %dot_general3A_91, %add3A_93 : vector<2560x128xf32>
    %max3A_95 = arith.constant 0.000000e+00 : f32
    %max3A_96 = vector.broadcast %max3A_95 : f32 to vector<2560x128xf32>
    %max3A_97 = arith.maximumf %add3A_94, %max3A_96 : vector<2560x128xf32>
    %iota3A_98 = tpu.iota {dimensions = array<i32: 0>} : vector<128x128xi32>
    %iota3A_99 = tpu.iota {dimensions = array<i32: 1>} : vector<128x128xi32>
    %jit3A_100 = arith.constant 32 : i32
    %eq3A_101 = arith.constant 0 : i32
    %eq3A_102 = arith.cmpi eq, %jit3A_100, %eq3A_101 : i32
    %jit3A_103 = arith.constant 1 : i32
    %select_n3A_104 = arith.select %eq3A_102, %jit3A_103, %jit3A_100 : i32
    %rem3A_105 = vector.broadcast %select_n3A_104 : i32 to vector<128x128xi32>
    %rem3A_106 = arith.remsi %iota3A_98, %rem3A_105 : vector<128x128xi32>
    %ne3A_107 = arith.constant 0 : i32
    %ne3A_108 = vector.broadcast %ne3A_107 : i32 to vector<128x128xi32>
    %ne3A_109 = arith.cmpi ne, %rem3A_106, %ne3A_108 : vector<128x128xi32>
    %lt3A = arith.constant 0 : i32
    %lt3A_110 = vector.broadcast %lt3A : i32 to vector<128x128xi32>
    %lt3A_111 = arith.cmpi slt, %rem3A_106, %lt3A_110 : vector<128x128xi32>
    %lt3A_112 = arith.constant 0 : i32
    %lt3A_113 = arith.cmpi slt, %select_n3A_104, %lt3A_112 : i32
    %ne3A_114 = vector.broadcast %lt3A_113 : i1 to vector<128x128xi1>
    %ne3A_115 = vector.broadcast %ne3A_114 : vector<128x128xi1> to vector<128x128xi1>
    %ne3A_116 = arith.xori %lt3A_111, %ne3A_115 : vector<128x128xi1>
    %and3A_117 = arith.andi %ne3A_116, %ne3A_109 : vector<128x128xi1>
    %add3A_118 = vector.broadcast %select_n3A_104 : i32 to vector<128x128xi32>
    %add3A_119 = arith.addi %rem3A_106, %add3A_118 : vector<128x128xi32>
    %select_n3A_120 = arith.select %and3A_117, %add3A_119, %rem3A_106 : vector<128x128xi1>, vector<128x128xi32>
    %jit3A_121 = arith.constant 32 : i32
    %eq3A_122 = arith.constant 0 : i32
    %eq3A_123 = arith.cmpi eq, %jit3A_121, %eq3A_122 : i32
    %jit3A_124 = arith.constant 1 : i32
    %select_n3A_125 = arith.select %eq3A_123, %jit3A_124, %jit3A_121 : i32
    %rem3A_126 = vector.broadcast %select_n3A_125 : i32 to vector<128x128xi32>
    %rem3A_127 = arith.remsi %iota3A_99, %rem3A_126 : vector<128x128xi32>
    %ne3A_128 = arith.constant 0 : i32
    %ne3A_129 = vector.broadcast %ne3A_128 : i32 to vector<128x128xi32>
    %ne3A_130 = arith.cmpi ne, %rem3A_127, %ne3A_129 : vector<128x128xi32>
    %lt3A_131 = arith.constant 0 : i32
    %lt3A_132 = vector.broadcast %lt3A_131 : i32 to vector<128x128xi32>
    %lt3A_133 = arith.cmpi slt, %rem3A_127, %lt3A_132 : vector<128x128xi32>
    %lt3A_134 = arith.constant 0 : i32
    %lt3A_135 = arith.cmpi slt, %select_n3A_125, %lt3A_134 : i32
    %ne3A_136 = vector.broadcast %lt3A_135 : i1 to vector<128x128xi1>
    %ne3A_137 = vector.broadcast %ne3A_136 : vector<128x128xi1> to vector<128x128xi1>
    %ne3A_138 = arith.xori %lt3A_133, %ne3A_137 : vector<128x128xi1>
    %and3A_139 = arith.andi %ne3A_138, %ne3A_130 : vector<128x128xi1>
    %add3A_140 = vector.broadcast %select_n3A_125 : i32 to vector<128x128xi32>
    %add3A_141 = arith.addi %rem3A_127, %add3A_140 : vector<128x128xi32>
    %select_n3A_142 = arith.select %and3A_139, %add3A_141, %rem3A_127 : vector<128x128xi1>, vector<128x128xi32>
    %eq3A_143 = arith.cmpi eq, %select_n3A_120, %select_n3A_142 : vector<128x128xi32>
    %jit3A_144 = arith.constant 2.500000e-01 : f32
    %jit3A_145 = arith.constant 0.000000e+00 : f32
    %broadcast_in_dim3A_146 = vector.broadcast %jit3A_144 : f32 to vector<128x128xf32>
    %broadcast_in_dim3A_147 = vector.broadcast %jit3A_145 : f32 to vector<128x128xf32>
    %select_n3A_148 = arith.select %eq3A_143, %broadcast_in_dim3A_146, %broadcast_in_dim3A_147 : vector<128x128xi1>, vector<128x128xf32>
    %iota3A_149 = tpu.iota {dimensions = array<i32: 0>} : vector<2560x1xi32>
    %lt3A_150 = arith.constant 2500 : i32
    %lt3A_151 = vector.broadcast %lt3A_150 : i32 to vector<2560x1xi32>
    %lt3A_152 = arith.cmpi slt, %iota3A_149, %lt3A_151 : vector<2560x1xi32>
    %jit3A_153 = arith.constant 0.000000e+00 : f32
    %broadcast_in_dim3A_154 = vector.shape_cast %lt3A_152 : vector<2560x1xi1> to vector<2560x1xi1>
    %broadcast_in_dim3A_155 = vector.broadcast %broadcast_in_dim3A_154 : vector<2560x1xi1> to vector<2560x128xi1>
    %broadcast_in_dim3A_156 = vector.broadcast %jit3A_153 : f32 to vector<2560x128xf32>
    %select_n3A_157 = arith.select %broadcast_in_dim3A_155, %max3A_97, %broadcast_in_dim3A_156 : vector<2560x128xi1>, vector<2560x128xf32>
    %reduce_sum3A = arith.constant dense<0.000000e+00> : vector<128xf32>
    %reduce_sum3A_158 = vector.multi_reduction <add>, %select_n3A_157, %reduce_sum3A [0] : vector<2560x128xf32> to vector<128xf32>
    %broadcast_in_dim3A_159 = vector.shape_cast %reduce_sum3A_158 : vector<128xf32> to vector<1x128xf32>
    %mul3A = arith.constant 4.000000e-04 : f32
    %mul3A_160 = vector.broadcast %mul3A : f32 to vector<1x128xf32>
    %mul3A_161 = arith.mulf %broadcast_in_dim3A_159, %mul3A_160 : vector<1x128xf32>
    %dot_general3A_162 = arith.constant dense<0.000000e+00> : vector<1x128xf32>
    %dot_general3A_163 = tpu.matmul %mul3A_161, %select_n3A_148, %dot_general3A_162 {dimension_numbers = #tpu.dot_dimension_numbers<[1], [0], [0], [1], [0, 0, 1, 1], [], []>, transpose_lhs_hint = false} : vector<1x128xf32>, vector<128x128xf32>, vector<1x128xf32> -> vector<1x128xf32>
    %sub3A_164 = vector.broadcast %dot_general3A_163 : vector<1x128xf32> to vector<2560x128xf32>
    %sub3A_165 = arith.subf %max3A_97, %sub3A_164 : vector<2560x128xf32>
    %jit3A_166 = arith.constant 0.000000e+00 : f32
    %broadcast_in_dim3A_167 = vector.shape_cast %lt3A_152 : vector<2560x1xi1> to vector<2560x1xi1>
    %broadcast_in_dim3A_168 = vector.broadcast %broadcast_in_dim3A_167 : vector<2560x1xi1> to vector<2560x128xi1>
    %broadcast_in_dim3A_169 = vector.broadcast %jit3A_166 : f32 to vector<2560x128xf32>
    %select_n3A_170 = arith.select %broadcast_in_dim3A_168, %sub3A_165, %broadcast_in_dim3A_169 : vector<2560x128xi1>, vector<2560x128xf32>
    %mul3A_171 = arith.mulf %select_n3A_170, %select_n3A_170 : vector<2560x128xf32>
    %reduce_sum3A_172 = arith.constant dense<0.000000e+00> : vector<128xf32>
    %reduce_sum3A_173 = vector.multi_reduction <add>, %mul3A_171, %reduce_sum3A_172 [0] : vector<2560x128xf32> to vector<128xf32>
    %broadcast_in_dim3A_174 = vector.shape_cast %reduce_sum3A_173 : vector<128xf32> to vector<1x128xf32>
    %mul3A_175 = arith.constant 4.000000e-04 : f32
    %mul3A_176 = vector.broadcast %mul3A_175 : f32 to vector<1x128xf32>
    %mul3A_177 = arith.mulf %broadcast_in_dim3A_174, %mul3A_176 : vector<1x128xf32>
    %dot_general3A_178 = arith.constant dense<0.000000e+00> : vector<1x128xf32>
    %dot_general3A_179 = tpu.matmul %mul3A_177, %select_n3A_148, %dot_general3A_178 {dimension_numbers = #tpu.dot_dimension_numbers<[1], [0], [0], [1], [0, 0, 1, 1], [], []>, transpose_lhs_hint = false} : vector<1x128xf32>, vector<128x128xf32>, vector<1x128xf32> -> vector<1x128xf32>
    %add3A_180 = arith.constant 9.99999974E-6 : f32
    %add3A_181 = vector.broadcast %add3A_180 : f32 to vector<1x128xf32>
    %add3A_182 = arith.addf %dot_general3A_179, %add3A_181 : vector<1x128xf32>
    %rsqrt3A = math.rsqrt %add3A_182 : vector<1x128xf32>
    %mul3A_183 = vector.broadcast %rsqrt3A : vector<1x128xf32> to vector<2560x128xf32>
    %mul3A_184 = arith.mulf %sub3A_165, %mul3A_183 : vector<2560x128xf32>
    %concatenate3A_185 = tpu.concatenate %get3A_28, %get3A_28, %get3A_28, %get3A_28 in 1 : vector<1x32xf32>, vector<1x32xf32>, vector<1x32xf32>, vector<1x32xf32> -> vector<1x128xf32>
    %mul3A_186 = vector.broadcast %concatenate3A_185 : vector<1x128xf32> to vector<2560x128xf32>
    %mul3A_187 = arith.mulf %mul3A_184, %mul3A_186 : vector<2560x128xf32>
    %concatenate3A_188 = tpu.concatenate %get3A_31, %get3A_31, %get3A_31, %get3A_31 in 1 : vector<1x32xf32>, vector<1x32xf32>, vector<1x32xf32>, vector<1x32xf32> -> vector<1x128xf32>
    %add3A_189 = vector.broadcast %concatenate3A_188 : vector<1x128xf32> to vector<2560x128xf32>
    %add3A_190 = arith.addf %mul3A_187, %add3A_189 : vector<2560x128xf32>
    %iota3A_191 = tpu.iota {dimensions = array<i32: 1>} : vector<1x64xi32>
    %iota3A_192 = tpu.iota {dimensions = array<i32: 0>} : vector<128x32xi32>
    %iota3A_193 = tpu.iota {dimensions = array<i32: 1>} : vector<128x32xi32>
    %broadcast_in_dim3A_194 = arith.constant 1.000000e+00 : f32
    %broadcast_in_dim3A_195 = vector.broadcast %broadcast_in_dim3A_194 : f32 to vector<2560x1xf32>
    %broadcast_in_dim3A_196 = arith.constant 0.000000e+00 : f32
    %broadcast_in_dim3A_197 = vector.broadcast %broadcast_in_dim3A_196 : f32 to vector<64x32xf32>
    %broadcast_in_dim3A_198 = arith.constant 0.000000e+00 : f32
    %broadcast_in_dim3A_199 = vector.broadcast %broadcast_in_dim3A_198 : f32 to vector<64x1xf32>
    %get3A_200 = arith.constant 0 : index
    %get3A_201 = arith.constant 0 : index
    %get3A_202 = vector.load %arg7[%get3A_200, %get3A_201] : memref<2560x4xi32, #tpu.memory_space<vmem>>, vector<2560x1xi32>
    %eq3A_203 = vector.broadcast %get3A_202 : vector<2560x1xi32> to vector<2560x64xi32>
    %eq3A_204 = vector.broadcast %iota3A_191 : vector<1x64xi32> to vector<2560x64xi32>
    %eq3A_205 = arith.cmpi eq, %eq3A_203, %eq3A_204 : vector<2560x64xi32>
    %convert_element_type3A = arith.extui %eq3A_205 : vector<2560x64xi1> to vector<2560x64xi32>
    %convert_element_type3A_206 = arith.sitofp %convert_element_type3A : vector<2560x64xi32> to vector<2560x64xf32>
    %add3A_207 = arith.constant 0 : i32
    %add3A_208 = vector.broadcast %add3A_207 : i32 to vector<128x32xi32>
    %add3A_209 = arith.addi %iota3A_193, %add3A_208 : vector<128x32xi32>
    %eq3A_210 = arith.cmpi eq, %iota3A_192, %add3A_209 : vector<128x32xi32>
    %jit3A_211 = arith.constant 1.000000e+00 : f32
    %jit3A_212 = arith.constant 0.000000e+00 : f32
    %broadcast_in_dim3A_213 = vector.broadcast %jit3A_211 : f32 to vector<128x32xf32>
    %broadcast_in_dim3A_214 = vector.broadcast %jit3A_212 : f32 to vector<128x32xf32>
    %select_n3A_215 = arith.select %eq3A_210, %broadcast_in_dim3A_213, %broadcast_in_dim3A_214 : vector<128x32xi1>, vector<128x32xf32>
    %dot_general3A_216 = arith.constant dense<0.000000e+00> : vector<2560x32xf32>
    %dot_general3A_217 = tpu.matmul %add3A_190, %select_n3A_215, %dot_general3A_216 {dimension_numbers = #tpu.dot_dimension_numbers<[1], [0], [0], [1], [0, 0, 1, 1], [], []>, transpose_lhs_hint = false} : vector<2560x128xf32>, vector<128x32xf32>, vector<2560x32xf32> -> vector<2560x32xf32>
    %dot_general3A_218 = arith.constant dense<0.000000e+00> : vector<64x32xf32>
    %dot_general3A_219 = tpu.matmul %convert_element_type3A_206, %dot_general3A_217, %dot_general3A_218 {dimension_numbers = #tpu.dot_dimension_numbers<[0], [0], [1], [1], [0, 1, 1, 1], [], []>, transpose_lhs_hint = false} : vector<2560x64xf32>, vector<2560x32xf32>, vector<64x32xf32> -> vector<64x32xf32>
    %add3A_220 = arith.addf %broadcast_in_dim3A_197, %dot_general3A_219 : vector<64x32xf32>
    %dot_general3A_221 = arith.constant dense<0.000000e+00> : vector<64x1xf32>
    %dot_general3A_222 = tpu.matmul %convert_element_type3A_206, %broadcast_in_dim3A_195, %dot_general3A_221 {dimension_numbers = #tpu.dot_dimension_numbers<[0], [0], [1], [1], [0, 1, 1, 1], [], []>, transpose_lhs_hint = false} : vector<2560x64xf32>, vector<2560x1xf32>, vector<64x1xf32> -> vector<64x1xf32>
    %add3A_223 = arith.addf %broadcast_in_dim3A_199, %dot_general3A_222 : vector<64x1xf32>
    %get3A_224 = arith.constant 0 : index
    %get3A_225 = arith.constant 1 : index
    %get3A_226 = vector.load %arg7[%get3A_224, %get3A_225] : memref<2560x4xi32, #tpu.memory_space<vmem>>, vector<2560x1xi32>
    %eq3A_227 = vector.broadcast %get3A_226 : vector<2560x1xi32> to vector<2560x64xi32>
    %eq3A_228 = vector.broadcast %iota3A_191 : vector<1x64xi32> to vector<2560x64xi32>
    %eq3A_229 = arith.cmpi eq, %eq3A_227, %eq3A_228 : vector<2560x64xi32>
    %convert_element_type3A_230 = arith.extui %eq3A_229 : vector<2560x64xi1> to vector<2560x64xi32>
    %convert_element_type3A_231 = arith.sitofp %convert_element_type3A_230 : vector<2560x64xi32> to vector<2560x64xf32>
    %add3A_232 = arith.constant 32 : i32
    %add3A_233 = vector.broadcast %add3A_232 : i32 to vector<128x32xi32>
    %add3A_234 = arith.addi %iota3A_193, %add3A_233 : vector<128x32xi32>
    %eq3A_235 = arith.cmpi eq, %iota3A_192, %add3A_234 : vector<128x32xi32>
    %jit3A_236 = arith.constant 1.000000e+00 : f32
    %jit3A_237 = arith.constant 0.000000e+00 : f32
    %broadcast_in_dim3A_238 = vector.broadcast %jit3A_236 : f32 to vector<128x32xf32>
    %broadcast_in_dim3A_239 = vector.broadcast %jit3A_237 : f32 to vector<128x32xf32>
    %select_n3A_240 = arith.select %eq3A_235, %broadcast_in_dim3A_238, %broadcast_in_dim3A_239 : vector<128x32xi1>, vector<128x32xf32>
    %dot_general3A_241 = arith.constant dense<0.000000e+00> : vector<2560x32xf32>
    %dot_general3A_242 = tpu.matmul %add3A_190, %select_n3A_240, %dot_general3A_241 {dimension_numbers = #tpu.dot_dimension_numbers<[1], [0], [0], [1], [0, 0, 1, 1], [], []>, transpose_lhs_hint = false} : vector<2560x128xf32>, vector<128x32xf32>, vector<2560x32xf32> -> vector<2560x32xf32>
    %dot_general3A_243 = arith.constant dense<0.000000e+00> : vector<64x32xf32>
    %dot_general3A_244 = tpu.matmul %convert_element_type3A_231, %dot_general3A_242, %dot_general3A_243 {dimension_numbers = #tpu.dot_dimension_numbers<[0], [0], [1], [1], [0, 1, 1, 1], [], []>, transpose_lhs_hint = false} : vector<2560x64xf32>, vector<2560x32xf32>, vector<64x32xf32> -> vector<64x32xf32>
    %add3A_245 = arith.addf %add3A_220, %dot_general3A_244 : vector<64x32xf32>
    %dot_general3A_246 = arith.constant dense<0.000000e+00> : vector<64x1xf32>
    %dot_general3A_247 = tpu.matmul %convert_element_type3A_231, %broadcast_in_dim3A_195, %dot_general3A_246 {dimension_numbers = #tpu.dot_dimension_numbers<[0], [0], [1], [1], [0, 1, 1, 1], [], []>, transpose_lhs_hint = false} : vector<2560x64xf32>, vector<2560x1xf32>, vector<64x1xf32> -> vector<64x1xf32>
    %add3A_248 = arith.addf %add3A_223, %dot_general3A_247 : vector<64x1xf32>
    %get3A_249 = arith.constant 0 : index
    %get3A_250 = arith.constant 2 : index
    %get3A_251 = vector.load %arg7[%get3A_249, %get3A_250] : memref<2560x4xi32, #tpu.memory_space<vmem>>, vector<2560x1xi32>
    %eq3A_252 = vector.broadcast %get3A_251 : vector<2560x1xi32> to vector<2560x64xi32>
    %eq3A_253 = vector.broadcast %iota3A_191 : vector<1x64xi32> to vector<2560x64xi32>
    %eq3A_254 = arith.cmpi eq, %eq3A_252, %eq3A_253 : vector<2560x64xi32>
    %convert_element_type3A_255 = arith.extui %eq3A_254 : vector<2560x64xi1> to vector<2560x64xi32>
    %convert_element_type3A_256 = arith.sitofp %convert_element_type3A_255 : vector<2560x64xi32> to vector<2560x64xf32>
    %add3A_257 = arith.constant 64 : i32
    %add3A_258 = vector.broadcast %add3A_257 : i32 to vector<128x32xi32>
    %add3A_259 = arith.addi %iota3A_193, %add3A_258 : vector<128x32xi32>
    %eq3A_260 = arith.cmpi eq, %iota3A_192, %add3A_259 : vector<128x32xi32>
    %jit3A_261 = arith.constant 1.000000e+00 : f32
    %jit3A_262 = arith.constant 0.000000e+00 : f32
    %broadcast_in_dim3A_263 = vector.broadcast %jit3A_261 : f32 to vector<128x32xf32>
    %broadcast_in_dim3A_264 = vector.broadcast %jit3A_262 : f32 to vector<128x32xf32>
    %select_n3A_265 = arith.select %eq3A_260, %broadcast_in_dim3A_263, %broadcast_in_dim3A_264 : vector<128x32xi1>, vector<128x32xf32>
    %dot_general3A_266 = arith.constant dense<0.000000e+00> : vector<2560x32xf32>
    %dot_general3A_267 = tpu.matmul %add3A_190, %select_n3A_265, %dot_general3A_266 {dimension_numbers = #tpu.dot_dimension_numbers<[1], [0], [0], [1], [0, 0, 1, 1], [], []>, transpose_lhs_hint = false} : vector<2560x128xf32>, vector<128x32xf32>, vector<2560x32xf32> -> vector<2560x32xf32>
    %dot_general3A_268 = arith.constant dense<0.000000e+00> : vector<64x32xf32>
    %dot_general3A_269 = tpu.matmul %convert_element_type3A_256, %dot_general3A_267, %dot_general3A_268 {dimension_numbers = #tpu.dot_dimension_numbers<[0], [0], [1], [1], [0, 1, 1, 1], [], []>, transpose_lhs_hint = false} : vector<2560x64xf32>, vector<2560x32xf32>, vector<64x32xf32> -> vector<64x32xf32>
    %add3A_270 = arith.addf %add3A_245, %dot_general3A_269 : vector<64x32xf32>
    %dot_general3A_271 = arith.constant dense<0.000000e+00> : vector<64x1xf32>
    %dot_general3A_272 = tpu.matmul %convert_element_type3A_256, %broadcast_in_dim3A_195, %dot_general3A_271 {dimension_numbers = #tpu.dot_dimension_numbers<[0], [0], [1], [1], [0, 1, 1, 1], [], []>, transpose_lhs_hint = false} : vector<2560x64xf32>, vector<2560x1xf32>, vector<64x1xf32> -> vector<64x1xf32>
    %add3A_273 = arith.addf %add3A_248, %dot_general3A_272 : vector<64x1xf32>
    %get3A_274 = arith.constant 0 : index
    %get3A_275 = arith.constant 3 : index
    %get3A_276 = vector.load %arg7[%get3A_274, %get3A_275] : memref<2560x4xi32, #tpu.memory_space<vmem>>, vector<2560x1xi32>
    %eq3A_277 = vector.broadcast %get3A_276 : vector<2560x1xi32> to vector<2560x64xi32>
    %eq3A_278 = vector.broadcast %iota3A_191 : vector<1x64xi32> to vector<2560x64xi32>
    %eq3A_279 = arith.cmpi eq, %eq3A_277, %eq3A_278 : vector<2560x64xi32>
    %convert_element_type3A_280 = arith.extui %eq3A_279 : vector<2560x64xi1> to vector<2560x64xi32>
    %convert_element_type3A_281 = arith.sitofp %convert_element_type3A_280 : vector<2560x64xi32> to vector<2560x64xf32>
    %add3A_282 = arith.constant 96 : i32
    %add3A_283 = vector.broadcast %add3A_282 : i32 to vector<128x32xi32>
    %add3A_284 = arith.addi %iota3A_193, %add3A_283 : vector<128x32xi32>
    %eq3A_285 = arith.cmpi eq, %iota3A_192, %add3A_284 : vector<128x32xi32>
    %jit3A_286 = arith.constant 1.000000e+00 : f32
    %jit3A_287 = arith.constant 0.000000e+00 : f32
    %broadcast_in_dim3A_288 = vector.broadcast %jit3A_286 : f32 to vector<128x32xf32>
    %broadcast_in_dim3A_289 = vector.broadcast %jit3A_287 : f32 to vector<128x32xf32>
    %select_n3A_290 = arith.select %eq3A_285, %broadcast_in_dim3A_288, %broadcast_in_dim3A_289 : vector<128x32xi1>, vector<128x32xf32>
    %dot_general3A_291 = arith.constant dense<0.000000e+00> : vector<2560x32xf32>
    %dot_general3A_292 = tpu.matmul %add3A_190, %select_n3A_290, %dot_general3A_291 {dimension_numbers = #tpu.dot_dimension_numbers<[1], [0], [0], [1], [0, 0, 1, 1], [], []>, transpose_lhs_hint = false} : vector<2560x128xf32>, vector<128x32xf32>, vector<2560x32xf32> -> vector<2560x32xf32>
    %dot_general3A_293 = arith.constant dense<0.000000e+00> : vector<64x32xf32>
    %dot_general3A_294 = tpu.matmul %convert_element_type3A_281, %dot_general3A_292, %dot_general3A_293 {dimension_numbers = #tpu.dot_dimension_numbers<[0], [0], [1], [1], [0, 1, 1, 1], [], []>, transpose_lhs_hint = false} : vector<2560x64xf32>, vector<2560x32xf32>, vector<64x32xf32> -> vector<64x32xf32>
    %add3A_295 = arith.addf %add3A_270, %dot_general3A_294 : vector<64x32xf32>
    %dot_general3A_296 = arith.constant dense<0.000000e+00> : vector<64x1xf32>
    %dot_general3A_297 = tpu.matmul %convert_element_type3A_281, %broadcast_in_dim3A_195, %dot_general3A_296 {dimension_numbers = #tpu.dot_dimension_numbers<[0], [0], [1], [1], [0, 1, 1, 1], [], []>, transpose_lhs_hint = false} : vector<2560x64xf32>, vector<2560x1xf32>, vector<64x1xf32> -> vector<64x1xf32>
    %add3A_298 = arith.addf %add3A_273, %dot_general3A_297 : vector<64x1xf32>
    %max3A_299 = arith.constant 1.000000e+00 : f32
    %max3A_300 = vector.broadcast %max3A_299 : f32 to vector<64x1xf32>
    %max3A_301 = arith.maximumf %add3A_298, %max3A_300 : vector<64x1xf32>
    %div3A_302 = vector.broadcast %max3A_301 : vector<64x1xf32> to vector<64x32xf32>
    %div3A_303 = arith.divf %add3A_295, %div3A_302 : vector<64x32xf32>
    %get3A_304 = arith.constant 0 : index
    %get3A_305 = arith.constant 0 : index
    %get3A_306 = vector.load %arg8[%get3A_304, %get3A_305] : memref<32x32xf32, #tpu.memory_space<vmem>>, vector<32x32xf32>
    %dot_general3A_307 = arith.constant dense<0.000000e+00> : vector<64x32xf32>
    %dot_general3A_308 = tpu.matmul %div3A_303, %get3A_306, %dot_general3A_307 {dimension_numbers = #tpu.dot_dimension_numbers<[1], [0], [0], [1], [0, 0, 1, 1], [], []>, transpose_lhs_hint = false} : vector<64x32xf32>, vector<32x32xf32>, vector<64x32xf32> -> vector<64x32xf32>
    %get3A_309 = arith.constant 0 : index
    %get3A_310 = arith.constant 0 : index
    %get3A_311 = vector.load %arg9[%get3A_309, %get3A_310] : memref<1x32xf32, #tpu.memory_space<vmem>>, vector<1x32xf32>
    %add3A_312 = vector.broadcast %get3A_311 : vector<1x32xf32> to vector<64x32xf32>
    %add3A_313 = arith.addf %dot_general3A_308, %add3A_312 : vector<64x32xf32>
    %max3A_314 = arith.constant 0.000000e+00 : f32
    %max3A_315 = vector.broadcast %max3A_314 : f32 to vector<64x32xf32>
    %max3A_316 = arith.maximumf %add3A_313, %max3A_315 : vector<64x32xf32>
    %get3A_317 = arith.constant 0 : index
    %get3A_318 = arith.constant 0 : index
    %get3A_319 = vector.load %arg10[%get3A_317, %get3A_318] : memref<32x10xf32, #tpu.memory_space<vmem>>, vector<32x10xf32>
    %dot_general3A_320 = arith.constant dense<0.000000e+00> : vector<64x10xf32>
    %dot_general3A_321 = tpu.matmul %max3A_316, %get3A_319, %dot_general3A_320 {dimension_numbers = #tpu.dot_dimension_numbers<[1], [0], [0], [1], [0, 0, 1, 1], [], []>, transpose_lhs_hint = false} : vector<64x32xf32>, vector<32x10xf32>, vector<64x10xf32> -> vector<64x10xf32>
    %get3A_322 = arith.constant 0 : index
    %get3A_323 = arith.constant 0 : index
    %get3A_324 = vector.load %arg11[%get3A_322, %get3A_323] : memref<1x10xf32, #tpu.memory_space<vmem>>, vector<1x10xf32>
    %add3A_325 = vector.broadcast %get3A_324 : vector<1x10xf32> to vector<64x10xf32>
    %add3A_326 = arith.addf %dot_general3A_321, %add3A_325 : vector<64x10xf32>
    %reduce_max3A = arith.constant dense<0xFF800000> : vector<64xf32>
    %reduce_max3A_327 = vector.multi_reduction <maximumf>, %add3A_326, %reduce_max3A [1] : vector<64x10xf32> to vector<64xf32>
    %broadcast_in_dim3A_328 = vector.shape_cast %reduce_max3A_327 : vector<64xf32> to vector<64x1xf32>
    %sub3A_329 = vector.broadcast %broadcast_in_dim3A_328 : vector<64x1xf32> to vector<64x10xf32>
    %sub3A_330 = arith.subf %add3A_326, %sub3A_329 : vector<64x10xf32>
    %exp3A = math.exp %sub3A_330 : vector<64x10xf32>
    %reduce_sum3A_331 = arith.constant dense<0.000000e+00> : vector<64xf32>
    %reduce_sum3A_332 = vector.multi_reduction <add>, %exp3A, %reduce_sum3A_331 [1] : vector<64x10xf32> to vector<64xf32>
    %broadcast_in_dim3A_333 = vector.shape_cast %reduce_sum3A_332 : vector<64xf32> to vector<64x1xf32>
    %log3A = math.log %broadcast_in_dim3A_333 : vector<64x1xf32>
    %sub3A_334 = vector.broadcast %log3A : vector<64x1xf32> to vector<64x10xf32>
    %sub3A_335 = arith.subf %sub3A_330, %sub3A_334 : vector<64x10xf32>
    %swap3A = arith.constant 0 : index
    %swap3A_336 = arith.constant 0 : index
    %swap3A_337 = vector.load %arg12[%swap3A, %swap3A_336] : memref<64x10xf32, #tpu.memory_space<vmem>>, vector<64x10xf32>
    tpu.vector_store %arg12[%swap3A, %swap3A_336], %sub3A_335 {strides = array<i32>} : memref<64x10xf32, #tpu.memory_space<vmem>>, vector<64x10xf32>,
    return
  }
}

</mosaic_0001>

<sc_bundles>
// kernel: kernel.11.cloned.1.call-start
scs
__scs_entry_jumppad:
0x0: {  	(pc) =	sbr.rel $0x88, $3  }
0x1: {  	(tag) =	ssettag $0x0;
	lr =	simm.s32 $0x1  }
0x2: {  	[smem:$0x3F82] =	sst lr;
	_ =	strace $0xD0000000  }
0x3: {  	_ = 	snop  }
0x4: {  	_ = 	snop  }
0x5: {  	_ = 	snop  }
0x6: {  	_ = 	snop  }
0x7: {  	_ = 	snop  }
__scs_overlays_trampoline_lowered:
0x8: {  	[smem:$0x3F91] =	sst s0  }
0x9: {  	[smem:$0x3F92] =	sst s1  }
0xa: {  	[smem:$0x3F93] =	sst s2  }
0xb: {  	[smem:$0x3F94] =	sst s3  }
0xc: {  	[smem:$0x3F95] =	sst s4  }
0xd: {  	[smem:$0x3F96] =	sst s5  }
0xe: {  	[smem:$0x3F97] =	sst s6  }
0xf: {  	[smem:$0x3F98] =	sst s7  }
0x10: {  	[smem:$0x3F99] =	sst s8  }
0x11: {  	[smem:$0x3F9A] =	sst s9;
	s0 =	simm.s32 @!p0 $0x0  }
0x12: {  	s1 =	sld [smem:$0x3F80];
	s0 =	simm.s32 @p0 $0x1  }
0x13: {  	[smem:$0x3F9B] =	sst s0;
	s0 =	simm.s32 @!p1 $0x0  }
0x14: {  	s2 =	sld [smem:$0x3F7F];
	s0 =	simm.s32 @p1 $0x1  }
0x15: {  	[smem:$0x3F9C] =	sst s0;
	s0 =	simm.s32 @!p2 $0x0  }
0x16: {  	s3 =	sld [smem:$0x3FDB];
	s0 =	simm.s32 @p2 $0x1  }
0x17: {  	s4 =	simm.s32 $0x1BF5;
	[smem:$0x3F9E] =	sst s0  }
0x18: {  	s0 =	sld [smem:$0x3F81];
	_ =	swait.ge [sflag:s4], $0x0  }
0x19: {  	s7 =	sld [smem:$0x3F82]  }
0x1a: {  	s8 =	sadd.s32 $0xFFFFE003, lr  }
0x1b: {  	s9 =	sadd.s32 $0xFFFFFEF7, lr;
	s5 =	simm.s32 $0xFFFFFFFF;
	p2 =	slt.u32 s8, $0xFFFFF086  }
0x1c: {  	p1 =	slt.u32 s9, $0xF7A;
	s5 =	simm.s32 @!p2 $0x0  }
0x1d: {  	s5 =	simm.s32 @p1 $0x1;
	p0 =	seq.s32 s7, s2  }
0x1e: {  	s7 =	smul.u32 @!p0 $0xF7A, s2;
	p2 =	seq.s32 @!p0 s5, $0x0  }
0x1f: {  	s9 =	smul.u32 $0xF7A, s1;
	s8 =	simm.s32 @!p0 $0x1BF5;
	p2 =	por !p2, p0  }
0x20: {  	[sflag:s8] =	ssyncset.s32 @!p0 $0xFFFFF086;
	s6 =	sadd.s32 @!p0 s3, s7;
	s7 =	simm.s32 @!p0 $0x108  }
0x21: {  	s3 =	sadd.s32 s3, s9;
	s6 =	sadd.s32 @!p0 $0x88, s6;
	s7 =	simm.s32 @p2 $0x1082  }
0x22: {  	[simem:s7], [sflag:s8] =	dma.local @!p0 [hbm:s6], $0xF7A  }
0x23: {  	s9 =	sor.u32 $0xD0000000, s2;
	s6 =	simm.s32 $0x108;
	_ =	swait.ge @!p0 [sflag:s8], $0x0  }
0x24: {  	s3 =	sadd.s32 $0x88, s3;
	s6 =	simm.s32 @!p1 $0x1082;
	[sflag:s4] =	ssyncset.s32 $0xFFFFF086  }
0x25: {  	[simem:s6], [sflag:s4] =	dma.local [hbm:s3], $0xF7A  }
0x26: {  	[smem:$0x3F82] =	sst s1;
	(tag) =	ssettag s2;
	_ =	strace s9  }
0x27: {  	s1 =	sld [smem:$0x3F92]  }
0x28: {  	s2 =	sld [smem:$0x3F93]  }
0x29: {  	s4 =	sld [smem:$0x3F95]  }
0x2a: {  	p0 =	seq.s32 s5, $0x0;
	s5 =	sld [smem:$0x3F96]  }
0x2b: {  	s6 =	sld [smem:$0x3F97]  }
0x2c: {  	s7 =	sld [smem:$0x3F98]  }
0x2d: {  	s3 =	simm.s32 $0x108;
	s8 =	sld [smem:$0x3F99]  }
0x2e: {  	s3 =	simm.s32 @!p0 $0x1082;
	s9 =	sld [smem:$0x3F9A]  }
0x2f: {  	lr =	sadd.s32 s0, s3;
	s0 =	sld [smem:$0x3F91]  }
0x30: {  	s3 =	sld [smem:$0x3F94]  }
0x31: {  	[smem:$0x3F9D] =	sst s10  }
0x32: {  	s10 =	sld [smem:$0x3F9B];
	_ =	sdelay $0x3  }
0x33: {  	p0 =	seq.s32 s10, $0x1;
	s10 =	sld [smem:$0x3F9D];
	_ =	sdelay $0x3  }
0x34: {  	[smem:$0x3F9D] =	sst s10  }
0x35: {  	s10 =	sld [smem:$0x3F9C];
	_ =	sdelay $0x3  }
0x36: {  	p1 =	seq.s32 s10, $0x1;
	s10 =	sld [smem:$0x3F9D];
	_ =	sdelay $0x3  }
0x37: {  	[smem:$0x3F9D] =	sst s10  }
0x38: {  	s10 =	sld [smem:$0x3F9E]  }
0x39: {  	_ = 	snop;
	(pc) =	sbr.ind lr, $3  }
0x3a: {  	_ = 	snop  }
0x3b: {  	_ = 	snop  }
0x3c: {  	p2 =	seq.s32 s10, $0x1;
	s10 =	sld [smem:$0x3F9D]  }
0x3d: {  	_ =	shalt  }
0x3e: {  	_ =	shalt  }
0x3f: {  	_ =	shalt  }
0x40: {  	_ =	shalt  }
0x41: {  	_ =	shalt  }
0x42: {  	_ =	shalt  }
0x43: {  	_ =	shalt  }
0x44: {  	_ =	shalt  }
0x45: {  	_ =	shalt  }
0x46: {  	_ =	shalt  }
0x47: {  	_ =	shalt  }
0x48: {  	_ =	shalt  }
0x49: {  	_ =	shalt  }
0x4a: {  	_ =	shalt  }
0x4b: {  	_ =	shalt  }
0x4c: {  	_ =	shalt  }
0x4d: {  	_ =	shalt  }
0x4e: {  	_ =	shalt  }
0x4f: {  	_ =	shalt  }
0x50: {  	_ =	shalt  }
0x51: {  	_ =	shalt  }
0x52: {  	_ =	shalt  }
0x53: {  	_ =	shalt  }
0x54: {  	_ =	shalt  }
0x55: {  	_ =	shalt  }
0x56: {  	_ =	shalt  }
0x57: {  	_ =	shalt  }
0x58: {  	_ =	shalt  }
0x59: {  	_ =	shalt  }
0x5a: {  	_ =	shalt  }
0x5b: {  	_ =	shalt  }
0x5c: {  	_ =	shalt  }
0x5d: {  	_ =	shalt  }
0x5e: {  	_ =	shalt  }
0x5f: {  	_ =	shalt  }
0x60: {  	_ =	shalt  }
0x61: {  	_ =	shalt  }
0x62: {  	_ =	shalt  }
0x63: {  	_ =	shalt  }
0x64: {  	_ =	shalt  }
0x65: {  	_ =	shalt  }
0x66: {  	_ =	shalt  }
0x67: {  	_ =	shalt  }
0x68: {  	_ =	shalt  }
0x69: {  	_ =	shalt  }
0x6a: {  	_ =	shalt  }
0x6b: {  	_ =	shalt  }
0x6c: {  	_ =	shalt  }
0x6d: {  	_ =	shalt  }
0x6e: {  	_ =	shalt  }
0x6f: {  	_ =	shalt  }
0x70: {  	_ =	shalt  }
0x71: {  	_ =	shalt  }
0x72: {  	_ =	shalt  }
0x73: {  	_ =	shalt  }
0x74: {  	_ =	shalt  }
0x75: {  	_ =	shalt  }
0x76: {  	_ =	shalt  }
0x77: {  	_ =	shalt  }
0x78: {  	_ =	shalt  }
0x79: {  	_ =	shalt  }
0x7a: {  	_ =	shalt  }
0x7b: {  	_ =	shalt  }
0x7c: {  	_ =	shalt  }
0x7d: {  	_ =	shalt  }
0x7e: {  	_ =	shalt  }
0x7f: {  	_ =	shalt  }
0x80: {  	_ =	shalt  }
0x81: {  	_ =	shalt  }
0x82: {  	_ =	shalt  }
0x83: {  	_ =	shalt  }
0x84: {  	_ =	shalt  }
0x85: {  	_ =	shalt  }
0x86: {  	_ =	shalt  }
0x87: {  	_ =	shalt  }
.Lfunc_end0:
.L_simem_size_0:
called_computation_lowered:
.L_overlay_start_0:
0x88: {  	s2 =	sld [smem:$0x3FD9]  }
0x89: {  	s3 =	sld [smem:$0x3FFE];
	_ =	sdelay $0x1  }
0x8a: {  	s1 =	srdreg.scid  }
0x8b: {  	s0 =	sand.u32 $0x1, s1  }
0x8c: {  	s16 =	sshll.u32 s0, $0xA;
	s2 =	sadd.s32 s3, s2  }
0x8d: {  	s2 =	sadd.s32 s2, s16  }
0x8e: {  	[smem:$0x3FA9] =	sst s2  }
0x8f: {  	_ = 	snop  }
0x90: {  	(tm) =	ssettm $0x1  }
0x91: {  	s17 =	sld [smem:$0x3FFB];
	_ =	sdelay $0x3  }
0x92: {  	_ =	strace s17  }
0x93: {  	s2 =	sld [smem:$0x3FFC];
	_ =	sdelay $0x3  }
0x94: {  	_ =	strace s2  }
0x95: {  	s2 =	sld [smem:$0x3FFD];
	_ =	sdelay $0x3  }
0x96: {  	_ =	strace s2  }
0x97: {  	_ =	strace $0x8FFFFFFF  }
0x98: {  	s18 =	sld [smem:$0x3FDB];
	_ =	sdelay $0x1  }
0x99: {  	s19 =	simm.s32 $_scs_section_size  }
0x9a: {  	s4 =	simm.s32 $_size__tile_overlayer_lowered;
	s5 =	simm.s32 $_tile_overlayer_lowered  }
0x9b: {  	s22 =	simm.s32 $0x1BFF;
	s21 =	sshll.u32 s5, $0x1;
	s2 =	sadd.s32 s19, s18  }
0x9c: {  	s6 =	simm.s32 $0x0;
	s20 =	sshll.u32 s4, $0x1;
	s4 =	sadd.s32 s21, s2  }
0x9d: {  	[timem:s6], [sflag:s22] =	dma.local [hbm:s4], s20  }
0x9e: {  	_ =	swait.ge [sflag:s22], s20  }
0x9f: {  	s3 =	ssub.s32 $0x0, s20;
	[sflag:s22] =	ssyncset.done $0x0  }
0xa0: {  	[sflag:s22] =	ssyncadd.s32 s3;
	_ =	sdelay $0x1  }
0xa1: {  	s23 =	simm.s32 $0x1B8B  }
0xa2: {  	_ =	swait.ge [sflag:s23], $0x1  }
0xa3: {  	[sflag:s23] =	ssyncset.done $0x0  }
0xa4: {  	s25 =	simm.s32 $0x1B8E;
	s24 =	sld [smem:$0x3FFE];
	[sflag:s23] =	ssyncadd.s32 $0xFFFFFFFF  }
0xa5: {  	s26 =	simm.s32 $execute0_lowered;
	[smem:$0x3FD2] =	sst s25  }
0xa6: {  	s4 =	sshll.u32 s26, $0x1;
	_ =	strace $0x80000046;
	[dreg:$0x1] =	wrdreg $0xFFFFFFFF  }
0xa7: {  	s28 =	simm.s32 $_size_execute0_lowered;
	s2 =	sadd.s32 s2, s4;
	[dreg:$0x0] =	wrdreg $0x0  }
0xa8: {  	s4 =	sshll.u32 s28, $0x1;
	[dreg:$0x2] =	wrdreg s2  }
0xa9: {  	[dreg:$0x3] =	wrdreg s4  }
0xaa: {  	[dreg:$0x4] =	wrdreg $0xC0  }
0xab: {  	_ =	task [dreg:s6], $0x5FFFF  }
0xac: {  	[dreg:$0x1] =	wrdreg $0xFFFFFFFF  }
0xad: {  	[dreg:$0x0] =	wrdreg $0x60  }
0xae: {  	[dreg:$0x2] =	wrdreg s24  }
0xaf: {  	[dreg:$0x3] =	wrdreg $0x150000  }
0xb0: {  	[dreg:$0x4] =	wrdreg $0x1A0000  }
0xb1: {  	[dreg:$0x5] =	wrdreg $0x9  }
0xb2: {  	_ =	task.clear_ibuf [dreg:s6], $0x6FFFF;
	_ =	strace $0x90000046  }
0xb3: {  	s29 =	simm.s32 $0x9;
	_ =	strace $0x80000048  }
0xb4: {  	_ =	swait.ge [sflag:s29], $0x1  }
0xb5: {  	[sflag:s29] =	ssyncadd.s32 $0xFFFFFFFF  }
0xb6: {  	_ =	strace $0x90000048  }
0xb7: {  	_ =	sfence  }
0xb8: {  	s30 =	sld [smem:$0x0];
	_ =	sdelay $0x2  }
0xb9: {  	s31 =	sshll.u32 s1, $0xD;
	s1 =	sshrl.u32 s1, $0x2  }
0xba: {  	s3 =	sand.u32 $0x4000, s31;
	s1 =	sadd.s32 s1, s30  }
0xbb: {  	s0 =	sor.u32 s3, s0;
	s1 =	sshll.u32 s1, $0x11  }
0xbc: {  	s0 =	sor.u32 s1, s0  }
0xbd: {  	s0 =	sadd.s32 $0x8F2B, s0  }
0xbe: {  	[sflag:s0] =	ssyncadd.remote.s32 $0x1  }
0xbf: {  	_ =	sfence.sel $0xFFFF  }
0xc0: {  	[dreg:$0x0] =	wrdreg $0xFFFFFFFF;
	(pc) =	sbr.abs _section_cstart, $3  }
0xc1: {  	[dreg:$0x1] =	wrdreg $0xFFFFFFFF  }
0xc2: {  	_ =	task.clear_ibuf [dreg:s6], $0x2FFFF;
	_ =	strace $0x9FFFFFFF  }
0xc3: {  	(tm) =	ssettm $0x7FFFFFFF  }
tec
execute0_lowered:
.L_overlay_start_1:
0x0: {  	(tag) =	ssettag $0x1  }
0x1: {  	s5 =	rddreg [dreg:$0x0]  }
0x2: {  	s2 =	rddreg [dreg:$0x1]  }
0x3: {  	s3 =	rddreg [dreg:$0x2]  }
0x4: {  	s0 =	rddreg [dreg:$0x3]  }
0x5: {  	s1 =	stileid.u32;
	s6 =	srdreg.scid  }
0x6: {  	s4 =	simm.s32 $0x0;
	s16 =	simm.s32 $0x1;
	s17 =	simm.s32 $0x400  }
0x7: {  	s18 =	simm.s32 $0x4C00;
	s20 =	simm.s32 $0x3;
	s21 =	simm.s32 $0x0  }
0x8: {  	s7 =	smul.u32 $0x5000, s1;
	s6 =	sand.u32 $0x1, s6;
	[smem:$0x7FF] =	sst s4  }
0x9: {  	s19 =	sshll.u32 s1, $0x6;
	s8 =	sshll.u32 s6, $0x4;
	s9 =	smul.u32 $0x50000, s6  }
0xa: {  	_ =	strace $0x80000047;
	s6 =	ssub.s32 $0x2, s6;
	s8 =	sor.u32 s1, s8  }
0xb: {  	s10 =	sshrl.u32 s7, $0x3;
	s31 =	sshrl.u32 s6, $0x1;
	s14 =	sadd.s32 s7, s2  }
0xc: {  	s15 =	sadd.s32 s7, s3;
	s8 =	smul.u32 $0x500, s8;
	s9 =	sadd.s32 s7, s9  }
0xd: {  	s10 =	sadd.s32 s10, s5;
	s13 =	ssub.s32 s6, s31;
	s6 =	sor.u32 $0x1C02, s19  }
.Ltmp0:
0xe: {  	s19 =	sor.u32 $0x1C03, s19;
	s9 =	sshrl.u32 s9, $0x3;
	(pc) =	sbr.rel .LBB2_1-.Ltmp0, $4  }
0xf: {  	s7 =	sadd.s32 $0x5800, s10;
	s11 =	sadd.s32 s8, s5;
	s12 =	sadd.s32 s9, s5  }
0x10: {  	s5 =	sadd.s32 $0x23800, s10;
	s8 =	sadd.s32 $0xF800, s11;
	s9 =	sadd.s32 $0x19800, s11  }
0x11: {  	s10 =	sadd.s32 $0x2D800, s12;
	s11 =	smax.u32 s13, $0x1;
	s12 =	sshrl.u32 s14, $0x3  }
0x12: {  	s13 =	sshrl.u32 s15, $0x3;
	s14 =	simm.s32 $0x2;
	s15 =	simm.s32 $0x5000  }
.LBB2_4:
0x13: {  	[spmem:s2] =	stream.indirect.scatter.add.f32 [tilespmem:s25], [sflag:$0x2], $0x20, s18, s17, $0xb8;
	[tilespmem:$0x1F000] =	vst v63  }
0x14: {  	_ =	swait.ge [sflag:s14], $0x8000  }
0x15: {  	s21 =	sadd.s32 $0x1, s21;
	[sflag:s14] =	ssyncset.done $0x0  }
0x16: {  	p0 =	sne.s32 s21, s11;
	[sflag:s14] =	ssyncadd.s32 $0xFFFF8000  }
.Ltmp1:
0x17: {  	[bflag:$0x0] =	sbarrier.arrive $0xFFFF;
	(pc) =	sbr.rel @!p0 .LBB2_5-.Ltmp1, $4  }
0x18: {  	[hbm:s10], [sflag:s19] =	dma.local [spmem:s12], $0xA00  }
0x19: {  	_ =	swait.ge [sflag:s20], $0xA00  }
0x1a: {  	[sflag:s20] =	ssyncset.done $0x0  }
0x1b: {  	[sflag:s20] =	ssyncadd.s32 $0xFFFFF600  }
.LBB2_1:
0x1c: {  	[spmem:s12], [sflag:s6] =	dma.local [hbm:s5], $0xA00  }
0x1d: {  	[spmem:s13], [sflag:s6] =	dma.local [hbm:s7], $0xA00  }
0x1e: {  	[tilespmem:s4], [sflag:$0x2] =	stream.linear.gather [hbm4b:s8+s4], $0x2800, $0x38;
	[tilespmem:$0x1F000] =	vst v63  }
0x1f: {  	s22 =	simm.s32 $0x2800  }
0x20: {  	[tilespmem:s22], [sflag:$0x2] =	stream.linear.gather [hbm4b:s9+s4], $0x2800, $0x38;
	[tilespmem:$0x1F000] =	vst v63  }
0x21: {  	_ =	swait.ge [sflag:s14], $0xA00  }
0x22: {  	[sflag:s14] =	ssyncset.done $0x0  }
0x23: {  	[sflag:s14] =	ssyncadd.s32 $0xFFFFF600  }
0x24: {  	_ =	swait.ge [sflag:s14], $0xA00  }
0x25: {  	[sflag:s14] =	ssyncset.done $0x0  }
0x26: {  	[sflag:s14] =	ssyncadd.s32 $0xFFFFF600  }
0x27: {  	_ =	swait.ge [sflag:s14], $0x2800  }
0x28: {  	[sflag:s14] =	ssyncset.done $0x0  }
0x29: {  	[sflag:s14] =	ssyncadd.s32 $0xFFFFD800  }
0x2a: {  	_ =	swait.ge [sflag:s14], $0x2800  }
0x2b: {  	[sflag:s14] =	ssyncset.done $0x0  }
0x2c: {  	[sflag:s14] =	ssyncadd.s32 $0xFFFFD800  }
0x2d: {  	s23 =	simm.s32 $0x0;
	s24 =	simm.s32 $0x400;
	[bflag:$0x0] =	sbarrier.arrive $0xFFFF  }
0x2e: {  	[tilespmem:s15], [sflag:$0x1] =	stream.indirect.gather [spmem:s3], $0x20, s4, s17, $0xb8;
	[tilespmem:$0x1F000] =	vst v63  }
.LBB2_2:
0x2f: {  	p0 =	seq.s32 s23, $0x0  }
0x30: {  	p1 =	seq.s32 @!p0 s23, $0x9  }
0x31: {  	_ =	swait.ge [sflag:s16], $0x8000;
	p1 =	por p0, !p1  }
.Ltmp2:
0x32: {  	[sflag:s16] =	ssyncset.done $0x0;
	(pc) =	sbr.rel @!p1 .LBB2_4-.Ltmp2, $4  }
0x33: {  	s28 =	simm.s32 @!p0 $0x2;
	[sflag:s16] =	ssyncadd.s32 $0xFFFF8000  }
0x34: {  	s25 =	sand.u32 $0x1, s23;
	_ =	swait.ge @!p0 [sflag:s28], $0x8000  }
0x35: {  	s26 =	sshll.u32 s25, $0xF;
	[sflag:s28] =	ssyncset.done @!p0 $0x0  }
0x36: {  	s25 =	sor.u32 $0x5000, s26;
	[sflag:s28] =	ssyncadd.s32 @!p0 $0xFFFF8000  }
.Ltmp3:
0x37: {  	s26 =	sxor.u32 $0xD000, s26;
	(pc) =	sbr.rel .LBB2_2-.Ltmp3, $4  }
0x38: {  	[tilespmem:s26], [sflag:$0x1] =	stream.indirect.gather [spmem:s3], $0x20, s24, s17, $0xb8;
	[tilespmem:$0x1F000] =	vst v63  }
0x39: {  	_ = 	snop  }
0x3a: {  	[spmem:s2] =	stream.indirect.scatter.add.f32 [tilespmem:s25], [sflag:$0x2], $0x20, s22, s17, $0xb8;
	[tilespmem:$0x1F000] =	vst v63  }
0x3b: {  	s23 =	sadd.s32 $0x1, s23;
	s24 =	sadd.s32 $0x400, s24;
	s22 =	sadd.s32 $0x400, s22  }
.LBB2_5:
0x3c: {  	_ =	sfence.sel $0x180000  }
0x3d: {  	[bflag:$0x0] =	sbarrier.arrive $0xFFFF  }
0x3e: {  	p0 =	sne.s32 s1, $0x0;
	_ =	strace $0x90000047  }
0x3f: {  	s0 =	sadd.s32 @!p0 $0x100000, s0;
	[bflag:$0x2] =	sbarrier.arrive $0xFFFF  }
0x40: {  	[sflag:s0] =	ssyncadd.tile.s32 @!p0 $0x1;
	_ =	shalt  }
.Lfunc_end2:
_tile_overlayer_lowered:
.L_overlay_start_2:
0x41: {  	(tag) =	ssettag $0x2  }
0x42: {  	s0 =	rddreg [dreg:$0x0];
	s2 =	stileid.u32  }
0x43: {  	s1 =	rddreg [dreg:$0x1];
	p0 =	sne.s32 s2, $0x0  }
0x44: {  	s3 =	rddreg [dreg:$0x2];
	[bflag:$0x3] =	sbarrier.arrive $0xFFFF;
	s2 =	simm.s32 @!p0 $0x1C03  }
0x45: {  	[timem:s3], [sflag:s2] =	dma.local @!p0 [hbm:s0], s1  }
0x46: {  	s0 =	simm.s32 @!p0 $0x3  }
0x47: {  	_ =	swait.ge @!p0 [sflag:s0], s1  }
0x48: {  	s1 =	ssub.s32 @!p0 $0x0, s1;
	[sflag:s0] =	ssyncset.done @!p0 $0x0  }
0x49: {  	[sflag:s0] =	ssyncadd.s32 @!p0 s1  }
0x4a: {  	[bflag:$0x3] =	sbarrier.arrive $0xFFFF  }
0x4b: {  	_ =	shalt  }

// kernel: kernel.14.cloned.1.call-start
scs
__scs_entry_jumppad:
0x0: {  	(pc) =	sbr.rel $0x88, $3  }
0x1: {  	(tag) =	ssettag $0x0;
	lr =	simm.s32 $0x1  }
0x2: {  	[smem:$0x3F82] =	sst lr;
	_ =	strace $0xD0000000  }
0x3: {  	_ = 	snop  }
0x4: {  	_ = 	snop  }
0x5: {  	_ = 	snop  }
0x6: {  	_ = 	snop  }
0x7: {  	_ = 	snop  }
__scs_overlays_trampoline_lowered:
0x8: {  	[smem:$0x3F91] =	sst s0  }
0x9: {  	[smem:$0x3F92] =	sst s1  }
0xa: {  	[smem:$0x3F93] =	sst s2  }
0xb: {  	[smem:$0x3F94] =	sst s3  }
0xc: {  	[smem:$0x3F95] =	sst s4  }
0xd: {  	[smem:$0x3F96] =	sst s5  }
0xe: {  	[smem:$0x3F97] =	sst s6  }
0xf: {  	[smem:$0x3F98] =	sst s7  }
0x10: {  	[smem:$0x3F99] =	sst s8  }
0x11: {  	[smem:$0x3F9A] =	sst s9;
	s0 =	simm.s32 @!p0 $0x0  }
0x12: {  	s1 =	sld [smem:$0x3F80];
	s0 =	simm.s32 @p0 $0x1  }
0x13: {  	[smem:$0x3F9B] =	sst s0;
	s0 =	simm.s32 @!p1 $0x0  }
0x14: {  	s2 =	sld [smem:$0x3F7F];
	s0 =	simm.s32 @p1 $0x1  }
0x15: {  	[smem:$0x3F9C] =	sst s0;
	s0 =	simm.s32 @!p2 $0x0  }
0x16: {  	s3 =	sld [smem:$0x3FDB];
	s0 =	simm.s32 @p2 $0x1  }
0x17: {  	s4 =	simm.s32 $0x1BF5;
	[smem:$0x3F9E] =	sst s0  }
0x18: {  	s0 =	sld [smem:$0x3F81];
	_ =	swait.ge [sflag:s4], $0x0  }
0x19: {  	s7 =	sld [smem:$0x3F82]  }
0x1a: {  	s8 =	sadd.s32 $0xFFFFE003, lr  }
0x1b: {  	s9 =	sadd.s32 $0xFFFFFEF7, lr;
	s5 =	simm.s32 $0xFFFFFFFF;
	p2 =	slt.u32 s8, $0xFFFFF086  }
0x1c: {  	p1 =	slt.u32 s9, $0xF7A;
	s5 =	simm.s32 @!p2 $0x0  }
0x1d: {  	s5 =	simm.s32 @p1 $0x1;
	p0 =	seq.s32 s7, s2  }
0x1e: {  	s7 =	smul.u32 @!p0 $0xF7A, s2;
	p2 =	seq.s32 @!p0 s5, $0x0  }
0x1f: {  	s9 =	smul.u32 $0xF7A, s1;
	s8 =	simm.s32 @!p0 $0x1BF5;
	p2 =	por !p2, p0  }
0x20: {  	[sflag:s8] =	ssyncset.s32 @!p0 $0xFFFFF086;
	s6 =	sadd.s32 @!p0 s3, s7;
	s7 =	simm.s32 @!p0 $0x108  }
0x21: {  	s3 =	sadd.s32 s3, s9;
	s6 =	sadd.s32 @!p0 $0x88, s6;
	s7 =	simm.s32 @p2 $0x1082  }
0x22: {  	[simem:s7], [sflag:s8] =	dma.local @!p0 [hbm:s6], $0xF7A  }
0x23: {  	s9 =	sor.u32 $0xD0000000, s2;
	s6 =	simm.s32 $0x108;
	_ =	swait.ge @!p0 [sflag:s8], $0x0  }
0x24: {  	s3 =	sadd.s32 $0x88, s3;
	s6 =	simm.s32 @!p1 $0x1082;
	[sflag:s4] =	ssyncset.s32 $0xFFFFF086  }
0x25: {  	[simem:s6], [sflag:s4] =	dma.local [hbm:s3], $0xF7A  }
0x26: {  	[smem:$0x3F82] =	sst s1;
	(tag) =	ssettag s2;
	_ =	strace s9  }
0x27: {  	s1 =	sld [smem:$0x3F92]  }
0x28: {  	s2 =	sld [smem:$0x3F93]  }
0x29: {  	s4 =	sld [smem:$0x3F95]  }
0x2a: {  	p0 =	seq.s32 s5, $0x0;
	s5 =	sld [smem:$0x3F96]  }
0x2b: {  	s6 =	sld [smem:$0x3F97]  }
0x2c: {  	s7 =	sld [smem:$0x3F98]  }
0x2d: {  	s3 =	simm.s32 $0x108;
	s8 =	sld [smem:$0x3F99]  }
0x2e: {  	s3 =	simm.s32 @!p0 $0x1082;
	s9 =	sld [smem:$0x3F9A]  }
0x2f: {  	lr =	sadd.s32 s0, s3;
	s0 =	sld [smem:$0x3F91]  }
0x30: {  	s3 =	sld [smem:$0x3F94]  }
0x31: {  	[smem:$0x3F9D] =	sst s10  }
0x32: {  	s10 =	sld [smem:$0x3F9B];
	_ =	sdelay $0x3  }
0x33: {  	p0 =	seq.s32 s10, $0x1;
	s10 =	sld [smem:$0x3F9D];
	_ =	sdelay $0x3  }
0x34: {  	[smem:$0x3F9D] =	sst s10  }
0x35: {  	s10 =	sld [smem:$0x3F9C];
	_ =	sdelay $0x3  }
0x36: {  	p1 =	seq.s32 s10, $0x1;
	s10 =	sld [smem:$0x3F9D];
	_ =	sdelay $0x3  }
0x37: {  	[smem:$0x3F9D] =	sst s10  }
0x38: {  	s10 =	sld [smem:$0x3F9E]  }
0x39: {  	_ = 	snop;
	(pc) =	sbr.ind lr, $3  }
0x3a: {  	_ = 	snop  }
0x3b: {  	_ = 	snop  }
0x3c: {  	p2 =	seq.s32 s10, $0x1;
	s10 =	sld [smem:$0x3F9D]  }
0x3d: {  	_ =	shalt  }
0x3e: {  	_ =	shalt  }
0x3f: {  	_ =	shalt  }
0x40: {  	_ =	shalt  }
0x41: {  	_ =	shalt  }
0x42: {  	_ =	shalt  }
0x43: {  	_ =	shalt  }
0x44: {  	_ =	shalt  }
0x45: {  	_ =	shalt  }
0x46: {  	_ =	shalt  }
0x47: {  	_ =	shalt  }
0x48: {  	_ =	shalt  }
0x49: {  	_ =	shalt  }
0x4a: {  	_ =	shalt  }
0x4b: {  	_ =	shalt  }
0x4c: {  	_ =	shalt  }
0x4d: {  	_ =	shalt  }
0x4e: {  	_ =	shalt  }
0x4f: {  	_ =	shalt  }
0x50: {  	_ =	shalt  }
0x51: {  	_ =	shalt  }
0x52: {  	_ =	shalt  }
0x53: {  	_ =	shalt  }
0x54: {  	_ =	shalt  }
0x55: {  	_ =	shalt  }
0x56: {  	_ =	shalt  }
0x57: {  	_ =	shalt  }
0x58: {  	_ =	shalt  }
0x59: {  	_ =	shalt  }
0x5a: {  	_ =	shalt  }
0x5b: {  	_ =	shalt  }
0x5c: {  	_ =	shalt  }
0x5d: {  	_ =	shalt  }
0x5e: {  	_ =	shalt  }
0x5f: {  	_ =	shalt  }
0x60: {  	_ =	shalt  }
0x61: {  	_ =	shalt  }
0x62: {  	_ =	shalt  }
0x63: {  	_ =	shalt  }
0x64: {  	_ =	shalt  }
0x65: {  	_ =	shalt  }
0x66: {  	_ =	shalt  }
0x67: {  	_ =	shalt  }
0x68: {  	_ =	shalt  }
0x69: {  	_ =	shalt  }
0x6a: {  	_ =	shalt  }
0x6b: {  	_ =	shalt  }
0x6c: {  	_ =	shalt  }
0x6d: {  	_ =	shalt  }
0x6e: {  	_ =	shalt  }
0x6f: {  	_ =	shalt  }
0x70: {  	_ =	shalt  }
0x71: {  	_ =	shalt  }
0x72: {  	_ =	shalt  }
0x73: {  	_ =	shalt  }
0x74: {  	_ =	shalt  }
0x75: {  	_ =	shalt  }
0x76: {  	_ =	shalt  }
0x77: {  	_ =	shalt  }
0x78: {  	_ =	shalt  }
0x79: {  	_ =	shalt  }
0x7a: {  	_ =	shalt  }
0x7b: {  	_ =	shalt  }
0x7c: {  	_ =	shalt  }
0x7d: {  	_ =	shalt  }
0x7e: {  	_ =	shalt  }
0x7f: {  	_ =	shalt  }
0x80: {  	_ =	shalt  }
0x81: {  	_ =	shalt  }
0x82: {  	_ =	shalt  }
0x83: {  	_ =	shalt  }
0x84: {  	_ =	shalt  }
0x85: {  	_ =	shalt  }
0x86: {  	_ =	shalt  }
0x87: {  	_ =	shalt  }
.Lfunc_end0:
.L_simem_size_0:
called_computation.1_lowered:
.L_overlay_start_0:
0x88: {  	s2 =	sld [smem:$0x3FD9]  }
0x89: {  	s3 =	sld [smem:$0x3FFE];
	_ =	sdelay $0x1  }
0x8a: {  	s1 =	srdreg.scid  }
0x8b: {  	s0 =	sand.u32 $0x1, s1  }
0x8c: {  	s16 =	sshll.u32 s0, $0xA;
	s2 =	sadd.s32 s3, s2  }
0x8d: {  	s2 =	sadd.s32 s2, s16  }
0x8e: {  	[smem:$0x3FA9] =	sst s2  }
0x8f: {  	_ = 	snop  }
0x90: {  	(tm) =	ssettm $0x1  }
0x91: {  	s17 =	sld [smem:$0x3FFB];
	_ =	sdelay $0x3  }
0x92: {  	_ =	strace s17  }
0x93: {  	s2 =	sld [smem:$0x3FFC];
	_ =	sdelay $0x3  }
0x94: {  	_ =	strace s2  }
0x95: {  	s2 =	sld [smem:$0x3FFD];
	_ =	sdelay $0x3  }
0x96: {  	_ =	strace s2  }
0x97: {  	_ =	strace $0x8FFFFFFF  }
0x98: {  	s18 =	sld [smem:$0x3FDB];
	_ =	sdelay $0x1  }
0x99: {  	s19 =	simm.s32 $_scs_section_size  }
0x9a: {  	s4 =	simm.s32 $_size__tile_overlayer_lowered;
	s5 =	simm.s32 $_tile_overlayer_lowered  }
0x9b: {  	s22 =	simm.s32 $0x1BFF;
	s21 =	sshll.u32 s5, $0x1;
	s2 =	sadd.s32 s19, s18  }
0x9c: {  	s6 =	simm.s32 $0x0;
	s20 =	sshll.u32 s4, $0x1;
	s4 =	sadd.s32 s21, s2  }
0x9d: {  	[timem:s6], [sflag:s22] =	dma.local [hbm:s4], s20  }
0x9e: {  	_ =	swait.ge [sflag:s22], s20  }
0x9f: {  	s3 =	ssub.s32 $0x0, s20;
	[sflag:s22] =	ssyncset.done $0x0  }
0xa0: {  	[sflag:s22] =	ssyncadd.s32 s3;
	_ =	sdelay $0x1  }
0xa1: {  	s23 =	simm.s32 $0x1B8B  }
0xa2: {  	_ =	swait.ge [sflag:s23], $0x1  }
0xa3: {  	[sflag:s23] =	ssyncset.done $0x0  }
0xa4: {  	s25 =	simm.s32 $0x1B8E;
	s24 =	sld [smem:$0x3FFE];
	[sflag:s23] =	ssyncadd.s32 $0xFFFFFFFF  }
0xa5: {  	s26 =	simm.s32 $execute0_lowered;
	[smem:$0x3FD2] =	sst s25  }
0xa6: {  	s4 =	sshll.u32 s26, $0x1;
	_ =	strace $0x80000049;
	[dreg:$0x1] =	wrdreg $0xFFFFFFFF  }
0xa7: {  	s28 =	simm.s32 $_size_execute0_lowered;
	s2 =	sadd.s32 s2, s4;
	[dreg:$0x0] =	wrdreg $0x0  }
0xa8: {  	s4 =	sshll.u32 s28, $0x1;
	[dreg:$0x2] =	wrdreg s2  }
0xa9: {  	[dreg:$0x3] =	wrdreg s4  }
0xaa: {  	[dreg:$0x4] =	wrdreg $0xC0  }
0xab: {  	_ =	task [dreg:s6], $0x5FFFF  }
0xac: {  	[dreg:$0x1] =	wrdreg $0xFFFFFFFF  }
0xad: {  	[dreg:$0x0] =	wrdreg $0x60  }
0xae: {  	[dreg:$0x2] =	wrdreg s24  }
0xaf: {  	[dreg:$0x3] =	wrdreg $0x150000  }
0xb0: {  	[dreg:$0x4] =	wrdreg $0x1A0000  }
0xb1: {  	[dreg:$0x5] =	wrdreg $0x9  }
0xb2: {  	_ =	task.clear_ibuf [dreg:s6], $0x6FFFF;
	_ =	strace $0x90000049  }
0xb3: {  	s29 =	simm.s32 $0x9;
	_ =	strace $0x8000004B  }
0xb4: {  	_ =	swait.ge [sflag:s29], $0x1  }
0xb5: {  	[sflag:s29] =	ssyncadd.s32 $0xFFFFFFFF  }
0xb6: {  	_ =	strace $0x9000004B  }
0xb7: {  	_ =	sfence  }
0xb8: {  	s30 =	sld [smem:$0x0];
	_ =	sdelay $0x2  }
0xb9: {  	s31 =	sshll.u32 s1, $0xD;
	s1 =	sshrl.u32 s1, $0x2  }
0xba: {  	s3 =	sand.u32 $0x4000, s31;
	s1 =	sadd.s32 s1, s30  }
0xbb: {  	s0 =	sor.u32 s3, s0;
	s1 =	sshll.u32 s1, $0x11  }
0xbc: {  	s0 =	sor.u32 s1, s0  }
0xbd: {  	s0 =	sadd.s32 $0x8F2B, s0  }
0xbe: {  	[sflag:s0] =	ssyncadd.remote.s32 $0x1  }
0xbf: {  	_ =	sfence.sel $0xFFFF  }
0xc0: {  	[dreg:$0x0] =	wrdreg $0xFFFFFFFF;
	(pc) =	sbr.abs _section_cstart, $3  }
0xc1: {  	[dreg:$0x1] =	wrdreg $0xFFFFFFFF  }
0xc2: {  	_ =	task.clear_ibuf [dreg:s6], $0x2FFFF;
	_ =	strace $0x9FFFFFFF  }
0xc3: {  	(tm) =	ssettm $0x7FFFFFFF  }
tec
execute0_lowered:
.L_overlay_start_1:
0x0: {  	(tag) =	ssettag $0x1  }
0x1: {  	s5 =	rddreg [dreg:$0x0]  }
0x2: {  	s2 =	rddreg [dreg:$0x1]  }
0x3: {  	s3 =	rddreg [dreg:$0x2]  }
0x4: {  	s0 =	rddreg [dreg:$0x3]  }
0x5: {  	s1 =	stileid.u32;
	s6 =	srdreg.scid  }
0x6: {  	s4 =	simm.s32 $0x0;
	s16 =	simm.s32 $0x1;
	s17 =	simm.s32 $0x400  }
0x7: {  	s18 =	simm.s32 $0x4C00;
	s20 =	simm.s32 $0x3;
	s21 =	simm.s32 $0x0  }
0x8: {  	s7 =	smul.u32 $0x5000, s1;
	s6 =	sand.u32 $0x1, s6;
	[smem:$0x7FF] =	sst s4  }
0x9: {  	s19 =	sshll.u32 s1, $0x6;
	s8 =	sshll.u32 s6, $0x4;
	s9 =	smul.u32 $0x50000, s6  }
0xa: {  	_ =	strace $0x8000004A;
	s6 =	ssub.s32 $0x2, s6;
	s8 =	sor.u32 s1, s8  }
0xb: {  	s10 =	sshrl.u32 s7, $0x3;
	s31 =	sshrl.u32 s6, $0x1;
	s14 =	sadd.s32 s7, s2  }
0xc: {  	s15 =	sadd.s32 s7, s3;
	s8 =	smul.u32 $0x500, s8;
	s9 =	sadd.s32 s7, s9  }
0xd: {  	s10 =	sadd.s32 s10, s5;
	s13 =	ssub.s32 s6, s31;
	s6 =	sor.u32 $0x1C02, s19  }
.Ltmp0:
0xe: {  	s19 =	sor.u32 $0x1C03, s19;
	s9 =	sshrl.u32 s9, $0x3;
	(pc) =	sbr.rel .LBB2_1-.Ltmp0, $4  }
0xf: {  	s7 =	sadd.s32 $0x5800, s10;
	s11 =	sadd.s32 s8, s5;
	s12 =	sadd.s32 s9, s5  }
0x10: {  	s5 =	sadd.s32 $0x23800, s10;
	s8 =	sadd.s32 $0xF800, s11;
	s9 =	sadd.s32 $0x19800, s11  }
0x11: {  	s10 =	sadd.s32 $0x2D800, s12;
	s11 =	smax.u32 s13, $0x1;
	s12 =	sshrl.u32 s14, $0x3  }
0x12: {  	s13 =	sshrl.u32 s15, $0x3;
	s14 =	simm.s32 $0x2;
	s15 =	simm.s32 $0x5000  }
.LBB2_4:
0x13: {  	[spmem:s2] =	stream.indirect.scatter.add.f32 [tilespmem:s25], [sflag:$0x2], $0x20, s18, s17, $0xb8;
	[tilespmem:$0x1F000] =	vst v63  }
0x14: {  	_ =	swait.ge [sflag:s14], $0x8000  }
0x15: {  	s21 =	sadd.s32 $0x1, s21;
	[sflag:s14] =	ssyncset.done $0x0  }
0x16: {  	p0 =	sne.s32 s21, s11;
	[sflag:s14] =	ssyncadd.s32 $0xFFFF8000  }
.Ltmp1:
0x17: {  	[bflag:$0x0] =	sbarrier.arrive $0xFFFF;
	(pc) =	sbr.rel @!p0 .LBB2_5-.Ltmp1, $4  }
0x18: {  	[hbm:s10], [sflag:s19] =	dma.local [spmem:s12], $0xA00  }
0x19: {  	_ =	swait.ge [sflag:s20], $0xA00  }
0x1a: {  	[sflag:s20] =	ssyncset.done $0x0  }
0x1b: {  	[sflag:s20] =	ssyncadd.s32 $0xFFFFF600  }
.LBB2_1:
0x1c: {  	[spmem:s12], [sflag:s6] =	dma.local [hbm:s5], $0xA00  }
0x1d: {  	[spmem:s13], [sflag:s6] =	dma.local [hbm:s7], $0xA00  }
0x1e: {  	[tilespmem:s4], [sflag:$0x2] =	stream.linear.gather [hbm4b:s8+s4], $0x2800, $0x38;
	[tilespmem:$0x1F000] =	vst v63  }
0x1f: {  	s22 =	simm.s32 $0x2800  }
0x20: {  	[tilespmem:s22], [sflag:$0x2] =	stream.linear.gather [hbm4b:s9+s4], $0x2800, $0x38;
	[tilespmem:$0x1F000] =	vst v63  }
0x21: {  	_ =	swait.ge [sflag:s14], $0xA00  }
0x22: {  	[sflag:s14] =	ssyncset.done $0x0  }
0x23: {  	[sflag:s14] =	ssyncadd.s32 $0xFFFFF600  }
0x24: {  	_ =	swait.ge [sflag:s14], $0xA00  }
0x25: {  	[sflag:s14] =	ssyncset.done $0x0  }
0x26: {  	[sflag:s14] =	ssyncadd.s32 $0xFFFFF600  }
0x27: {  	_ =	swait.ge [sflag:s14], $0x2800  }
0x28: {  	[sflag:s14] =	ssyncset.done $0x0  }
0x29: {  	[sflag:s14] =	ssyncadd.s32 $0xFFFFD800  }
0x2a: {  	_ =	swait.ge [sflag:s14], $0x2800  }
0x2b: {  	[sflag:s14] =	ssyncset.done $0x0  }
0x2c: {  	[sflag:s14] =	ssyncadd.s32 $0xFFFFD800  }
0x2d: {  	s23 =	simm.s32 $0x0;
	s24 =	simm.s32 $0x400;
	[bflag:$0x0] =	sbarrier.arrive $0xFFFF  }
0x2e: {  	[tilespmem:s15], [sflag:$0x1] =	stream.indirect.gather [spmem:s3], $0x20, s4, s17, $0xb8;
	[tilespmem:$0x1F000] =	vst v63  }
.LBB2_2:
0x2f: {  	p0 =	seq.s32 s23, $0x0  }
0x30: {  	p1 =	seq.s32 @!p0 s23, $0x9  }
0x31: {  	_ =	swait.ge [sflag:s16], $0x8000;
	p1 =	por p0, !p1  }
.Ltmp2:
0x32: {  	[sflag:s16] =	ssyncset.done $0x0;
	(pc) =	sbr.rel @!p1 .LBB2_4-.Ltmp2, $4  }
0x33: {  	s28 =	simm.s32 @!p0 $0x2;
	[sflag:s16] =	ssyncadd.s32 $0xFFFF8000  }
0x34: {  	s25 =	sand.u32 $0x1, s23;
	_ =	swait.ge @!p0 [sflag:s28], $0x8000  }
0x35: {  	s26 =	sshll.u32 s25, $0xF;
	[sflag:s28] =	ssyncset.done @!p0 $0x0  }
0x36: {  	s25 =	sor.u32 $0x5000, s26;
	[sflag:s28] =	ssyncadd.s32 @!p0 $0xFFFF8000  }
.Ltmp3:
0x37: {  	s26 =	sxor.u32 $0xD000, s26;
	(pc) =	sbr.rel .LBB2_2-.Ltmp3, $4  }
0x38: {  	[tilespmem:s26], [sflag:$0x1] =	stream.indirect.gather [spmem:s3], $0x20, s24, s17, $0xb8;
	[tilespmem:$0x1F000] =	vst v63  }
0x39: {  	_ = 	snop  }
0x3a: {  	[spmem:s2] =	stream.indirect.scatter.add.f32 [tilespmem:s25], [sflag:$0x2], $0x20, s22, s17, $0xb8;
	[tilespmem:$0x1F000] =	vst v63  }
0x3b: {  	s23 =	sadd.s32 $0x1, s23;
	s24 =	sadd.s32 $0x400, s24;
	s22 =	sadd.s32 $0x400, s22  }
.LBB2_5:
0x3c: {  	_ =	sfence.sel $0x180000  }
0x3d: {  	[bflag:$0x0] =	sbarrier.arrive $0xFFFF  }
0x3e: {  	p0 =	sne.s32 s1, $0x0;
	_ =	strace $0x9000004A  }
0x3f: {  	s0 =	sadd.s32 @!p0 $0x100000, s0;
	[bflag:$0x2] =	sbarrier.arrive $0xFFFF  }
0x40: {  	[sflag:s0] =	ssyncadd.tile.s32 @!p0 $0x1;
	_ =	shalt  }
.Lfunc_end2:
_tile_overlayer_lowered:
.L_overlay_start_2:
0x41: {  	(tag) =	ssettag $0x2  }
0x42: {  	s0 =	rddreg [dreg:$0x0];
	s2 =	stileid.u32  }
0x43: {  	s1 =	rddreg [dreg:$0x1];
	p0 =	sne.s32 s2, $0x0  }
0x44: {  	s3 =	rddreg [dreg:$0x2];
	[bflag:$0x3] =	sbarrier.arrive $0xFFFF;
	s2 =	simm.s32 @!p0 $0x1C03  }
0x45: {  	[timem:s3], [sflag:s2] =	dma.local @!p0 [hbm:s0], s1  }
0x46: {  	s0 =	simm.s32 @!p0 $0x3  }
0x47: {  	_ =	swait.ge @!p0 [sflag:s0], s1  }
0x48: {  	s1 =	ssub.s32 @!p0 $0x0, s1;
	[sflag:s0] =	ssyncset.done @!p0 $0x0  }
0x49: {  	[sflag:s0] =	ssyncadd.s32 @!p0 s1  }
0x4a: {  	[bflag:$0x3] =	sbarrier.arrive $0xFFFF  }
0x4b: {  	_ =	shalt  }

// kernel: kernel.17.cloned.1.call-start
scs
__scs_entry_jumppad:
0x0: {  	(pc) =	sbr.rel $0x88, $3  }
0x1: {  	(tag) =	ssettag $0x0;
	lr =	simm.s32 $0x1  }
0x2: {  	[smem:$0x3F82] =	sst lr;
	_ =	strace $0xD0000000  }
0x3: {  	_ = 	snop  }
0x4: {  	_ = 	snop  }
0x5: {  	_ = 	snop  }
0x6: {  	_ = 	snop  }
0x7: {  	_ = 	snop  }
__scs_overlays_trampoline_lowered:
0x8: {  	[smem:$0x3F91] =	sst s0  }
0x9: {  	[smem:$0x3F92] =	sst s1  }
0xa: {  	[smem:$0x3F93] =	sst s2  }
0xb: {  	[smem:$0x3F94] =	sst s3  }
0xc: {  	[smem:$0x3F95] =	sst s4  }
0xd: {  	[smem:$0x3F96] =	sst s5  }
0xe: {  	[smem:$0x3F97] =	sst s6  }
0xf: {  	[smem:$0x3F98] =	sst s7  }
0x10: {  	[smem:$0x3F99] =	sst s8  }
0x11: {  	[smem:$0x3F9A] =	sst s9;
	s0 =	simm.s32 @!p0 $0x0  }
0x12: {  	s1 =	sld [smem:$0x3F80];
	s0 =	simm.s32 @p0 $0x1  }
0x13: {  	[smem:$0x3F9B] =	sst s0;
	s0 =	simm.s32 @!p1 $0x0  }
0x14: {  	s2 =	sld [smem:$0x3F7F];
	s0 =	simm.s32 @p1 $0x1  }
0x15: {  	[smem:$0x3F9C] =	sst s0;
	s0 =	simm.s32 @!p2 $0x0  }
0x16: {  	s3 =	sld [smem:$0x3FDB];
	s0 =	simm.s32 @p2 $0x1  }
0x17: {  	s4 =	simm.s32 $0x1BF5;
	[smem:$0x3F9E] =	sst s0  }
0x18: {  	s0 =	sld [smem:$0x3F81];
	_ =	swait.ge [sflag:s4], $0x0  }
0x19: {  	s7 =	sld [smem:$0x3F82]  }
0x1a: {  	s8 =	sadd.s32 $0xFFFFE003, lr  }
0x1b: {  	s9 =	sadd.s32 $0xFFFFFEF7, lr;
	s5 =	simm.s32 $0xFFFFFFFF;
	p2 =	slt.u32 s8, $0xFFFFF086  }
0x1c: {  	p1 =	slt.u32 s9, $0xF7A;
	s5 =	simm.s32 @!p2 $0x0  }
0x1d: {  	s5 =	simm.s32 @p1 $0x1;
	p0 =	seq.s32 s7, s2  }
0x1e: {  	s7 =	smul.u32 @!p0 $0xF7A, s2;
	p2 =	seq.s32 @!p0 s5, $0x0  }
0x1f: {  	s9 =	smul.u32 $0xF7A, s1;
	s8 =	simm.s32 @!p0 $0x1BF5;
	p2 =	por !p2, p0  }
0x20: {  	[sflag:s8] =	ssyncset.s32 @!p0 $0xFFFFF086;
	s6 =	sadd.s32 @!p0 s3, s7;
	s7 =	simm.s32 @!p0 $0x108  }
0x21: {  	s3 =	sadd.s32 s3, s9;
	s6 =	sadd.s32 @!p0 $0x88, s6;
	s7 =	simm.s32 @p2 $0x1082  }
0x22: {  	[simem:s7], [sflag:s8] =	dma.local @!p0 [hbm:s6], $0xF7A  }
0x23: {  	s9 =	sor.u32 $0xD0000000, s2;
	s6 =	simm.s32 $0x108;
	_ =	swait.ge @!p0 [sflag:s8], $0x0  }
0x24: {  	s3 =	sadd.s32 $0x88, s3;
	s6 =	simm.s32 @!p1 $0x1082;
	[sflag:s4] =	ssyncset.s32 $0xFFFFF086  }
0x25: {  	[simem:s6], [sflag:s4] =	dma.local [hbm:s3], $0xF7A  }
0x26: {  	[smem:$0x3F82] =	sst s1;
	(tag) =	ssettag s2;
	_ =	strace s9  }
0x27: {  	s1 =	sld [smem:$0x3F92]  }
0x28: {  	s2 =	sld [smem:$0x3F93]  }
0x29: {  	s4 =	sld [smem:$0x3F95]  }
0x2a: {  	p0 =	seq.s32 s5, $0x0;
	s5 =	sld [smem:$0x3F96]  }
0x2b: {  	s6 =	sld [smem:$0x3F97]  }
0x2c: {  	s7 =	sld [smem:$0x3F98]  }
0x2d: {  	s3 =	simm.s32 $0x108;
	s8 =	sld [smem:$0x3F99]  }
0x2e: {  	s3 =	simm.s32 @!p0 $0x1082;
	s9 =	sld [smem:$0x3F9A]  }
0x2f: {  	lr =	sadd.s32 s0, s3;
	s0 =	sld [smem:$0x3F91]  }
0x30: {  	s3 =	sld [smem:$0x3F94]  }
0x31: {  	[smem:$0x3F9D] =	sst s10  }
0x32: {  	s10 =	sld [smem:$0x3F9B];
	_ =	sdelay $0x3  }
0x33: {  	p0 =	seq.s32 s10, $0x1;
	s10 =	sld [smem:$0x3F9D];
	_ =	sdelay $0x3  }
0x34: {  	[smem:$0x3F9D] =	sst s10  }
0x35: {  	s10 =	sld [smem:$0x3F9C];
	_ =	sdelay $0x3  }
0x36: {  	p1 =	seq.s32 s10, $0x1;
	s10 =	sld [smem:$0x3F9D];
	_ =	sdelay $0x3  }
0x37: {  	[smem:$0x3F9D] =	sst s10  }
0x38: {  	s10 =	sld [smem:$0x3F9E]  }
0x39: {  	_ = 	snop;
	(pc) =	sbr.ind lr, $3  }
0x3a: {  	_ = 	snop  }
0x3b: {  	_ = 	snop  }
0x3c: {  	p2 =	seq.s32 s10, $0x1;
	s10 =	sld [smem:$0x3F9D]  }
0x3d: {  	_ =	shalt  }
0x3e: {  	_ =	shalt  }
0x3f: {  	_ =	shalt  }
0x40: {  	_ =	shalt  }
0x41: {  	_ =	shalt  }
0x42: {  	_ =	shalt  }
0x43: {  	_ =	shalt  }
0x44: {  	_ =	shalt  }
0x45: {  	_ =	shalt  }
0x46: {  	_ =	shalt  }
0x47: {  	_ =	shalt  }
0x48: {  	_ =	shalt  }
0x49: {  	_ =	shalt  }
0x4a: {  	_ =	shalt  }
0x4b: {  	_ =	shalt  }
0x4c: {  	_ =	shalt  }
0x4d: {  	_ =	shalt  }
0x4e: {  	_ =	shalt  }
0x4f: {  	_ =	shalt  }
0x50: {  	_ =	shalt  }
0x51: {  	_ =	shalt  }
0x52: {  	_ =	shalt  }
0x53: {  	_ =	shalt  }
0x54: {  	_ =	shalt  }
0x55: {  	_ =	shalt  }
0x56: {  	_ =	shalt  }
0x57: {  	_ =	shalt  }
0x58: {  	_ =	shalt  }
0x59: {  	_ =	shalt  }
0x5a: {  	_ =	shalt  }
0x5b: {  	_ =	shalt  }
0x5c: {  	_ =	shalt  }
0x5d: {  	_ =	shalt  }
0x5e: {  	_ =	shalt  }
0x5f: {  	_ =	shalt  }
0x60: {  	_ =	shalt  }
0x61: {  	_ =	shalt  }
0x62: {  	_ =	shalt  }
0x63: {  	_ =	shalt  }
0x64: {  	_ =	shalt  }
0x65: {  	_ =	shalt  }
0x66: {  	_ =	shalt  }
0x67: {  	_ =	shalt  }
0x68: {  	_ =	shalt  }
0x69: {  	_ =	shalt  }
0x6a: {  	_ =	shalt  }
0x6b: {  	_ =	shalt  }
0x6c: {  	_ =	shalt  }
0x6d: {  	_ =	shalt  }
0x6e: {  	_ =	shalt  }
0x6f: {  	_ =	shalt  }
0x70: {  	_ =	shalt  }
0x71: {  	_ =	shalt  }
0x72: {  	_ =	shalt  }
0x73: {  	_ =	shalt  }
0x74: {  	_ =	shalt  }
0x75: {  	_ =	shalt  }
0x76: {  	_ =	shalt  }
0x77: {  	_ =	shalt  }
0x78: {  	_ =	shalt  }
0x79: {  	_ =	shalt  }
0x7a: {  	_ =	shalt  }
0x7b: {  	_ =	shalt  }
0x7c: {  	_ =	shalt  }
0x7d: {  	_ =	shalt  }
0x7e: {  	_ =	shalt  }
0x7f: {  	_ =	shalt  }
0x80: {  	_ =	shalt  }
0x81: {  	_ =	shalt  }
0x82: {  	_ =	shalt  }
0x83: {  	_ =	shalt  }
0x84: {  	_ =	shalt  }
0x85: {  	_ =	shalt  }
0x86: {  	_ =	shalt  }
0x87: {  	_ =	shalt  }
.Lfunc_end0:
.L_simem_size_0:
called_computation.2_lowered:
.L_overlay_start_0:
0x88: {  	s2 =	sld [smem:$0x3FD9]  }
0x89: {  	s3 =	sld [smem:$0x3FFE];
	_ =	sdelay $0x1  }
0x8a: {  	s1 =	srdreg.scid  }
0x8b: {  	s0 =	sand.u32 $0x1, s1  }
0x8c: {  	s16 =	sshll.u32 s0, $0xA;
	s2 =	sadd.s32 s3, s2  }
0x8d: {  	s2 =	sadd.s32 s2, s16  }
0x8e: {  	[smem:$0x3FA9] =	sst s2  }
0x8f: {  	_ = 	snop  }
0x90: {  	(tm) =	ssettm $0x1  }
0x91: {  	s17 =	sld [smem:$0x3FFB];
	_ =	sdelay $0x3  }
0x92: {  	_ =	strace s17  }
0x93: {  	s2 =	sld [smem:$0x3FFC];
	_ =	sdelay $0x3  }
0x94: {  	_ =	strace s2  }
0x95: {  	s2 =	sld [smem:$0x3FFD];
	_ =	sdelay $0x3  }
0x96: {  	_ =	strace s2  }
0x97: {  	_ =	strace $0x8FFFFFFF  }
0x98: {  	s18 =	sld [smem:$0x3FDB];
	_ =	sdelay $0x1  }
0x99: {  	s19 =	simm.s32 $_scs_section_size  }
0x9a: {  	s4 =	simm.s32 $_size__tile_overlayer_lowered;
	s5 =	simm.s32 $_tile_overlayer_lowered  }
0x9b: {  	s22 =	simm.s32 $0x1BFF;
	s21 =	sshll.u32 s5, $0x1;
	s2 =	sadd.s32 s19, s18  }
0x9c: {  	s6 =	simm.s32 $0x0;
	s20 =	sshll.u32 s4, $0x1;
	s4 =	sadd.s32 s21, s2  }
0x9d: {  	[timem:s6], [sflag:s22] =	dma.local [hbm:s4], s20  }
0x9e: {  	_ =	swait.ge [sflag:s22], s20  }
0x9f: {  	s3 =	ssub.s32 $0x0, s20;
	[sflag:s22] =	ssyncset.done $0x0  }
0xa0: {  	[sflag:s22] =	ssyncadd.s32 s3;
	_ =	sdelay $0x1  }
0xa1: {  	s23 =	simm.s32 $0x1B8B  }
0xa2: {  	_ =	swait.ge [sflag:s23], $0x1  }
0xa3: {  	[sflag:s23] =	ssyncset.done $0x0  }
0xa4: {  	s25 =	simm.s32 $0x1B8E;
	s24 =	sld [smem:$0x3FFE];
	[sflag:s23] =	ssyncadd.s32 $0xFFFFFFFF  }
0xa5: {  	s26 =	simm.s32 $execute0_lowered;
	[smem:$0x3FD2] =	sst s25  }
0xa6: {  	s4 =	sshll.u32 s26, $0x1;
	_ =	strace $0x8000004C;
	[dreg:$0x1] =	wrdreg $0xFFFFFFFF  }
0xa7: {  	s28 =	simm.s32 $_size_execute0_lowered;
	s2 =	sadd.s32 s2, s4;
	[dreg:$0x0] =	wrdreg $0x0  }
0xa8: {  	s4 =	sshll.u32 s28, $0x1;
	[dreg:$0x2] =	wrdreg s2  }
0xa9: {  	[dreg:$0x3] =	wrdreg s4  }
0xaa: {  	[dreg:$0x4] =	wrdreg $0xC0  }
0xab: {  	_ =	task [dreg:s6], $0x5FFFF  }
0xac: {  	[dreg:$0x1] =	wrdreg $0xFFFFFFFF  }
0xad: {  	[dreg:$0x0] =	wrdreg $0x60  }
0xae: {  	[dreg:$0x2] =	wrdreg s24  }
0xaf: {  	[dreg:$0x3] =	wrdreg $0x150000  }
0xb0: {  	[dreg:$0x4] =	wrdreg $0x1A0000  }
0xb1: {  	[dreg:$0x5] =	wrdreg $0x9  }
0xb2: {  	_ =	task.clear_ibuf [dreg:s6], $0x6FFFF;
	_ =	strace $0x9000004C  }
0xb3: {  	s29 =	simm.s32 $0x9;
	_ =	strace $0x8000004E  }
0xb4: {  	_ =	swait.ge [sflag:s29], $0x1  }
0xb5: {  	[sflag:s29] =	ssyncadd.s32 $0xFFFFFFFF  }
0xb6: {  	_ =	strace $0x9000004E  }
0xb7: {  	_ =	sfence  }
0xb8: {  	s30 =	sld [smem:$0x0];
	_ =	sdelay $0x2  }
0xb9: {  	s31 =	sshll.u32 s1, $0xD;
	s1 =	sshrl.u32 s1, $0x2  }
0xba: {  	s3 =	sand.u32 $0x4000, s31;
	s1 =	sadd.s32 s1, s30  }
0xbb: {  	s0 =	sor.u32 s3, s0;
	s1 =	sshll.u32 s1, $0x11  }
0xbc: {  	s0 =	sor.u32 s1, s0  }
0xbd: {  	s0 =	sadd.s32 $0x8F2B, s0  }
0xbe: {  	[sflag:s0] =	ssyncadd.remote.s32 $0x1  }
0xbf: {  	_ =	sfence.sel $0xFFFF  }
0xc0: {  	[dreg:$0x0] =	wrdreg $0xFFFFFFFF;
	(pc) =	sbr.abs _section_cstart, $3  }
0xc1: {  	[dreg:$0x1] =	wrdreg $0xFFFFFFFF  }
0xc2: {  	_ =	task.clear_ibuf [dreg:s6], $0x2FFFF;
	_ =	strace $0x9FFFFFFF  }
0xc3: {  	(tm) =	ssettm $0x7FFFFFFF  }
tec
execute0_lowered:
.L_overlay_start_1:
0x0: {  	(tag) =	ssettag $0x1  }
0x1: {  	s5 =	rddreg [dreg:$0x0]  }
0x2: {  	s2 =	rddreg [dreg:$0x1]  }
0x3: {  	s3 =	rddreg [dreg:$0x2]  }
0x4: {  	s0 =	rddreg [dreg:$0x3]  }
0x5: {  	s1 =	stileid.u32;
	s6 =	srdreg.scid  }
0x6: {  	s4 =	simm.s32 $0x0;
	s16 =	simm.s32 $0x1;
	s17 =	simm.s32 $0x400  }
0x7: {  	s18 =	simm.s32 $0x4C00;
	s20 =	simm.s32 $0x3;
	s21 =	simm.s32 $0x0  }
0x8: {  	s7 =	smul.u32 $0x5000, s1;
	s6 =	sand.u32 $0x1, s6;
	[smem:$0x7FF] =	sst s4  }
0x9: {  	s19 =	sshll.u32 s1, $0x6;
	s8 =	sshll.u32 s6, $0x4;
	s9 =	smul.u32 $0x50000, s6  }
0xa: {  	_ =	strace $0x8000004D;
	s6 =	ssub.s32 $0x2, s6;
	s8 =	sor.u32 s1, s8  }
0xb: {  	s10 =	sshrl.u32 s7, $0x3;
	s31 =	sshrl.u32 s6, $0x1;
	s14 =	sadd.s32 s7, s2  }
0xc: {  	s15 =	sadd.s32 s7, s3;
	s8 =	smul.u32 $0x500, s8;
	s9 =	sadd.s32 s7, s9  }
0xd: {  	s10 =	sadd.s32 s10, s5;
	s13 =	ssub.s32 s6, s31;
	s6 =	sor.u32 $0x1C02, s19  }
.Ltmp0:
0xe: {  	s19 =	sor.u32 $0x1C03, s19;
	s9 =	sshrl.u32 s9, $0x3;
	(pc) =	sbr.rel .LBB2_1-.Ltmp0, $4  }
0xf: {  	s7 =	sadd.s32 $0x5800, s10;
	s11 =	sadd.s32 s8, s5;
	s12 =	sadd.s32 s9, s5  }
0x10: {  	s5 =	sadd.s32 $0x23800, s10;
	s8 =	sadd.s32 $0xF800, s11;
	s9 =	sadd.s32 $0x19800, s11  }
0x11: {  	s10 =	sadd.s32 $0x2D800, s12;
	s11 =	smax.u32 s13, $0x1;
	s12 =	sshrl.u32 s14, $0x3  }
0x12: {  	s13 =	sshrl.u32 s15, $0x3;
	s14 =	simm.s32 $0x2;
	s15 =	simm.s32 $0x5000  }
.LBB2_4:
0x13: {  	[spmem:s2] =	stream.indirect.scatter.add.f32 [tilespmem:s25], [sflag:$0x2], $0x20, s18, s17, $0xb8;
	[tilespmem:$0x1F000] =	vst v63  }
0x14: {  	_ =	swait.ge [sflag:s14], $0x8000  }
0x15: {  	s21 =	sadd.s32 $0x1, s21;
	[sflag:s14] =	ssyncset.done $0x0  }
0x16: {  	p0 =	sne.s32 s21, s11;
	[sflag:s14] =	ssyncadd.s32 $0xFFFF8000  }
.Ltmp1:
0x17: {  	[bflag:$0x0] =	sbarrier.arrive $0xFFFF;
	(pc) =	sbr.rel @!p0 .LBB2_5-.Ltmp1, $4  }
0x18: {  	[hbm:s10], [sflag:s19] =	dma.local [spmem:s12], $0xA00  }
0x19: {  	_ =	swait.ge [sflag:s20], $0xA00  }
0x1a: {  	[sflag:s20] =	ssyncset.done $0x0  }
0x1b: {  	[sflag:s20] =	ssyncadd.s32 $0xFFFFF600  }
.LBB2_1:
0x1c: {  	[spmem:s12], [sflag:s6] =	dma.local [hbm:s5], $0xA00  }
0x1d: {  	[spmem:s13], [sflag:s6] =	dma.local [hbm:s7], $0xA00  }
0x1e: {  	[tilespmem:s4], [sflag:$0x2] =	stream.linear.gather [hbm4b:s8+s4], $0x2800, $0x38;
	[tilespmem:$0x1F000] =	vst v63  }
0x1f: {  	s22 =	simm.s32 $0x2800  }
0x20: {  	[tilespmem:s22], [sflag:$0x2] =	stream.linear.gather [hbm4b:s9+s4], $0x2800, $0x38;
	[tilespmem:$0x1F000] =	vst v63  }
0x21: {  	_ =	swait.ge [sflag:s14], $0xA00  }
0x22: {  	[sflag:s14] =	ssyncset.done $0x0  }
0x23: {  	[sflag:s14] =	ssyncadd.s32 $0xFFFFF600  }
0x24: {  	_ =	swait.ge [sflag:s14], $0xA00  }
0x25: {  	[sflag:s14] =	ssyncset.done $0x0  }
0x26: {  	[sflag:s14] =	ssyncadd.s32 $0xFFFFF600  }
0x27: {  	_ =	swait.ge [sflag:s14], $0x2800  }
0x28: {  	[sflag:s14] =	ssyncset.done $0x0  }
0x29: {  	[sflag:s14] =	ssyncadd.s32 $0xFFFFD800  }
0x2a: {  	_ =	swait.ge [sflag:s14], $0x2800  }
0x2b: {  	[sflag:s14] =	ssyncset.done $0x0  }
0x2c: {  	[sflag:s14] =	ssyncadd.s32 $0xFFFFD800  }
0x2d: {  	s23 =	simm.s32 $0x0;
	s24 =	simm.s32 $0x400;
	[bflag:$0x0] =	sbarrier.arrive $0xFFFF  }
0x2e: {  	[tilespmem:s15], [sflag:$0x1] =	stream.indirect.gather [spmem:s3], $0x20, s4, s17, $0xb8;
	[tilespmem:$0x1F000] =	vst v63  }
.LBB2_2:
0x2f: {  	p0 =	seq.s32 s23, $0x0  }
0x30: {  	p1 =	seq.s32 @!p0 s23, $0x9  }
0x31: {  	_ =	swait.ge [sflag:s16], $0x8000;
	p1 =	por p0, !p1  }
.Ltmp2:
0x32: {  	[sflag:s16] =	ssyncset.done $0x0;
	(pc) =	sbr.rel @!p1 .LBB2_4-.Ltmp2, $4  }
0x33: {  	s28 =	simm.s32 @!p0 $0x2;
	[sflag:s16] =	ssyncadd.s32 $0xFFFF8000  }
0x34: {  	s25 =	sand.u32 $0x1, s23;
	_ =	swait.ge @!p0 [sflag:s28], $0x8000  }
0x35: {  	s26 =	sshll.u32 s25, $0xF;
	[sflag:s28] =	ssyncset.done @!p0 $0x0  }
0x36: {  	s25 =	sor.u32 $0x5000, s26;
	[sflag:s28] =	ssyncadd.s32 @!p0 $0xFFFF8000  }
.Ltmp3:
0x37: {  	s26 =	sxor.u32 $0xD000, s26;
	(pc) =	sbr.rel .LBB2_2-.Ltmp3, $4  }
0x38: {  	[tilespmem:s26], [sflag:$0x1] =	stream.indirect.gather [spmem:s3], $0x20, s24, s17, $0xb8;
	[tilespmem:$0x1F000] =	vst v63  }
0x39: {  	_ = 	snop  }
0x3a: {  	[spmem:s2] =	stream.indirect.scatter.add.f32 [tilespmem:s25], [sflag:$0x2], $0x20, s22, s17, $0xb8;
	[tilespmem:$0x1F000] =	vst v63  }
0x3b: {  	s23 =	sadd.s32 $0x1, s23;
	s24 =	sadd.s32 $0x400, s24;
	s22 =	sadd.s32 $0x400, s22  }
.LBB2_5:
0x3c: {  	_ =	sfence.sel $0x180000  }
0x3d: {  	[bflag:$0x0] =	sbarrier.arrive $0xFFFF  }
0x3e: {  	p0 =	sne.s32 s1, $0x0;
	_ =	strace $0x9000004D  }
0x3f: {  	s0 =	sadd.s32 @!p0 $0x100000, s0;
	[bflag:$0x2] =	sbarrier.arrive $0xFFFF  }
0x40: {  	[sflag:s0] =	ssyncadd.tile.s32 @!p0 $0x1;
	_ =	shalt  }
.Lfunc_end2:
_tile_overlayer_lowered:
.L_overlay_start_2:
0x41: {  	(tag) =	ssettag $0x2  }
0x42: {  	s0 =	rddreg [dreg:$0x0];
	s2 =	stileid.u32  }
0x43: {  	s1 =	rddreg [dreg:$0x1];
	p0 =	sne.s32 s2, $0x0  }
0x44: {  	s3 =	rddreg [dreg:$0x2];
	[bflag:$0x3] =	sbarrier.arrive $0xFFFF;
	s2 =	simm.s32 @!p0 $0x1C03  }
0x45: {  	[timem:s3], [sflag:s2] =	dma.local @!p0 [hbm:s0], s1  }
0x46: {  	s0 =	simm.s32 @!p0 $0x3  }
0x47: {  	_ =	swait.ge @!p0 [sflag:s0], s1  }
0x48: {  	s1 =	ssub.s32 @!p0 $0x0, s1;
	[sflag:s0] =	ssyncset.done @!p0 $0x0  }
0x49: {  	[sflag:s0] =	ssyncadd.s32 @!p0 s1  }
0x4a: {  	[bflag:$0x3] =	sbarrier.arrive $0xFFFF  }
0x4b: {  	_ =	shalt  }

// kernel: kernel.20.cloned.1.call-start
scs
__scs_entry_jumppad:
0x0: {  	(pc) =	sbr.rel $0x88, $3  }
0x1: {  	(tag) =	ssettag $0x0;
	lr =	simm.s32 $0x1  }
0x2: {  	[smem:$0x3F82] =	sst lr;
	_ =	strace $0xD0000000  }
0x3: {  	_ = 	snop  }
0x4: {  	_ = 	snop  }
0x5: {  	_ = 	snop  }
0x6: {  	_ = 	snop  }
0x7: {  	_ = 	snop  }
__scs_overlays_trampoline_lowered:
0x8: {  	[smem:$0x3F91] =	sst s0  }
0x9: {  	[smem:$0x3F92] =	sst s1  }
0xa: {  	[smem:$0x3F93] =	sst s2  }
0xb: {  	[smem:$0x3F94] =	sst s3  }
0xc: {  	[smem:$0x3F95] =	sst s4  }
0xd: {  	[smem:$0x3F96] =	sst s5  }
0xe: {  	[smem:$0x3F97] =	sst s6  }
0xf: {  	[smem:$0x3F98] =	sst s7  }
0x10: {  	[smem:$0x3F99] =	sst s8  }
0x11: {  	[smem:$0x3F9A] =	sst s9;
	s0 =	simm.s32 @!p0 $0x0  }
0x12: {  	s1 =	sld [smem:$0x3F80];
	s0 =	simm.s32 @p0 $0x1  }
0x13: {  	[smem:$0x3F9B] =	sst s0;
	s0 =	simm.s32 @!p1 $0x0  }
0x14: {  	s2 =	sld [smem:$0x3F7F];
	s0 =	simm.s32 @p1 $0x1  }
0x15: {  	[smem:$0x3F9C] =	sst s0;
	s0 =	simm.s32 @!p2 $0x0  }
0x16: {  	s3 =	sld [smem:$0x3FDB];
	s0 =	simm.s32 @p2 $0x1  }
0x17: {  	s4 =	simm.s32 $0x1BF5;
	[smem:$0x3F9E] =	sst s0  }
0x18: {  	s0 =	sld [smem:$0x3F81];
	_ =	swait.ge [sflag:s4], $0x0  }
0x19: {  	s7 =	sld [smem:$0x3F82]  }
0x1a: {  	s8 =	sadd.s32 $0xFFFFE003, lr  }
0x1b: {  	s9 =	sadd.s32 $0xFFFFFEF7, lr;
	s5 =	simm.s32 $0xFFFFFFFF;
	p2 =	slt.u32 s8, $0xFFFFF086  }
0x1c: {  	p1 =	slt.u32 s9, $0xF7A;
	s5 =	simm.s32 @!p2 $0x0  }
0x1d: {  	s5 =	simm.s32 @p1 $0x1;
	p0 =	seq.s32 s7, s2  }
0x1e: {  	s7 =	smul.u32 @!p0 $0xF7A, s2;
	p2 =	seq.s32 @!p0 s5, $0x0  }
0x1f: {  	s9 =	smul.u32 $0xF7A, s1;
	s8 =	simm.s32 @!p0 $0x1BF5;
	p2 =	por !p2, p0  }
0x20: {  	[sflag:s8] =	ssyncset.s32 @!p0 $0xFFFFF086;
	s6 =	sadd.s32 @!p0 s3, s7;
	s7 =	simm.s32 @!p0 $0x108  }
0x21: {  	s3 =	sadd.s32 s3, s9;
	s6 =	sadd.s32 @!p0 $0x88, s6;
	s7 =	simm.s32 @p2 $0x1082  }
0x22: {  	[simem:s7], [sflag:s8] =	dma.local @!p0 [hbm:s6], $0xF7A  }
0x23: {  	s9 =	sor.u32 $0xD0000000, s2;
	s6 =	simm.s32 $0x108;
	_ =	swait.ge @!p0 [sflag:s8], $0x0  }
0x24: {  	s3 =	sadd.s32 $0x88, s3;
	s6 =	simm.s32 @!p1 $0x1082;
	[sflag:s4] =	ssyncset.s32 $0xFFFFF086  }
0x25: {  	[simem:s6], [sflag:s4] =	dma.local [hbm:s3], $0xF7A  }
0x26: {  	[smem:$0x3F82] =	sst s1;
	(tag) =	ssettag s2;
	_ =	strace s9  }
0x27: {  	s1 =	sld [smem:$0x3F92]  }
0x28: {  	s2 =	sld [smem:$0x3F93]  }
0x29: {  	s4 =	sld [smem:$0x3F95]  }
0x2a: {  	p0 =	seq.s32 s5, $0x0;
	s5 =	sld [smem:$0x3F96]  }
0x2b: {  	s6 =	sld [smem:$0x3F97]  }
0x2c: {  	s7 =	sld [smem:$0x3F98]  }
0x2d: {  	s3 =	simm.s32 $0x108;
	s8 =	sld [smem:$0x3F99]  }
0x2e: {  	s3 =	simm.s32 @!p0 $0x1082;
	s9 =	sld [smem:$0x3F9A]  }
0x2f: {  	lr =	sadd.s32 s0, s3;
	s0 =	sld [smem:$0x3F91]  }
0x30: {  	s3 =	sld [smem:$0x3F94]  }
0x31: {  	[smem:$0x3F9D] =	sst s10  }
0x32: {  	s10 =	sld [smem:$0x3F9B];
	_ =	sdelay $0x3  }
0x33: {  	p0 =	seq.s32 s10, $0x1;
	s10 =	sld [smem:$0x3F9D];
	_ =	sdelay $0x3  }
0x34: {  	[smem:$0x3F9D] =	sst s10  }
0x35: {  	s10 =	sld [smem:$0x3F9C];
	_ =	sdelay $0x3  }
0x36: {  	p1 =	seq.s32 s10, $0x1;
	s10 =	sld [smem:$0x3F9D];
	_ =	sdelay $0x3  }
0x37: {  	[smem:$0x3F9D] =	sst s10  }
0x38: {  	s10 =	sld [smem:$0x3F9E]  }
0x39: {  	_ = 	snop;
	(pc) =	sbr.ind lr, $3  }
0x3a: {  	_ = 	snop  }
0x3b: {  	_ = 	snop  }
0x3c: {  	p2 =	seq.s32 s10, $0x1;
	s10 =	sld [smem:$0x3F9D]  }
0x3d: {  	_ =	shalt  }
0x3e: {  	_ =	shalt  }
0x3f: {  	_ =	shalt  }
0x40: {  	_ =	shalt  }
0x41: {  	_ =	shalt  }
0x42: {  	_ =	shalt  }
0x43: {  	_ =	shalt  }
0x44: {  	_ =	shalt  }
0x45: {  	_ =	shalt  }
0x46: {  	_ =	shalt  }
0x47: {  	_ =	shalt  }
0x48: {  	_ =	shalt  }
0x49: {  	_ =	shalt  }
0x4a: {  	_ =	shalt  }
0x4b: {  	_ =	shalt  }
0x4c: {  	_ =	shalt  }
0x4d: {  	_ =	shalt  }
0x4e: {  	_ =	shalt  }
0x4f: {  	_ =	shalt  }
0x50: {  	_ =	shalt  }
0x51: {  	_ =	shalt  }
0x52: {  	_ =	shalt  }
0x53: {  	_ =	shalt  }
0x54: {  	_ =	shalt  }
0x55: {  	_ =	shalt  }
0x56: {  	_ =	shalt  }
0x57: {  	_ =	shalt  }
0x58: {  	_ =	shalt  }
0x59: {  	_ =	shalt  }
0x5a: {  	_ =	shalt  }
0x5b: {  	_ =	shalt  }
0x5c: {  	_ =	shalt  }
0x5d: {  	_ =	shalt  }
0x5e: {  	_ =	shalt  }
0x5f: {  	_ =	shalt  }
0x60: {  	_ =	shalt  }
0x61: {  	_ =	shalt  }
0x62: {  	_ =	shalt  }
0x63: {  	_ =	shalt  }
0x64: {  	_ =	shalt  }
0x65: {  	_ =	shalt  }
0x66: {  	_ =	shalt  }
0x67: {  	_ =	shalt  }
0x68: {  	_ =	shalt  }
0x69: {  	_ =	shalt  }
0x6a: {  	_ =	shalt  }
0x6b: {  	_ =	shalt  }
0x6c: {  	_ =	shalt  }
0x6d: {  	_ =	shalt  }
0x6e: {  	_ =	shalt  }
0x6f: {  	_ =	shalt  }
0x70: {  	_ =	shalt  }
0x71: {  	_ =	shalt  }
0x72: {  	_ =	shalt  }
0x73: {  	_ =	shalt  }
0x74: {  	_ =	shalt  }
0x75: {  	_ =	shalt  }
0x76: {  	_ =	shalt  }
0x77: {  	_ =	shalt  }
0x78: {  	_ =	shalt  }
0x79: {  	_ =	shalt  }
0x7a: {  	_ =	shalt  }
0x7b: {  	_ =	shalt  }
0x7c: {  	_ =	shalt  }
0x7d: {  	_ =	shalt  }
0x7e: {  	_ =	shalt  }
0x7f: {  	_ =	shalt  }
0x80: {  	_ =	shalt  }
0x81: {  	_ =	shalt  }
0x82: {  	_ =	shalt  }
0x83: {  	_ =	shalt  }
0x84: {  	_ =	shalt  }
0x85: {  	_ =	shalt  }
0x86: {  	_ =	shalt  }
0x87: {  	_ =	shalt  }
.Lfunc_end0:
.L_simem_size_0:
called_computation.3_lowered:
.L_overlay_start_0:
0x88: {  	s2 =	sld [smem:$0x3FD9]  }
0x89: {  	s3 =	sld [smem:$0x3FFE];
	_ =	sdelay $0x1  }
0x8a: {  	s1 =	srdreg.scid  }
0x8b: {  	s0 =	sand.u32 $0x1, s1  }
0x8c: {  	s16 =	sshll.u32 s0, $0xA;
	s2 =	sadd.s32 s3, s2  }
0x8d: {  	s2 =	sadd.s32 s2, s16  }
0x8e: {  	[smem:$0x3FA9] =	sst s2  }
0x8f: {  	_ = 	snop  }
0x90: {  	(tm) =	ssettm $0x1  }
0x91: {  	s17 =	sld [smem:$0x3FFB];
	_ =	sdelay $0x3  }
0x92: {  	_ =	strace s17  }
0x93: {  	s2 =	sld [smem:$0x3FFC];
	_ =	sdelay $0x3  }
0x94: {  	_ =	strace s2  }
0x95: {  	s2 =	sld [smem:$0x3FFD];
	_ =	sdelay $0x3  }
0x96: {  	_ =	strace s2  }
0x97: {  	_ =	strace $0x8FFFFFFF  }
0x98: {  	s18 =	sld [smem:$0x3FDB];
	_ =	sdelay $0x1  }
0x99: {  	s19 =	simm.s32 $_scs_section_size  }
0x9a: {  	s4 =	simm.s32 $_size__tile_overlayer_lowered;
	s5 =	simm.s32 $_tile_overlayer_lowered  }
0x9b: {  	s22 =	simm.s32 $0x1BFF;
	s21 =	sshll.u32 s5, $0x1;
	s2 =	sadd.s32 s19, s18  }
0x9c: {  	s6 =	simm.s32 $0x0;
	s20 =	sshll.u32 s4, $0x1;
	s4 =	sadd.s32 s21, s2  }
0x9d: {  	[timem:s6], [sflag:s22] =	dma.local [hbm:s4], s20  }
0x9e: {  	_ =	swait.ge [sflag:s22], s20  }
0x9f: {  	s3 =	ssub.s32 $0x0, s20;
	[sflag:s22] =	ssyncset.done $0x0  }
0xa0: {  	[sflag:s22] =	ssyncadd.s32 s3;
	_ =	sdelay $0x1  }
0xa1: {  	s23 =	simm.s32 $0x1B8B  }
0xa2: {  	_ =	swait.ge [sflag:s23], $0x1  }
0xa3: {  	[sflag:s23] =	ssyncset.done $0x0  }
0xa4: {  	s25 =	simm.s32 $0x1B8E;
	s24 =	sld [smem:$0x3FFE];
	[sflag:s23] =	ssyncadd.s32 $0xFFFFFFFF  }
0xa5: {  	s26 =	simm.s32 $execute0_lowered;
	[smem:$0x3FD2] =	sst s25  }
0xa6: {  	s4 =	sshll.u32 s26, $0x1;
	_ =	strace $0x8000004F;
	[dreg:$0x1] =	wrdreg $0xFFFFFFFF  }
0xa7: {  	s28 =	simm.s32 $_size_execute0_lowered;
	s2 =	sadd.s32 s2, s4;
	[dreg:$0x0] =	wrdreg $0x0  }
0xa8: {  	s4 =	sshll.u32 s28, $0x1;
	[dreg:$0x2] =	wrdreg s2  }
0xa9: {  	[dreg:$0x3] =	wrdreg s4  }
0xaa: {  	[dreg:$0x4] =	wrdreg $0xC0  }
0xab: {  	_ =	task [dreg:s6], $0x5FFFF  }
0xac: {  	[dreg:$0x1] =	wrdreg $0xFFFFFFFF  }
0xad: {  	[dreg:$0x0] =	wrdreg $0x60  }
0xae: {  	[dreg:$0x2] =	wrdreg s24  }
0xaf: {  	[dreg:$0x3] =	wrdreg $0x150000  }
0xb0: {  	[dreg:$0x4] =	wrdreg $0x1A0000  }
0xb1: {  	[dreg:$0x5] =	wrdreg $0x9  }
0xb2: {  	_ =	task.clear_ibuf [dreg:s6], $0x6FFFF;
	_ =	strace $0x9000004F  }
0xb3: {  	s29 =	simm.s32 $0x9;
	_ =	strace $0x80000051  }
0xb4: {  	_ =	swait.ge [sflag:s29], $0x1  }
0xb5: {  	[sflag:s29] =	ssyncadd.s32 $0xFFFFFFFF  }
0xb6: {  	_ =	strace $0x90000051  }
0xb7: {  	_ =	sfence  }
0xb8: {  	s30 =	sld [smem:$0x0];
	_ =	sdelay $0x2  }
0xb9: {  	s31 =	sshll.u32 s1, $0xD;
	s1 =	sshrl.u32 s1, $0x2  }
0xba: {  	s3 =	sand.u32 $0x4000, s31;
	s1 =	sadd.s32 s1, s30  }
0xbb: {  	s0 =	sor.u32 s3, s0;
	s1 =	sshll.u32 s1, $0x11  }
0xbc: {  	s0 =	sor.u32 s1, s0  }
0xbd: {  	s0 =	sadd.s32 $0x8F2B, s0  }
0xbe: {  	[sflag:s0] =	ssyncadd.remote.s32 $0x1  }
0xbf: {  	_ =	sfence.sel $0xFFFF  }
0xc0: {  	[dreg:$0x0] =	wrdreg $0xFFFFFFFF;
	(pc) =	sbr.abs _section_cstart, $3  }
0xc1: {  	[dreg:$0x1] =	wrdreg $0xFFFFFFFF  }
0xc2: {  	_ =	task.clear_ibuf [dreg:s6], $0x2FFFF;
	_ =	strace $0x9FFFFFFF  }
0xc3: {  	(tm) =	ssettm $0x7FFFFFFF  }
tec
execute0_lowered:
.L_overlay_start_1:
0x0: {  	(tag) =	ssettag $0x1  }
0x1: {  	s5 =	rddreg [dreg:$0x0]  }
0x2: {  	s2 =	rddreg [dreg:$0x1]  }
0x3: {  	s3 =	rddreg [dreg:$0x2]  }
0x4: {  	s0 =	rddreg [dreg:$0x3]  }
0x5: {  	s1 =	stileid.u32;
	s6 =	srdreg.scid  }
0x6: {  	s4 =	simm.s32 $0x0;
	s16 =	simm.s32 $0x1;
	s17 =	simm.s32 $0x400  }
0x7: {  	s18 =	simm.s32 $0x4C00;
	s20 =	simm.s32 $0x3;
	s21 =	simm.s32 $0x0  }
0x8: {  	s7 =	smul.u32 $0x5000, s1;
	s6 =	sand.u32 $0x1, s6;
	[smem:$0x7FF] =	sst s4  }
0x9: {  	s19 =	sshll.u32 s1, $0x6;
	s8 =	sshll.u32 s6, $0x4;
	s9 =	smul.u32 $0x50000, s6  }
0xa: {  	_ =	strace $0x80000050;
	s6 =	ssub.s32 $0x2, s6;
	s8 =	sor.u32 s1, s8  }
0xb: {  	s10 =	sshrl.u32 s7, $0x3;
	s31 =	sshrl.u32 s6, $0x1;
	s14 =	sadd.s32 s7, s2  }
0xc: {  	s15 =	sadd.s32 s7, s3;
	s8 =	smul.u32 $0x500, s8;
	s9 =	sadd.s32 s7, s9  }
0xd: {  	s10 =	sadd.s32 s10, s5;
	s13 =	ssub.s32 s6, s31;
	s6 =	sor.u32 $0x1C02, s19  }
.Ltmp0:
0xe: {  	s19 =	sor.u32 $0x1C03, s19;
	s9 =	sshrl.u32 s9, $0x3;
	(pc) =	sbr.rel .LBB2_1-.Ltmp0, $4  }
0xf: {  	s7 =	sadd.s32 $0x5800, s10;
	s11 =	sadd.s32 s8, s5;
	s12 =	sadd.s32 s9, s5  }
0x10: {  	s5 =	sadd.s32 $0x23800, s10;
	s8 =	sadd.s32 $0xF800, s11;
	s9 =	sadd.s32 $0x19800, s11  }
0x11: {  	s10 =	sadd.s32 $0x2D800, s12;
	s11 =	smax.u32 s13, $0x1;
	s12 =	sshrl.u32 s14, $0x3  }
0x12: {  	s13 =	sshrl.u32 s15, $0x3;
	s14 =	simm.s32 $0x2;
	s15 =	simm.s32 $0x5000  }
.LBB2_4:
0x13: {  	[spmem:s2] =	stream.indirect.scatter.add.f32 [tilespmem:s25], [sflag:$0x2], $0x20, s18, s17, $0xb8;
	[tilespmem:$0x1F000] =	vst v63  }
0x14: {  	_ =	swait.ge [sflag:s14], $0x8000  }
0x15: {  	s21 =	sadd.s32 $0x1, s21;
	[sflag:s14] =	ssyncset.done $0x0  }
0x16: {  	p0 =	sne.s32 s21, s11;
	[sflag:s14] =	ssyncadd.s32 $0xFFFF8000  }
.Ltmp1:
0x17: {  	[bflag:$0x0] =	sbarrier.arrive $0xFFFF;
	(pc) =	sbr.rel @!p0 .LBB2_5-.Ltmp1, $4  }
0x18: {  	[hbm:s10], [sflag:s19] =	dma.local [spmem:s12], $0xA00  }
0x19: {  	_ =	swait.ge [sflag:s20], $0xA00  }
0x1a: {  	[sflag:s20] =	ssyncset.done $0x0  }
0x1b: {  	[sflag:s20] =	ssyncadd.s32 $0xFFFFF600  }
.LBB2_1:
0x1c: {  	[spmem:s12], [sflag:s6] =	dma.local [hbm:s5], $0xA00  }
0x1d: {  	[spmem:s13], [sflag:s6] =	dma.local [hbm:s7], $0xA00  }
0x1e: {  	[tilespmem:s4], [sflag:$0x2] =	stream.linear.gather [hbm4b:s8+s4], $0x2800, $0x38;
	[tilespmem:$0x1F000] =	vst v63  }
0x1f: {  	s22 =	simm.s32 $0x2800  }
0x20: {  	[tilespmem:s22], [sflag:$0x2] =	stream.linear.gather [hbm4b:s9+s4], $0x2800, $0x38;
	[tilespmem:$0x1F000] =	vst v63  }
0x21: {  	_ =	swait.ge [sflag:s14], $0xA00  }
0x22: {  	[sflag:s14] =	ssyncset.done $0x0  }
0x23: {  	[sflag:s14] =	ssyncadd.s32 $0xFFFFF600  }
0x24: {  	_ =	swait.ge [sflag:s14], $0xA00  }
0x25: {  	[sflag:s14] =	ssyncset.done $0x0  }
0x26: {  	[sflag:s14] =	ssyncadd.s32 $0xFFFFF600  }
0x27: {  	_ =	swait.ge [sflag:s14], $0x2800  }
0x28: {  	[sflag:s14] =	ssyncset.done $0x0  }
0x29: {  	[sflag:s14] =	ssyncadd.s32 $0xFFFFD800  }
0x2a: {  	_ =	swait.ge [sflag:s14], $0x2800  }
0x2b: {  	[sflag:s14] =	ssyncset.done $0x0  }
0x2c: {  	[sflag:s14] =	ssyncadd.s32 $0xFFFFD800  }
0x2d: {  	s23 =	simm.s32 $0x0;
	s24 =	simm.s32 $0x400;
	[bflag:$0x0] =	sbarrier.arrive $0xFFFF  }
0x2e: {  	[tilespmem:s15], [sflag:$0x1] =	stream.indirect.gather [spmem:s3], $0x20, s4, s17, $0xb8;
	[tilespmem:$0x1F000] =	vst v63  }
.LBB2_2:
0x2f: {  	p0 =	seq.s32 s23, $0x0  }
0x30: {  	p1 =	seq.s32 @!p0 s23, $0x9  }
0x31: {  	_ =	swait.ge [sflag:s16], $0x8000;
	p1 =	por p0, !p1  }
.Ltmp2:
0x32: {  	[sflag:s16] =	ssyncset.done $0x0;
	(pc) =	sbr.rel @!p1 .LBB2_4-.Ltmp2, $4  }
0x33: {  	s28 =	simm.s32 @!p0 $0x2;
	[sflag:s16] =	ssyncadd.s32 $0xFFFF8000  }
0x34: {  	s25 =	sand.u32 $0x1, s23;
	_ =	swait.ge @!p0 [sflag:s28], $0x8000  }
0x35: {  	s26 =	sshll.u32 s25, $0xF;
	[sflag:s28] =	ssyncset.done @!p0 $0x0  }
0x36: {  	s25 =	sor.u32 $0x5000, s26;
	[sflag:s28] =	ssyncadd.s32 @!p0 $0xFFFF8000  }
.Ltmp3:
0x37: {  	s26 =	sxor.u32 $0xD000, s26;
	(pc) =	sbr.rel .LBB2_2-.Ltmp3, $4  }
0x38: {  	[tilespmem:s26], [sflag:$0x1] =	stream.indirect.gather [spmem:s3], $0x20, s24, s17, $0xb8;
	[tilespmem:$0x1F000] =	vst v63  }
0x39: {  	_ = 	snop  }
0x3a: {  	[spmem:s2] =	stream.indirect.scatter.add.f32 [tilespmem:s25], [sflag:$0x2], $0x20, s22, s17, $0xb8;
	[tilespmem:$0x1F000] =	vst v63  }
0x3b: {  	s23 =	sadd.s32 $0x1, s23;
	s24 =	sadd.s32 $0x400, s24;
	s22 =	sadd.s32 $0x400, s22  }
.LBB2_5:
0x3c: {  	_ =	sfence.sel $0x180000  }
0x3d: {  	[bflag:$0x0] =	sbarrier.arrive $0xFFFF  }
0x3e: {  	p0 =	sne.s32 s1, $0x0;
	_ =	strace $0x90000050  }
0x3f: {  	s0 =	sadd.s32 @!p0 $0x100000, s0;
	[bflag:$0x2] =	sbarrier.arrive $0xFFFF  }
0x40: {  	[sflag:s0] =	ssyncadd.tile.s32 @!p0 $0x1;
	_ =	shalt  }
.Lfunc_end2:
_tile_overlayer_lowered:
.L_overlay_start_2:
0x41: {  	(tag) =	ssettag $0x2  }
0x42: {  	s0 =	rddreg [dreg:$0x0];
	s2 =	stileid.u32  }
0x43: {  	s1 =	rddreg [dreg:$0x1];
	p0 =	sne.s32 s2, $0x0  }
0x44: {  	s3 =	rddreg [dreg:$0x2];
	[bflag:$0x3] =	sbarrier.arrive $0xFFFF;
	s2 =	simm.s32 @!p0 $0x1C03  }
0x45: {  	[timem:s3], [sflag:s2] =	dma.local @!p0 [hbm:s0], s1  }
0x46: {  	s0 =	simm.s32 @!p0 $0x3  }
0x47: {  	_ =	swait.ge @!p0 [sflag:s0], s1  }
0x48: {  	s1 =	ssub.s32 @!p0 $0x0, s1;
	[sflag:s0] =	ssyncset.done @!p0 $0x0  }
0x49: {  	[sflag:s0] =	ssyncadd.s32 @!p0 s1  }
0x4a: {  	[bflag:$0x3] =	sbarrier.arrive $0xFFFF  }
0x4b: {  	_ =	shalt  }

</sc_bundles>
